<compile_context>
chip_gen: v7x
topology: tpu7x:2x2x1
jax: 0.10.2.dev20260603
libtpu: 0.0.44.dev20260713+nightly
codegen_flags: <defaults>
</compile_context>

<pallas_src>
import functools

import jax
import jax.numpy as jnp
from jax import lax
from jax.experimental import pallas as pl
from jax.experimental.pallas import tpu as pltpu
from jax.experimental.pallas import tpu_sc as plsc

NE = 8
TOPK = 2
S = 4096
A = TOPK * S
H = 1024
BLK = 256
FB = 512
NB = 40
RP = NB * BLK
NW = 32
NT = 16
GCH = 80
CCH = 32
SCH = 128
APT = A // NT
ZPT = RP // NT


def _scan_cols(a):
    ne, n = a.shape
    g = n // 128
    a3 = a.reshape(ne, g, 128).astype(jnp.float32)
    tinc = (lax.broadcasted_iota(jnp.int32, (128, 128), 0)
            <= lax.broadcasted_iota(jnp.int32, (128, 128), 1)
            ).astype(jnp.float32)
    inc = lax.dot_general(a3, tinc, (((2,), (0,)), ((), ())),
                          preferred_element_type=jnp.float32)
    gs = jnp.sum(a3, axis=2)
    texc = (lax.broadcasted_iota(jnp.int32, (g, g), 0)
            < lax.broadcasted_iota(jnp.int32, (g, g), 1)).astype(jnp.float32)
    gx = lax.dot_general(gs, texc, (((1,), (0,)), ((), ())),
                         preferred_element_type=jnp.float32)
    out = inc + jnp.expand_dims(gx, 2)
    return out.reshape(ne, n).astype(jnp.int32)


def _router_body(x_ref, gw_ref, logits_ref, pos_ref, w_ref, meta_ref):
    x = x_ref[...]
    gw = gw_ref[...]
    logits_ref[...] = lax.dot_general(x, gw, (((1,), (1,)), ((), ())),
                                      preferred_element_type=jnp.float32)
    lt = lax.dot_general(gw, x, (((1,), (1,)), ((), ())),
                         preferred_element_type=jnp.float32)
    m = jnp.max(lt, axis=0, keepdims=True)
    e = jnp.exp(lt - m)
    p = e / jnp.sum(e, axis=0, keepdims=True)
    iota_e = lax.broadcasted_iota(jnp.int32, p.shape, 0)
    v0 = jnp.max(p, axis=0, keepdims=True)
    i0 = jnp.min(jnp.where(p == v0, iota_e, NE), axis=0, keepdims=True)
    p2 = jnp.where(iota_e == i0, -1.0, p)
    v1 = jnp.max(p2, axis=0, keepdims=True)
    i1 = jnp.min(jnp.where(p2 == v1, iota_e, NE), axis=0, keepdims=True)
    s = v0 + v1

    oh0 = (iota_e == i0).astype(jnp.int32)
    oh1 = (iota_e == i1).astype(jnp.int32)
    c0 = _scan_cols(oh0)
    c1 = _scan_cols(oh1)
    rank0 = jnp.sum((c0 - oh0) * oh0, axis=0, keepdims=True)
    rank1 = jnp.sum((c1 - oh1) * oh1, axis=0, keepdims=True)
    counts0 = lax.slice(c0, (0, S - 1), (NE, S))
    counts1 = lax.slice(c1, (0, S - 1), (NE, S))
    counts = counts0 + counts1
    padded = ((counts + BLK - 1) // BLK) * BLK
    tril = (lax.broadcasted_iota(jnp.int32, (NE, NE), 1)
            <= lax.broadcasted_iota(jnp.int32, (NE, NE), 0)).astype(jnp.float32)
    off_end = lax.dot_general(tril, padded.astype(jnp.float32),
                              (((1,), (0,)), ((), ())),
                              preferred_element_type=jnp.float32
                              ).astype(jnp.int32)
    off = off_end - padded
    pos0 = jnp.sum(oh0 * off, axis=0, keepdims=True) + rank0
    pos1 = jnp.sum(oh1 * (off + counts0), axis=0, keepdims=True) + rank1
    pos_row = jnp.concatenate([pos0, pos1], axis=1)
    pos_ref[...] = jnp.concatenate(
        [pos_row, jnp.zeros((NE - 1, A), jnp.int32)], axis=0)
    w_row = jnp.concatenate([v0 / s, v1 / s], axis=1)
    w_ref[...] = jnp.concatenate(
        [w_row, jnp.zeros((NE - 1, A), jnp.float32)], axis=0)

    n_used = lax.slice(off_end, (NE - 1, 0), (NE, 1)) // BLK
    bcmp = lax.broadcasted_iota(jnp.int32, (NE, NB), 1) * BLK
    be_raw = jnp.minimum(
        jnp.sum((bcmp >= off_end).astype(jnp.int32), axis=0, keepdims=True),
        NE - 1)
    iota_e8 = lax.broadcasted_iota(jnp.int32, (NE, 1), 0)
    be_last = jnp.max(jnp.where(counts > 0, iota_e8, 0), axis=0, keepdims=True)
    bcol = lax.broadcasted_iota(jnp.int32, (1, NB), 1)
    be = jnp.where(bcol >= n_used, be_last, be_raw)
    meta_ref[...] = jnp.concatenate(
        [be, jnp.broadcast_to(n_used, (1, NE))], axis=1)


def _gemm_body(m_ref, xs_ref, rw_ref, w1_ref, w3_ref, w2_ref, ys_ref):
    b = pl.program_id(0)
    f = pl.program_id(1)

    @pl.when(b < m_ref[0, NB])
    def _():
        xb = xs_ref[...]
        g = lax.dot_general(xb, w1_ref[0], (((1,), (1,)), ((), ())),
                            preferred_element_type=jnp.float32)
        u = lax.dot_general(xb, w3_ref[0], (((1,), (1,)), ((), ())),
                            preferred_element_type=jnp.float32)
        h = g * lax.logistic(g) * u * rw_ref[0]
        y = lax.dot_general(h, w2_ref[0], (((1,), (1,)), ((), ())),
                            preferred_element_type=jnp.float32)

        @pl.when(f == 0)
        def _init():
            ys_ref[...] = y

        @pl.when(f != 0)
        def _acc():
            ys_ref[...] += y


def _sc_scatter(pos_hbm, w_hbm, rt_hbm, rw_hbm,
                zi_v, zf_v, ts_v, ws_v, idx_v, sem):
    cid = lax.axis_index("c")
    sid = lax.axis_index("s")

    @pl.when(cid == 0)
    def _():
        def zfill(i, c):
            zi_v[pl.ds(i * 16, 16)] = jnp.zeros((16,), jnp.int32)
            zf_v[pl.ds(i * 16, 16)] = jnp.zeros((16,), jnp.float32)
            return c

        lax.fori_loop(0, ZPT // 16, zfill, 0)
        pltpu.sync_copy(zi_v, rt_hbm.at[pl.ds(sid * ZPT, ZPT)])
        pltpu.sync_copy(zf_v, rw_hbm.at[pl.ds(sid * ZPT, ZPT)])
        plsc.subcore_barrier()

        tbase = sid * APT - S * (sid // (NT // TOPK))

        def build_ts(i, c):
            ts_v[pl.ds(i * 16, 16)] = (
                lax.broadcasted_iota(jnp.int32, (16,), 0) + (tbase + i * 16))
            return c

        lax.fori_loop(0, APT // 16, build_ts, 0)

        def scat(j, c):
            pltpu.sync_copy(pos_hbm.at[0, pl.ds(sid * APT + j * SCH, SCH)],
                            idx_v)
            pltpu.async_copy(ts_v.at[pl.ds(j * SCH, SCH)],
                             rt_hbm.at[idx_v], sem).wait()
            pltpu.sync_copy(w_hbm.at[0, pl.ds(sid * APT + j * SCH, SCH)], ws_v)
            pltpu.async_copy(ws_v, rw_hbm.at[idx_v], sem).wait()
            return c

        lax.fori_loop(0, APT // SCH, scat, 0)

    @pl.when(cid != 0)
    def _():
        plsc.subcore_barrier()


def _sc_gather(x_hbm, rt_hbm, xs_hbm, gidx_v, rows_v, sem):
    wid = lax.axis_index("s") * 2 + lax.axis_index("c")
    base = wid * (RP // NW)

    def body(i, c):
        b = base + i * GCH
        pltpu.sync_copy(rt_hbm.at[pl.ds(b, GCH)], gidx_v)
        pltpu.async_copy(x_hbm.at[gidx_v], rows_v, sem).wait()
        pltpu.sync_copy(rows_v, xs_hbm.at[pl.ds(b, GCH)])
        return c

    lax.fori_loop(0, (RP // NW) // GCH, body, 0)


def _sc_combine(ys_hbm, pos_hbm, out_hbm, i0_v, i1_v, a_v, b_v, sem):
    cid = lax.axis_index("c")
    sid = lax.axis_index("s")
    wid = sid * 2 + cid
    toks_per_w = S // NW
    base = wid * toks_per_w
    pltpu.sync_copy(pos_hbm.at[0, pl.ds(base, toks_per_w)], i0_v)
    pltpu.sync_copy(pos_hbm.at[0, pl.ds(S + base, toks_per_w)], i1_v)

    def body(i, c):
        coff = i * CCH
        pltpu.async_copy(ys_hbm.at[i0_v.at[pl.ds(coff, CCH)]], a_v, sem).wait()
        pltpu.async_copy(ys_hbm.at[i1_v.at[pl.ds(coff, CCH)]], b_v, sem).wait()

        def row(r, c2):
            for j in range(H // 16):
                sl = pl.ds(j * 16, 16)
                a_v[r, sl] = a_v[r, sl] + b_v[r, sl]
            return c2

        lax.fori_loop(0, CCH, row, 0)
        pltpu.sync_copy(a_v, out_hbm.at[pl.ds(base + coff, CCH)])
        return c

    lax.fori_loop(0, toks_per_w // CCH, body, 0)


def kernel(hidden_states, gate_weight, w1, w3, w2):
    B = hidden_states.shape[0]
    F = w1.shape[1]
    x = hidden_states.reshape(S, H)

    logits, plan_pos, plan_w, meta = pl.pallas_call(
        _router_body,
        out_shape=[
            jax.ShapeDtypeStruct((S, NE), jnp.float32),
            jax.ShapeDtypeStruct((NE, A), jnp.int32),
            jax.ShapeDtypeStruct((NE, A), jnp.float32),
            jax.ShapeDtypeStruct((1, NB + NE), jnp.int32),
        ],
    )(x, gate_weight)

    rt, rw = functools.partial(
        pl.kernel,
        mesh=plsc.VectorSubcoreMesh(core_axis_name="c", subcore_axis_name="s"),
        out_type=[
            jax.ShapeDtypeStruct((RP,), jnp.int32),
            jax.ShapeDtypeStruct((RP,), jnp.float32),
        ],
        scratch_types=[
            pltpu.VMEM((ZPT,), jnp.int32),
            pltpu.VMEM((ZPT,), jnp.float32),
            pltpu.VMEM((APT,), jnp.int32),
            pltpu.VMEM((SCH,), jnp.float32),
            pltpu.VMEM((SCH,), jnp.int32),
            pltpu.SemaphoreType.DMA,
        ],
    )(_sc_scatter)(plan_pos, plan_w)

    xs = functools.partial(
        pl.kernel,
        mesh=plsc.VectorSubcoreMesh(core_axis_name="c", subcore_axis_name="s"),
        out_type=jax.ShapeDtypeStruct((RP, H), jnp.float32),
        scratch_types=[
            pltpu.VMEM((GCH,), jnp.int32),
            pltpu.VMEM((GCH, H), jnp.float32),
            pltpu.SemaphoreType.DMA,
        ],
    )(_sc_gather)(x, rt)

    def _w13_map(b, f, m):
        dead = b >= m[0, NB]
        return (m[0, b], jnp.where(dead, F // FB - 1, f), 0)

    def _w2_map(b, f, m):
        dead = b >= m[0, NB]
        return (m[0, b], 0, jnp.where(dead, F // FB - 1, f))

    ys = pl.pallas_call(
        _gemm_body,
        grid_spec=pltpu.PrefetchScalarGridSpec(
            num_scalar_prefetch=1,
            grid=(NB, F // FB),
            in_specs=[
                pl.BlockSpec((BLK, H), lambda b, f, m: (b, 0)),
                pl.BlockSpec((1, BLK, 1), lambda b, f, m: (b, 0, 0)),
                pl.BlockSpec((1, FB, H), _w13_map),
                pl.BlockSpec((1, FB, H), _w13_map),
                pl.BlockSpec((1, H, FB), _w2_map),
            ],
            out_specs=pl.BlockSpec((BLK, H), lambda b, f, m: (b, 0)),
        ),
        out_shape=jax.ShapeDtypeStruct((RP, H), jnp.float32),
        compiler_params=pltpu.CompilerParams(
            dimension_semantics=("arbitrary", "arbitrary"),
        ),
    )(meta, xs, rw.reshape(NB, BLK, 1), w1, w3, w2)

    out = functools.partial(
        pl.kernel,
        mesh=plsc.VectorSubcoreMesh(core_axis_name="c", subcore_axis_name="s"),
        out_type=jax.ShapeDtypeStruct((S, H), jnp.float32),
        scratch_types=[
            pltpu.VMEM((S // NW,), jnp.int32),
            pltpu.VMEM((S // NW,), jnp.int32),
            pltpu.VMEM((CCH, H), jnp.float32),
            pltpu.VMEM((CCH, H), jnp.float32),
            pltpu.SemaphoreType.DMA,
        ],
    )(_sc_combine)(ys, plan_pos)

    return (out.reshape(B, S, H), logits)

# --- scband reference (transcript-rebuilt; emitter-appended) ---
"""Pipeline reference for scband-qmixtral-sparse-moe-block-4475355922943 (READ-ONLY COPY).

The authoritative reference and input builder live on the scoring server;
editing this copy changes nothing except your own understanding.
"""

import jax, jax.numpy as jnp
import numpy as np

NUM_EXPERTS = 8
TOP_K = 2
HIDDEN_DIM = 1024
FFN_DIM = 3584


def setup_inputs(seed: int = 0) -> dict:
    key = jax.random.key(seed)
    k0, k1, k2, k3, k4 = jax.random.split(key, 5)
    hidden_states = jax.random.normal(k0, (1, 4096, HIDDEN_DIM), dtype=jnp.float32)
    gate_weight = jax.random.normal(k1, (NUM_EXPERTS, HIDDEN_DIM), dtype=jnp.float32) * 0.02
    w1 = jax.random.normal(k2, (NUM_EXPERTS, FFN_DIM, HIDDEN_DIM), dtype=jnp.float32) * 0.02
    w3 = jax.random.normal(k3, (NUM_EXPERTS, FFN_DIM, HIDDEN_DIM), dtype=jnp.float32) * 0.02
    w2 = jax.random.normal(k4, (NUM_EXPERTS, HIDDEN_DIM, FFN_DIM), dtype=jnp.float32) * 0.02
    return {"hidden_states": hidden_states, "gate_weight": gate_weight, "w1": w1, "w3": w3, "w2": w2}


def reference(hidden_states, gate_weight, w1, w3, w2):
    batch_size, sequence_length, hidden_dim = hidden_states.shape
    x = hidden_states.reshape(-1, hidden_dim)
    # router
    router_logits = x @ gate_weight.T
    routing_weights = jax.nn.softmax(router_logits.astype(jnp.float32), axis=1)
    routing_weights, selected_experts = jax.lax.top_k(routing_weights, TOP_K)
    routing_weights = routing_weights / jnp.sum(routing_weights, axis=-1, keepdims=True)
    routing_weights = routing_weights.astype(x.dtype)
    # expert computation: mathematically equivalent to token dispatch + index_add
    # (tokens not routed to an expert receive weight 0)
    final_hidden_states = jnp.zeros((x.shape[0], hidden_dim), dtype=x.dtype)
    for expert_idx in range(NUM_EXPERTS):
        h = jax.nn.silu(x @ w1[expert_idx].T) * (x @ w3[expert_idx].T)
        expert_out = h @ w2[expert_idx].T
        # per-token weight for this expert (scatter-add of weighted expert outputs)
        expert_weight = jnp.sum(routing_weights * (selected_experts == expert_idx).astype(x.dtype), axis=-1)
        final_hidden_states = final_hidden_states + expert_out * expert_weight[:, None]
    final_hidden_states = final_hidden_states.reshape(batch_size, sequence_length, hidden_dim)
    return (final_hidden_states, router_logits)

if __name__ == "__main__":
    import jax
    _d = setup_inputs()
    print(jax.jit(kernel)(*tuple(_d.values())))

</pallas_src>

<mosaic_0001>
#map = affine_map<(d0, d1) -> (0, 0)>
#map1 = affine_map<(d0, d1) -> (0)>
module attributes {stable_mosaic.version = 14 : i64} {
  func.func @_sc_gather(%arg0: i32, %arg1: i32, %arg2: memref<4096x1024xf32, #tpu.memory_space<hbm>>, %arg3: memref<10240xi32, #tpu.memory_space<hbm>>, %arg4: memref<10240x1024xf32, #tpu.memory_space<hbm>>, %arg5: memref<80xi32, #tpu.memory_space<vmem>>, %arg6: memref<80x1024xf32, #tpu.memory_space<vmem>>, %arg7: memref<!tpu.dma_semaphore, #tpu.memory_space<semaphore_mem>>) attributes {dimension_semantics = [#tpu.dimension_semantics<core_parallel>, #tpu.dimension_semantics<subcore_parallel>], iteration_bounds = array<i64: 2, 16>, scalar_prefetch = 0 : i64, scratch_operands = 3 : i64, tpu.core_type = #tpu.core_type<sc_vector_subcore>, window_params = [{transform_indices = #map}, {transform_indices = #map1}, {transform_indices = #map}]} {
    %mul3A = arith.constant 2 : i32
    %mul3A_0 = arith.muli %arg1, %mul3A : i32
    %add3A = arith.addi %mul3A_0, %arg0 : i32
    %mul3A_1 = arith.constant 320 : i32
    %mul3A_2 = arith.muli %add3A, %mul3A_1 : i32
    %scan3A = arith.constant 0 : i32
    %scan3A_3 = arith.constant 0 : i32
    %scan3A_4 = arith.constant 4 : i32
    %scan3A_5 = arith.addi %scan3A_3, %scan3A_4 : i32
    %scan3A_6 = arith.constant 1 : i32
    scf.for %scan3A_8 = %scan3A_3 to %scan3A_5 step %scan3A_6  : i32 {
      %mul3A_9 = arith.constant 80 : i32
      %mul3A_10 = arith.muli %scan3A_8, %mul3A_9 : i32
      %add3A_11 = arith.addi %mul3A_2, %mul3A_10 : i32
      "tpu.region"() ({
        %run_scoped3A = tpu.sem_alloc : memref<!tpu.dma_semaphore, #tpu.memory_space<semaphore_mem>>
        %dma_start3A_16 = tpu.memref_slice %arg3[%add3A_11] : memref<10240xi32, #tpu.memory_space<hbm>> -> memref<80xi32, #tpu.memory_space<hbm>>
        %dma_start3A_17 = tpu.memref_slice %arg3[%add3A_11] : memref<10240xi32, #tpu.memory_space<hbm>> -> memref<80xi32, #tpu.memory_space<hbm>>
        tpu.enqueue_dma source(%dma_start3A_17 : memref<80xi32, #tpu.memory_space<hbm>>) target(%arg5 : memref<80xi32, #tpu.memory_space<vmem>>) target_semaphore(%run_scoped3A : memref<!tpu.dma_semaphore, #tpu.memory_space<semaphore_mem>>)
        %dma_wait3A_18 = tpu.memref_slice %arg3[%add3A_11] : memref<10240xi32, #tpu.memory_space<hbm>> -> memref<80xi32, #tpu.memory_space<hbm>>
        %dma_wait3A_19 = tpu.memref_slice %arg3[%add3A_11] : memref<10240xi32, #tpu.memory_space<hbm>> -> memref<80xi32, #tpu.memory_space<hbm>>
        tpu.wait_dma2 semaphore(%run_scoped3A : memref<!tpu.dma_semaphore, #tpu.memory_space<semaphore_mem>>) src(%dma_wait3A_19 : memref<80xi32, #tpu.memory_space<hbm>>) dst(%arg5 : memref<80xi32, #tpu.memory_space<vmem>>)
        tpu.yield
      }) : () -> ()
      %dma_start3A = arith.constant 0 : i32
      %dma_start3A_12 = arith.constant 0 : i32
      %dma_start3A_13 = tpu.memref_slice %arg2[%dma_start3A, %dma_start3A_12] : memref<4096x1024xf32, #tpu.memory_space<hbm>> -> memref<4096x1024xf32, #tpu.memory_space<hbm>>
      tpu.enqueue_indirect_dma source(%dma_start3A_13 : memref<4096x1024xf32, #tpu.memory_space<hbm>>) target(%arg6 : memref<80x1024xf32, #tpu.memory_space<vmem>>) offsets(%arg5 : memref<80xi32, #tpu.memory_space<vmem>>) semaphore(%arg7 : memref<!tpu.dma_semaphore, #tpu.memory_space<semaphore_mem>>)
      %dma_wait3A = arith.constant 0 : i32
      %dma_wait3A_14 = arith.constant 0 : i32
      %dma_wait3A_15 = tpu.memref_slice %arg2[%dma_wait3A, %dma_wait3A_14] : memref<4096x1024xf32, #tpu.memory_space<hbm>> -> memref<4096x1024xf32, #tpu.memory_space<hbm>>
      tpu.wait_indirect_dma semaphore(%arg7 : memref<!tpu.dma_semaphore, #tpu.memory_space<semaphore_mem>>) src(%dma_wait3A_15 : memref<4096x1024xf32, #tpu.memory_space<hbm>>) dst(%arg6 : memref<80x1024xf32, #tpu.memory_space<vmem>>)
      "tpu.region"() ({
        %run_scoped3A = tpu.sem_alloc : memref<!tpu.dma_semaphore, #tpu.memory_space<semaphore_mem>>
        %dma_start3A_16 = arith.constant 0 : i32
        %dma_start3A_17 = tpu.memref_slice %arg4[%add3A_11, %dma_start3A_16] : memref<10240x1024xf32, #tpu.memory_space<hbm>> -> memref<80x1024xf32, #tpu.memory_space<hbm>>
        %dma_start3A_18 = arith.constant 0 : i32
        %dma_start3A_19 = tpu.memref_slice %arg4[%add3A_11, %dma_start3A_18] : memref<10240x1024xf32, #tpu.memory_space<hbm>> -> memref<80x1024xf32, #tpu.memory_space<hbm>>
        tpu.enqueue_dma source(%arg6 : memref<80x1024xf32, #tpu.memory_space<vmem>>) target(%dma_start3A_19 : memref<80x1024xf32, #tpu.memory_space<hbm>>) target_semaphore(%run_scoped3A : memref<!tpu.dma_semaphore, #tpu.memory_space<semaphore_mem>>)
        %dma_wait3A_20 = arith.constant 0 : i32
        %dma_wait3A_21 = tpu.memref_slice %arg4[%add3A_11, %dma_wait3A_20] : memref<10240x1024xf32, #tpu.memory_space<hbm>> -> memref<80x1024xf32, #tpu.memory_space<hbm>>
        %dma_wait3A_22 = arith.constant 0 : i32
        %dma_wait3A_23 = tpu.memref_slice %arg4[%add3A_11, %dma_wait3A_22] : memref<10240x1024xf32, #tpu.memory_space<hbm>> -> memref<80x1024xf32, #tpu.memory_space<hbm>>
        tpu.wait_dma2 semaphore(%run_scoped3A : memref<!tpu.dma_semaphore, #tpu.memory_space<semaphore_mem>>) src(%arg6 : memref<80x1024xf32, #tpu.memory_space<vmem>>) dst(%dma_wait3A_23 : memref<80x1024xf32, #tpu.memory_space<hbm>>)
        tpu.yield
      }) : () -> ()
    }
    %scan3A_7 = arith.constant 4 : i32
    return
  }
}

#map = affine_map<(d0, d1) -> (0, 0)>
#map1 = affine_map<(d0, d1) -> (0)>
module attributes {stable_mosaic.version = 14 : i64} {
  func.func @_sc_scatter(%arg0: i32, %arg1: i32, %arg2: memref<8x8192xi32, #tpu.memory_space<hbm>>, %arg3: memref<8x8192xf32, #tpu.memory_space<hbm>>, %arg4: memref<10240xi32, #tpu.memory_space<hbm>>, %arg5: memref<10240xf32, #tpu.memory_space<hbm>>, %arg6: memref<640xi32, #tpu.memory_space<vmem>>, %arg7: memref<640xf32, #tpu.memory_space<vmem>>, %arg8: memref<512xi32, #tpu.memory_space<vmem>>, %arg9: memref<128xf32, #tpu.memory_space<vmem>>, %arg10: memref<128xi32, #tpu.memory_space<vmem>>, %arg11: memref<!tpu.dma_semaphore, #tpu.memory_space<semaphore_mem>>) attributes {dimension_semantics = [#tpu.dimension_semantics<core_parallel>, #tpu.dimension_semantics<subcore_parallel>], iteration_bounds = array<i64: 2, 16>, scalar_prefetch = 0 : i64, scratch_operands = 6 : i64, tpu.core_type = #tpu.core_type<sc_vector_subcore>, window_params = [{transform_indices = #map}, {transform_indices = #map}, {transform_indices = #map1}, {transform_indices = #map1}]} {
    %eq3A = arith.constant 0 : i32
    %eq3A_0 = arith.cmpi eq, %arg0, %eq3A : i32
    %convert_element_type3A = arith.extui %eq3A_0 : i1 to i32
    %cond3A = arith.constant 0 : i32
    %cond3A_1 = arith.cmpi ne, %convert_element_type3A, %cond3A : i32
    scf.if %cond3A_1 {
      %scan3A = arith.constant 0 : i32
      %scan3A_6 = arith.constant 0 : i32
      %scan3A_7 = arith.constant 40 : i32
      %scan3A_8 = arith.addi %scan3A_6, %scan3A_7 : i32
      %scan3A_9 = arith.constant 1 : i32
      scf.for %scan3A_48 = %scan3A_6 to %scan3A_8 step %scan3A_9  : i32 {
        %broadcast_in_dim3A = arith.constant 0 : i32
        %broadcast_in_dim3A_49 = vector.broadcast %broadcast_in_dim3A : i32 to vector<16xi32>
        %mul3A_50 = arith.constant 16 : i32
        %mul3A_51 = arith.muli %scan3A_48, %mul3A_50 : i32
        %swap3A = arith.index_cast %mul3A_51 : i32 to index
        %swap3A_52 = tpu.vector_load %arg6[%swap3A] {strides = array<i32>} : memref<640xi32, #tpu.memory_space<vmem>>, vector<16xi32>,
        %swap3A_53 = vector.shape_cast %swap3A_52 : vector<16xi32> to vector<16xi32>
        %swap3A_54 = vector.shape_cast %broadcast_in_dim3A_49 : vector<16xi32> to vector<16xi32>
        tpu.vector_store %arg6[%swap3A], %swap3A_54 {strides = array<i32>} : memref<640xi32, #tpu.memory_space<vmem>>, vector<16xi32>,
        %broadcast_in_dim3A_55 = arith.constant 0.000000e+00 : f32
        %broadcast_in_dim3A_56 = vector.broadcast %broadcast_in_dim3A_55 : f32 to vector<16xf32>
        %mul3A_57 = arith.constant 16 : i32
        %mul3A_58 = arith.muli %scan3A_48, %mul3A_57 : i32
        %swap3A_59 = arith.index_cast %mul3A_58 : i32 to index
        %swap3A_60 = tpu.vector_load %arg7[%swap3A_59] {strides = array<i32>} : memref<640xf32, #tpu.memory_space<vmem>>, vector<16xf32>,
        %swap3A_61 = vector.shape_cast %swap3A_60 : vector<16xf32> to vector<16xf32>
        %swap3A_62 = vector.shape_cast %broadcast_in_dim3A_56 : vector<16xf32> to vector<16xf32>
        tpu.vector_store %arg7[%swap3A_59], %swap3A_62 {strides = array<i32>} : memref<640xf32, #tpu.memory_space<vmem>>, vector<16xf32>,
      }
      %scan3A_10 = arith.constant 40 : i32
      %mul3A = arith.constant 640 : i32
      %mul3A_11 = arith.muli %arg1, %mul3A : i32
      "tpu.region"() ({
        %run_scoped3A = tpu.sem_alloc : memref<!tpu.dma_semaphore, #tpu.memory_space<semaphore_mem>>
        %dma_start3A = tpu.memref_slice %arg4[%mul3A_11] : memref<10240xi32, #tpu.memory_space<hbm>> -> memref<640xi32, #tpu.memory_space<hbm>>
        %dma_start3A_48 = tpu.memref_slice %arg4[%mul3A_11] : memref<10240xi32, #tpu.memory_space<hbm>> -> memref<640xi32, #tpu.memory_space<hbm>>
        tpu.enqueue_dma source(%arg6 : memref<640xi32, #tpu.memory_space<vmem>>) target(%dma_start3A_48 : memref<640xi32, #tpu.memory_space<hbm>>) target_semaphore(%run_scoped3A : memref<!tpu.dma_semaphore, #tpu.memory_space<semaphore_mem>>)
        %dma_wait3A = tpu.memref_slice %arg4[%mul3A_11] : memref<10240xi32, #tpu.memory_space<hbm>> -> memref<640xi32, #tpu.memory_space<hbm>>
        %dma_wait3A_49 = tpu.memref_slice %arg4[%mul3A_11] : memref<10240xi32, #tpu.memory_space<hbm>> -> memref<640xi32, #tpu.memory_space<hbm>>
        tpu.wait_dma2 semaphore(%run_scoped3A : memref<!tpu.dma_semaphore, #tpu.memory_space<semaphore_mem>>) src(%arg6 : memref<640xi32, #tpu.memory_space<vmem>>) dst(%dma_wait3A_49 : memref<640xi32, #tpu.memory_space<hbm>>)
        tpu.yield
      }) : () -> ()
      %mul3A_12 = arith.constant 640 : i32
      %mul3A_13 = arith.muli %arg1, %mul3A_12 : i32
      "tpu.region"() ({
        %run_scoped3A = tpu.sem_alloc : memref<!tpu.dma_semaphore, #tpu.memory_space<semaphore_mem>>
        %dma_start3A = tpu.memref_slice %arg5[%mul3A_13] : memref<10240xf32, #tpu.memory_space<hbm>> -> memref<640xf32, #tpu.memory_space<hbm>>
        %dma_start3A_48 = tpu.memref_slice %arg5[%mul3A_13] : memref<10240xf32, #tpu.memory_space<hbm>> -> memref<640xf32, #tpu.memory_space<hbm>>
        tpu.enqueue_dma source(%arg7 : memref<640xf32, #tpu.memory_space<vmem>>) target(%dma_start3A_48 : memref<640xf32, #tpu.memory_space<hbm>>) target_semaphore(%run_scoped3A : memref<!tpu.dma_semaphore, #tpu.memory_space<semaphore_mem>>)
        %dma_wait3A = tpu.memref_slice %arg5[%mul3A_13] : memref<10240xf32, #tpu.memory_space<hbm>> -> memref<640xf32, #tpu.memory_space<hbm>>
        %dma_wait3A_49 = tpu.memref_slice %arg5[%mul3A_13] : memref<10240xf32, #tpu.memory_space<hbm>> -> memref<640xf32, #tpu.memory_space<hbm>>
        tpu.wait_dma2 semaphore(%run_scoped3A : memref<!tpu.dma_semaphore, #tpu.memory_space<semaphore_mem>>) src(%arg7 : memref<640xf32, #tpu.memory_space<vmem>>) dst(%dma_wait3A_49 : memref<640xf32, #tpu.memory_space<hbm>>)
        tpu.yield
      }) : () -> ()
      %barrier3A = arith.constant 0 : index
      tpu.barrier barrier_id(%barrier3A)
      %mul3A_14 = arith.constant 512 : i32
      %mul3A_15 = arith.muli %arg1, %mul3A_14 : i32
      %jit3A = arith.constant 8 : i32
      %div3A = arith.divsi %arg1, %jit3A : i32
      %sign3A = arith.constant 0 : i32
      %sign3A_16 = arith.cmpi sgt, %arg1, %sign3A : i32
      %sign3A_17 = arith.extui %sign3A_16 : i1 to i32
      %sign3A_18 = arith.constant 0 : i32
      %sign3A_19 = arith.cmpi slt, %arg1, %sign3A_18 : i32
      %sign3A_20 = arith.extui %sign3A_19 : i1 to i32
      %sign3A_21 = arith.subi %sign3A_17, %sign3A_20 : i32
      %sign3A_22 = arith.constant 0 : i32
      %sign3A_23 = arith.cmpi sgt, %jit3A, %sign3A_22 : i32
      %sign3A_24 = arith.extui %sign3A_23 : i1 to i32
      %sign3A_25 = arith.constant 0 : i32
      %sign3A_26 = arith.cmpi slt, %jit3A, %sign3A_25 : i32
      %sign3A_27 = arith.extui %sign3A_26 : i1 to i32
      %sign3A_28 = arith.subi %sign3A_24, %sign3A_27 : i32
      %ne3A_29 = arith.cmpi ne, %sign3A_21, %sign3A_28 : i32
      %rem3A = arith.remsi %arg1, %jit3A : i32
      %ne3A_30 = arith.constant 0 : i32
      %ne3A_31 = arith.cmpi ne, %rem3A, %ne3A_30 : i32
      %and3A = arith.andi %ne3A_29, %ne3A_31 : i1
      %sub3A = arith.constant 1 : i32
      %sub3A_32 = arith.subi %div3A, %sub3A : i32
      %select_n3A = arith.select %and3A, %sub3A_32, %div3A : i32
      %mul3A_33 = arith.constant 4096 : i32
      %mul3A_34 = arith.muli %mul3A_33, %select_n3A : i32
      %sub3A_35 = arith.subi %mul3A_15, %mul3A_34 : i32
      %scan3A_36 = arith.constant 0 : i32
      %scan3A_37 = arith.constant 0 : i32
      %scan3A_38 = arith.constant 32 : i32
      %scan3A_39 = arith.addi %scan3A_37, %scan3A_38 : i32
      %scan3A_40 = arith.constant 1 : i32
      scf.for %scan3A_48 = %scan3A_37 to %scan3A_39 step %scan3A_40  : i32 {
        %iota3A = tpu.iota {dimensions = array<i32: 0>} : vector<16xi32>
        %mul3A_49 = arith.constant 16 : i32
        %mul3A_50 = arith.muli %scan3A_48, %mul3A_49 : i32
        %add3A = arith.addi %sub3A_35, %mul3A_50 : i32
        %add3A_51 = vector.broadcast %add3A : i32 to vector<16xi32>
        %add3A_52 = arith.addi %iota3A, %add3A_51 : vector<16xi32>
        %mul3A_53 = arith.constant 16 : i32
        %mul3A_54 = arith.muli %scan3A_48, %mul3A_53 : i32
        %swap3A = arith.index_cast %mul3A_54 : i32 to index
        %swap3A_55 = tpu.vector_load %arg8[%swap3A] {strides = array<i32>} : memref<512xi32, #tpu.memory_space<vmem>>, vector<16xi32>,
        %swap3A_56 = vector.shape_cast %swap3A_55 : vector<16xi32> to vector<16xi32>
        %swap3A_57 = vector.shape_cast %add3A_52 : vector<16xi32> to vector<16xi32>
        tpu.vector_store %arg8[%swap3A], %swap3A_57 {strides = array<i32>} : memref<512xi32, #tpu.memory_space<vmem>>, vector<16xi32>,
      }
      %scan3A_41 = arith.constant 32 : i32
      %scan3A_42 = arith.constant 0 : i32
      %scan3A_43 = arith.constant 0 : i32
      %scan3A_44 = arith.constant 4 : i32
      %scan3A_45 = arith.addi %scan3A_43, %scan3A_44 : i32
      %scan3A_46 = arith.constant 1 : i32
      scf.for %scan3A_48 = %scan3A_43 to %scan3A_45 step %scan3A_46  : i32 {
        %mul3A_49 = arith.constant 512 : i32
        %mul3A_50 = arith.muli %arg1, %mul3A_49 : i32
        %mul3A_51 = arith.constant 128 : i32
        %mul3A_52 = arith.muli %scan3A_48, %mul3A_51 : i32
        %add3A = arith.addi %mul3A_50, %mul3A_52 : i32
        %run_scoped3A = arith.constant 0 : i32
        "tpu.region"() ({
          %run_scoped3A_69 = tpu.sem_alloc : memref<!tpu.dma_semaphore, #tpu.memory_space<semaphore_mem>>
          %dma_start3A_70 = tpu.memref_slice %arg2[%run_scoped3A, %add3A] : memref<8x8192xi32, #tpu.memory_space<hbm>> -> memref<1x128xi32, #tpu.memory_space<hbm>>
          %dma_start3A_71 = tpu.memref_squeeze %dma_start3A_70 : memref<1x128xi32, #tpu.memory_space<hbm>> -> memref<128xi32, #tpu.memory_space<hbm>>
          %dma_start3A_72 = tpu.memref_slice %arg2[%run_scoped3A, %add3A] : memref<8x8192xi32, #tpu.memory_space<hbm>> -> memref<1x128xi32, #tpu.memory_space<hbm>>
          %dma_start3A_73 = tpu.memref_squeeze %dma_start3A_72 : memref<1x128xi32, #tpu.memory_space<hbm>> -> memref<128xi32, #tpu.memory_space<hbm>>
          tpu.enqueue_dma source(%dma_start3A_73 : memref<128xi32, #tpu.memory_space<hbm>>) target(%arg10 : memref<128xi32, #tpu.memory_space<vmem>>) target_semaphore(%run_scoped3A_69 : memref<!tpu.dma_semaphore, #tpu.memory_space<semaphore_mem>>)
          %dma_wait3A_74 = tpu.memref_slice %arg2[%run_scoped3A, %add3A] : memref<8x8192xi32, #tpu.memory_space<hbm>> -> memref<1x128xi32, #tpu.memory_space<hbm>>
          %dma_wait3A_75 = tpu.memref_squeeze %dma_wait3A_74 : memref<1x128xi32, #tpu.memory_space<hbm>> -> memref<128xi32, #tpu.memory_space<hbm>>
          %dma_wait3A_76 = tpu.memref_slice %arg2[%run_scoped3A, %add3A] : memref<8x8192xi32, #tpu.memory_space<hbm>> -> memref<1x128xi32, #tpu.memory_space<hbm>>
          %dma_wait3A_77 = tpu.memref_squeeze %dma_wait3A_76 : memref<1x128xi32, #tpu.memory_space<hbm>> -> memref<128xi32, #tpu.memory_space<hbm>>
          tpu.wait_dma2 semaphore(%run_scoped3A_69 : memref<!tpu.dma_semaphore, #tpu.memory_space<semaphore_mem>>) src(%dma_wait3A_77 : memref<128xi32, #tpu.memory_space<hbm>>) dst(%arg10 : memref<128xi32, #tpu.memory_space<vmem>>)
          tpu.yield
        }) : () -> ()
        %mul3A_53 = arith.constant 128 : i32
        %mul3A_54 = arith.muli %scan3A_48, %mul3A_53 : i32
        %dma_start3A = tpu.memref_slice %arg8[%mul3A_54] : memref<512xi32, #tpu.memory_space<vmem>> -> memref<128xi32, #tpu.memory_space<vmem>>
        %dma_start3A_55 = arith.constant 0 : i32
        %dma_start3A_56 = tpu.memref_slice %arg4[%dma_start3A_55] : memref<10240xi32, #tpu.memory_space<hbm>> -> memref<10240xi32, #tpu.memory_space<hbm>>
        tpu.enqueue_indirect_dma source(%dma_start3A : memref<128xi32, #tpu.memory_space<vmem>>) target(%dma_start3A_56 : memref<10240xi32, #tpu.memory_space<hbm>>) offsets(%arg10 : memref<128xi32, #tpu.memory_space<vmem>>) semaphore(%arg11 : memref<!tpu.dma_semaphore, #tpu.memory_space<semaphore_mem>>)
        %dma_wait3A = tpu.memref_slice %arg8[%mul3A_54] : memref<512xi32, #tpu.memory_space<vmem>> -> memref<128xi32, #tpu.memory_space<vmem>>
        %dma_wait3A_57 = arith.constant 0 : i32
        %dma_wait3A_58 = tpu.memref_slice %arg4[%dma_wait3A_57] : memref<10240xi32, #tpu.memory_space<hbm>> -> memref<10240xi32, #tpu.memory_space<hbm>>
        tpu.wait_indirect_dma semaphore(%arg11 : memref<!tpu.dma_semaphore, #tpu.memory_space<semaphore_mem>>) src(%dma_wait3A : memref<128xi32, #tpu.memory_space<vmem>>) dst(%dma_wait3A_58 : memref<10240xi32, #tpu.memory_space<hbm>>)
        %mul3A_59 = arith.constant 512 : i32
        %mul3A_60 = arith.muli %arg1, %mul3A_59 : i32
        %mul3A_61 = arith.constant 128 : i32
        %mul3A_62 = arith.muli %scan3A_48, %mul3A_61 : i32
        %add3A_63 = arith.addi %mul3A_60, %mul3A_62 : i32
        %run_scoped3A_64 = arith.constant 0 : i32
        "tpu.region"() ({
          %run_scoped3A_69 = tpu.sem_alloc : memref<!tpu.dma_semaphore, #tpu.memory_space<semaphore_mem>>
          %dma_start3A_70 = tpu.memref_slice %arg3[%run_scoped3A_64, %add3A_63] : memref<8x8192xf32, #tpu.memory_space<hbm>> -> memref<1x128xf32, #tpu.memory_space<hbm>>
          %dma_start3A_71 = tpu.memref_squeeze %dma_start3A_70 : memref<1x128xf32, #tpu.memory_space<hbm>> -> memref<128xf32, #tpu.memory_space<hbm>>
          %dma_start3A_72 = tpu.memref_slice %arg3[%run_scoped3A_64, %add3A_63] : memref<8x8192xf32, #tpu.memory_space<hbm>> -> memref<1x128xf32, #tpu.memory_space<hbm>>
          %dma_start3A_73 = tpu.memref_squeeze %dma_start3A_72 : memref<1x128xf32, #tpu.memory_space<hbm>> -> memref<128xf32, #tpu.memory_space<hbm>>
          tpu.enqueue_dma source(%dma_start3A_73 : memref<128xf32, #tpu.memory_space<hbm>>) target(%arg9 : memref<128xf32, #tpu.memory_space<vmem>>) target_semaphore(%run_scoped3A_69 : memref<!tpu.dma_semaphore, #tpu.memory_space<semaphore_mem>>)
          %dma_wait3A_74 = tpu.memref_slice %arg3[%run_scoped3A_64, %add3A_63] : memref<8x8192xf32, #tpu.memory_space<hbm>> -> memref<1x128xf32, #tpu.memory_space<hbm>>
          %dma_wait3A_75 = tpu.memref_squeeze %dma_wait3A_74 : memref<1x128xf32, #tpu.memory_space<hbm>> -> memref<128xf32, #tpu.memory_space<hbm>>
          %dma_wait3A_76 = tpu.memref_slice %arg3[%run_scoped3A_64, %add3A_63] : memref<8x8192xf32, #tpu.memory_space<hbm>> -> memref<1x128xf32, #tpu.memory_space<hbm>>
          %dma_wait3A_77 = tpu.memref_squeeze %dma_wait3A_76 : memref<1x128xf32, #tpu.memory_space<hbm>> -> memref<128xf32, #tpu.memory_space<hbm>>
          tpu.wait_dma2 semaphore(%run_scoped3A_69 : memref<!tpu.dma_semaphore, #tpu.memory_space<semaphore_mem>>) src(%dma_wait3A_77 : memref<128xf32, #tpu.memory_space<hbm>>) dst(%arg9 : memref<128xf32, #tpu.memory_space<vmem>>)
          tpu.yield
        }) : () -> ()
        %dma_start3A_65 = arith.constant 0 : i32
        %dma_start3A_66 = tpu.memref_slice %arg5[%dma_start3A_65] : memref<10240xf32, #tpu.memory_space<hbm>> -> memref<10240xf32, #tpu.memory_space<hbm>>
        tpu.enqueue_indirect_dma source(%arg9 : memref<128xf32, #tpu.memory_space<vmem>>) target(%dma_start3A_66 : memref<10240xf32, #tpu.memory_space<hbm>>) offsets(%arg10 : memref<128xi32, #tpu.memory_space<vmem>>) semaphore(%arg11 : memref<!tpu.dma_semaphore, #tpu.memory_space<semaphore_mem>>)
        %dma_wait3A_67 = arith.constant 0 : i32
        %dma_wait3A_68 = tpu.memref_slice %arg5[%dma_wait3A_67] : memref<10240xf32, #tpu.memory_space<hbm>> -> memref<10240xf32, #tpu.memory_space<hbm>>
        tpu.wait_indirect_dma semaphore(%arg11 : memref<!tpu.dma_semaphore, #tpu.memory_space<semaphore_mem>>) src(%arg9 : memref<128xf32, #tpu.memory_space<vmem>>) dst(%dma_wait3A_68 : memref<10240xf32, #tpu.memory_space<hbm>>)
      }
      %scan3A_47 = arith.constant 4 : i32
    } else {
    }
    %ne3A = arith.constant 0 : i32
    %ne3A_2 = arith.cmpi ne, %arg0, %ne3A : i32
    %convert_element_type3A_3 = arith.extui %ne3A_2 : i1 to i32
    %cond3A_4 = arith.constant 0 : i32
    %cond3A_5 = arith.cmpi ne, %convert_element_type3A_3, %cond3A_4 : i32
    scf.if %cond3A_5 {
      %barrier3A = arith.constant 0 : index
      tpu.barrier barrier_id(%barrier3A)
    } else {
    }
    return
  }
}

#map = affine_map<(d0, d1) -> (0, 0)>
module attributes {stable_mosaic.version = 14 : i64} {
  func.func @_sc_combine(%arg0: i32, %arg1: i32, %arg2: memref<10240x1024xf32, #tpu.memory_space<hbm>>, %arg3: memref<8x8192xi32, #tpu.memory_space<hbm>>, %arg4: memref<4096x1024xf32, #tpu.memory_space<hbm>>, %arg5: memref<128xi32, #tpu.memory_space<vmem>>, %arg6: memref<128xi32, #tpu.memory_space<vmem>>, %arg7: memref<32x1024xf32, #tpu.memory_space<vmem>>, %arg8: memref<32x1024xf32, #tpu.memory_space<vmem>>, %arg9: memref<!tpu.dma_semaphore, #tpu.memory_space<semaphore_mem>>) attributes {dimension_semantics = [#tpu.dimension_semantics<core_parallel>, #tpu.dimension_semantics<subcore_parallel>], iteration_bounds = array<i64: 2, 16>, scalar_prefetch = 0 : i64, scratch_operands = 5 : i64, tpu.core_type = #tpu.core_type<sc_vector_subcore>, window_params = [{transform_indices = #map}, {transform_indices = #map}, {transform_indices = #map}]} {
    %mul3A = arith.constant 2 : i32
    %mul3A_0 = arith.muli %arg1, %mul3A : i32
    %add3A = arith.addi %mul3A_0, %arg0 : i32
    %mul3A_1 = arith.constant 128 : i32
    %mul3A_2 = arith.muli %add3A, %mul3A_1 : i32
    %run_scoped3A = arith.constant 0 : i32
    "tpu.region"() ({
      %run_scoped3A_11 = tpu.sem_alloc : memref<!tpu.dma_semaphore, #tpu.memory_space<semaphore_mem>>
      %dma_start3A = tpu.memref_slice %arg3[%run_scoped3A, %mul3A_2] : memref<8x8192xi32, #tpu.memory_space<hbm>> -> memref<1x128xi32, #tpu.memory_space<hbm>>
      %dma_start3A_12 = tpu.memref_squeeze %dma_start3A : memref<1x128xi32, #tpu.memory_space<hbm>> -> memref<128xi32, #tpu.memory_space<hbm>>
      %dma_start3A_13 = tpu.memref_slice %arg3[%run_scoped3A, %mul3A_2] : memref<8x8192xi32, #tpu.memory_space<hbm>> -> memref<1x128xi32, #tpu.memory_space<hbm>>
      %dma_start3A_14 = tpu.memref_squeeze %dma_start3A_13 : memref<1x128xi32, #tpu.memory_space<hbm>> -> memref<128xi32, #tpu.memory_space<hbm>>
      tpu.enqueue_dma source(%dma_start3A_14 : memref<128xi32, #tpu.memory_space<hbm>>) target(%arg5 : memref<128xi32, #tpu.memory_space<vmem>>) target_semaphore(%run_scoped3A_11 : memref<!tpu.dma_semaphore, #tpu.memory_space<semaphore_mem>>)
      %dma_wait3A = tpu.memref_slice %arg3[%run_scoped3A, %mul3A_2] : memref<8x8192xi32, #tpu.memory_space<hbm>> -> memref<1x128xi32, #tpu.memory_space<hbm>>
      %dma_wait3A_15 = tpu.memref_squeeze %dma_wait3A : memref<1x128xi32, #tpu.memory_space<hbm>> -> memref<128xi32, #tpu.memory_space<hbm>>
      %dma_wait3A_16 = tpu.memref_slice %arg3[%run_scoped3A, %mul3A_2] : memref<8x8192xi32, #tpu.memory_space<hbm>> -> memref<1x128xi32, #tpu.memory_space<hbm>>
      %dma_wait3A_17 = tpu.memref_squeeze %dma_wait3A_16 : memref<1x128xi32, #tpu.memory_space<hbm>> -> memref<128xi32, #tpu.memory_space<hbm>>
      tpu.wait_dma2 semaphore(%run_scoped3A_11 : memref<!tpu.dma_semaphore, #tpu.memory_space<semaphore_mem>>) src(%dma_wait3A_17 : memref<128xi32, #tpu.memory_space<hbm>>) dst(%arg5 : memref<128xi32, #tpu.memory_space<vmem>>)
      tpu.yield
    }) : () -> ()
    %add3A_3 = arith.constant 4096 : i32
    %add3A_4 = arith.addi %add3A_3, %mul3A_2 : i32
    %run_scoped3A_5 = arith.constant 0 : i32
    "tpu.region"() ({
      %run_scoped3A_11 = tpu.sem_alloc : memref<!tpu.dma_semaphore, #tpu.memory_space<semaphore_mem>>
      %dma_start3A = tpu.memref_slice %arg3[%run_scoped3A_5, %add3A_4] : memref<8x8192xi32, #tpu.memory_space<hbm>> -> memref<1x128xi32, #tpu.memory_space<hbm>>
      %dma_start3A_12 = tpu.memref_squeeze %dma_start3A : memref<1x128xi32, #tpu.memory_space<hbm>> -> memref<128xi32, #tpu.memory_space<hbm>>
      %dma_start3A_13 = tpu.memref_slice %arg3[%run_scoped3A_5, %add3A_4] : memref<8x8192xi32, #tpu.memory_space<hbm>> -> memref<1x128xi32, #tpu.memory_space<hbm>>
      %dma_start3A_14 = tpu.memref_squeeze %dma_start3A_13 : memref<1x128xi32, #tpu.memory_space<hbm>> -> memref<128xi32, #tpu.memory_space<hbm>>
      tpu.enqueue_dma source(%dma_start3A_14 : memref<128xi32, #tpu.memory_space<hbm>>) target(%arg6 : memref<128xi32, #tpu.memory_space<vmem>>) target_semaphore(%run_scoped3A_11 : memref<!tpu.dma_semaphore, #tpu.memory_space<semaphore_mem>>)
      %dma_wait3A = tpu.memref_slice %arg3[%run_scoped3A_5, %add3A_4] : memref<8x8192xi32, #tpu.memory_space<hbm>> -> memref<1x128xi32, #tpu.memory_space<hbm>>
      %dma_wait3A_15 = tpu.memref_squeeze %dma_wait3A : memref<1x128xi32, #tpu.memory_space<hbm>> -> memref<128xi32, #tpu.memory_space<hbm>>
      %dma_wait3A_16 = tpu.memref_slice %arg3[%run_scoped3A_5, %add3A_4] : memref<8x8192xi32, #tpu.memory_space<hbm>> -> memref<1x128xi32, #tpu.memory_space<hbm>>
      %dma_wait3A_17 = tpu.memref_squeeze %dma_wait3A_16 : memref<1x128xi32, #tpu.memory_space<hbm>> -> memref<128xi32, #tpu.memory_space<hbm>>
      tpu.wait_dma2 semaphore(%run_scoped3A_11 : memref<!tpu.dma_semaphore, #tpu.memory_space<semaphore_mem>>) src(%dma_wait3A_17 : memref<128xi32, #tpu.memory_space<hbm>>) dst(%arg6 : memref<128xi32, #tpu.memory_space<vmem>>)
      tpu.yield
    }) : () -> ()
    %scan3A = arith.constant 0 : i32
    %scan3A_6 = arith.constant 0 : i32
    %scan3A_7 = arith.constant 4 : i32
    %scan3A_8 = arith.addi %scan3A_6, %scan3A_7 : i32
    %scan3A_9 = arith.constant 1 : i32
    scf.for %scan3A_11 = %scan3A_6 to %scan3A_8 step %scan3A_9  : i32 {
      %mul3A_12 = arith.constant 32 : i32
      %mul3A_13 = arith.muli %scan3A_11, %mul3A_12 : i32
      %dma_start3A = tpu.memref_slice %arg5[%mul3A_13] : memref<128xi32, #tpu.memory_space<vmem>> -> memref<32xi32, #tpu.memory_space<vmem>>
      %dma_start3A_14 = arith.constant 0 : i32
      %dma_start3A_15 = arith.constant 0 : i32
      %dma_start3A_16 = tpu.memref_slice %arg2[%dma_start3A_14, %dma_start3A_15] : memref<10240x1024xf32, #tpu.memory_space<hbm>> -> memref<10240x1024xf32, #tpu.memory_space<hbm>>
      tpu.enqueue_indirect_dma source(%dma_start3A_16 : memref<10240x1024xf32, #tpu.memory_space<hbm>>) target(%arg7 : memref<32x1024xf32, #tpu.memory_space<vmem>>) offsets(%dma_start3A : memref<32xi32, #tpu.memory_space<vmem>>) semaphore(%arg9 : memref<!tpu.dma_semaphore, #tpu.memory_space<semaphore_mem>>)
      %dma_wait3A = tpu.memref_slice %arg5[%mul3A_13] : memref<128xi32, #tpu.memory_space<vmem>> -> memref<32xi32, #tpu.memory_space<vmem>>
      %dma_wait3A_17 = arith.constant 0 : i32
      %dma_wait3A_18 = arith.constant 0 : i32
      %dma_wait3A_19 = tpu.memref_slice %arg2[%dma_wait3A_17, %dma_wait3A_18] : memref<10240x1024xf32, #tpu.memory_space<hbm>> -> memref<10240x1024xf32, #tpu.memory_space<hbm>>
      tpu.wait_indirect_dma semaphore(%arg9 : memref<!tpu.dma_semaphore, #tpu.memory_space<semaphore_mem>>) src(%dma_wait3A_19 : memref<10240x1024xf32, #tpu.memory_space<hbm>>) dst(%arg7 : memref<32x1024xf32, #tpu.memory_space<vmem>>)
      %dma_start3A_20 = tpu.memref_slice %arg6[%mul3A_13] : memref<128xi32, #tpu.memory_space<vmem>> -> memref<32xi32, #tpu.memory_space<vmem>>
      %dma_start3A_21 = arith.constant 0 : i32
      %dma_start3A_22 = arith.constant 0 : i32
      %dma_start3A_23 = tpu.memref_slice %arg2[%dma_start3A_21, %dma_start3A_22] : memref<10240x1024xf32, #tpu.memory_space<hbm>> -> memref<10240x1024xf32, #tpu.memory_space<hbm>>
      tpu.enqueue_indirect_dma source(%dma_start3A_23 : memref<10240x1024xf32, #tpu.memory_space<hbm>>) target(%arg8 : memref<32x1024xf32, #tpu.memory_space<vmem>>) offsets(%dma_start3A_20 : memref<32xi32, #tpu.memory_space<vmem>>) semaphore(%arg9 : memref<!tpu.dma_semaphore, #tpu.memory_space<semaphore_mem>>)
      %dma_wait3A_24 = tpu.memref_slice %arg6[%mul3A_13] : memref<128xi32, #tpu.memory_space<vmem>> -> memref<32xi32, #tpu.memory_space<vmem>>
      %dma_wait3A_25 = arith.constant 0 : i32
      %dma_wait3A_26 = arith.constant 0 : i32
      %dma_wait3A_27 = tpu.memref_slice %arg2[%dma_wait3A_25, %dma_wait3A_26] : memref<10240x1024xf32, #tpu.memory_space<hbm>> -> memref<10240x1024xf32, #tpu.memory_space<hbm>>
      tpu.wait_indirect_dma semaphore(%arg9 : memref<!tpu.dma_semaphore, #tpu.memory_space<semaphore_mem>>) src(%dma_wait3A_27 : memref<10240x1024xf32, #tpu.memory_space<hbm>>) dst(%arg8 : memref<32x1024xf32, #tpu.memory_space<vmem>>)
      %scan3A_28 = arith.constant 0 : i32
      %scan3A_29 = arith.constant 0 : i32
      %scan3A_30 = arith.constant 32 : i32
      %scan3A_31 = arith.addi %scan3A_29, %scan3A_30 : i32
      %scan3A_32 = arith.constant 1 : i32
      scf.for %scan3A_35 = %scan3A_29 to %scan3A_31 step %scan3A_32  : i32 {
        %get3A = arith.index_cast %scan3A_35 : i32 to index
        %get3A_36 = arith.constant 0 : index
        %get3A_37 = tpu.vector_load %arg7[%get3A, %get3A_36] {strides = array<i32>} : memref<32x1024xf32, #tpu.memory_space<vmem>>, vector<1x16xf32>,
        %get3A_38 = vector.shape_cast %get3A_37 : vector<1x16xf32> to vector<16xf32>
        %get3A_39 = arith.index_cast %scan3A_35 : i32 to index
        %get3A_40 = arith.constant 0 : index
        %get3A_41 = tpu.vector_load %arg8[%get3A_39, %get3A_40] {strides = array<i32>} : memref<32x1024xf32, #tpu.memory_space<vmem>>, vector<1x16xf32>,
        %get3A_42 = vector.shape_cast %get3A_41 : vector<1x16xf32> to vector<16xf32>
        %add3A_43 = arith.addf %get3A_38, %get3A_42 : vector<16xf32>
        %swap3A = arith.index_cast %scan3A_35 : i32 to index
        %swap3A_44 = arith.constant 0 : index
        %swap3A_45 = tpu.vector_load %arg7[%swap3A, %swap3A_44] {strides = array<i32>} : memref<32x1024xf32, #tpu.memory_space<vmem>>, vector<1x16xf32>,
        %swap3A_46 = vector.shape_cast %swap3A_45 : vector<1x16xf32> to vector<16xf32>
        %swap3A_47 = vector.shape_cast %add3A_43 : vector<16xf32> to vector<1x16xf32>
        tpu.vector_store %arg7[%swap3A, %swap3A_44], %swap3A_47 {strides = array<i32>} : memref<32x1024xf32, #tpu.memory_space<vmem>>, vector<1x16xf32>,
        %get3A_48 = arith.index_cast %scan3A_35 : i32 to index
        %get3A_49 = arith.constant 16 : index
        %get3A_50 = tpu.vector_load %arg7[%get3A_48, %get3A_49] {strides = array<i32>} : memref<32x1024xf32, #tpu.memory_space<vmem>>, vector<1x16xf32>,
        %get3A_51 = vector.shape_cast %get3A_50 : vector<1x16xf32> to vector<16xf32>
        %get3A_52 = arith.index_cast %scan3A_35 : i32 to index
        %get3A_53 = arith.constant 16 : index
        %get3A_54 = tpu.vector_load %arg8[%get3A_52, %get3A_53] {strides = array<i32>} : memref<32x1024xf32, #tpu.memory_space<vmem>>, vector<1x16xf32>,
        %get3A_55 = vector.shape_cast %get3A_54 : vector<1x16xf32> to vector<16xf32>
        %add3A_56 = arith.addf %get3A_51, %get3A_55 : vector<16xf32>
        %swap3A_57 = arith.index_cast %scan3A_35 : i32 to index
        %swap3A_58 = arith.constant 16 : index
        %swap3A_59 = tpu.vector_load %arg7[%swap3A_57, %swap3A_58] {strides = array<i32>} : memref<32x1024xf32, #tpu.memory_space<vmem>>, vector<1x16xf32>,
        %swap3A_60 = vector.shape_cast %swap3A_59 : vector<1x16xf32> to vector<16xf32>
        %swap3A_61 = vector.shape_cast %add3A_56 : vector<16xf32> to vector<1x16xf32>
        tpu.vector_store %arg7[%swap3A_57, %swap3A_58], %swap3A_61 {strides = array<i32>} : memref<32x1024xf32, #tpu.memory_space<vmem>>, vector<1x16xf32>,
        %get3A_62 = arith.index_cast %scan3A_35 : i32 to index
        %get3A_63 = arith.constant 32 : index
        %get3A_64 = tpu.vector_load %arg7[%get3A_62, %get3A_63] {strides = array<i32>} : memref<32x1024xf32, #tpu.memory_space<vmem>>, vector<1x16xf32>,
        %get3A_65 = vector.shape_cast %get3A_64 : vector<1x16xf32> to vector<16xf32>
        %get3A_66 = arith.index_cast %scan3A_35 : i32 to index
        %get3A_67 = arith.constant 32 : index
        %get3A_68 = tpu.vector_load %arg8[%get3A_66, %get3A_67] {strides = array<i32>} : memref<32x1024xf32, #tpu.memory_space<vmem>>, vector<1x16xf32>,
        %get3A_69 = vector.shape_cast %get3A_68 : vector<1x16xf32> to vector<16xf32>
        %add3A_70 = arith.addf %get3A_65, %get3A_69 : vector<16xf32>
        %swap3A_71 = arith.index_cast %scan3A_35 : i32 to index
        %swap3A_72 = arith.constant 32 : index
        %swap3A_73 = tpu.vector_load %arg7[%swap3A_71, %swap3A_72] {strides = array<i32>} : memref<32x1024xf32, #tpu.memory_space<vmem>>, vector<1x16xf32>,
        %swap3A_74 = vector.shape_cast %swap3A_73 : vector<1x16xf32> to vector<16xf32>
        %swap3A_75 = vector.shape_cast %add3A_70 : vector<16xf32> to vector<1x16xf32>
        tpu.vector_store %arg7[%swap3A_71, %swap3A_72], %swap3A_75 {strides = array<i32>} : memref<32x1024xf32, #tpu.memory_space<vmem>>, vector<1x16xf32>,
        %get3A_76 = arith.index_cast %scan3A_35 : i32 to index
        %get3A_77 = arith.constant 48 : index
        %get3A_78 = tpu.vector_load %arg7[%get3A_76, %get3A_77] {strides = array<i32>} : memref<32x1024xf32, #tpu.memory_space<vmem>>, vector<1x16xf32>,
        %get3A_79 = vector.shape_cast %get3A_78 : vector<1x16xf32> to vector<16xf32>
        %get3A_80 = arith.index_cast %scan3A_35 : i32 to index
        %get3A_81 = arith.constant 48 : index
        %get3A_82 = tpu.vector_load %arg8[%get3A_80, %get3A_81] {strides = array<i32>} : memref<32x1024xf32, #tpu.memory_space<vmem>>, vector<1x16xf32>,
        %get3A_83 = vector.shape_cast %get3A_82 : vector<1x16xf32> to vector<16xf32>
        %add3A_84 = arith.addf %get3A_79, %get3A_83 : vector<16xf32>
        %swap3A_85 = arith.index_cast %scan3A_35 : i32 to index
        %swap3A_86 = arith.constant 48 : index
        %swap3A_87 = tpu.vector_load %arg7[%swap3A_85, %swap3A_86] {strides = array<i32>} : memref<32x1024xf32, #tpu.memory_space<vmem>>, vector<1x16xf32>,
        %swap3A_88 = vector.shape_cast %swap3A_87 : vector<1x16xf32> to vector<16xf32>
        %swap3A_89 = vector.shape_cast %add3A_84 : vector<16xf32> to vector<1x16xf32>
        tpu.vector_store %arg7[%swap3A_85, %swap3A_86], %swap3A_89 {strides = array<i32>} : memref<32x1024xf32, #tpu.memory_space<vmem>>, vector<1x16xf32>,
        %get3A_90 = arith.index_cast %scan3A_35 : i32 to index
        %get3A_91 = arith.constant 64 : index
        %get3A_92 = tpu.vector_load %arg7[%get3A_90, %get3A_91] {strides = array<i32>} : memref<32x1024xf32, #tpu.memory_space<vmem>>, vector<1x16xf32>,
        %get3A_93 = vector.shape_cast %get3A_92 : vector<1x16xf32> to vector<16xf32>
        %get3A_94 = arith.index_cast %scan3A_35 : i32 to index
        %get3A_95 = arith.constant 64 : index
        %get3A_96 = tpu.vector_load %arg8[%get3A_94, %get3A_95] {strides = array<i32>} : memref<32x1024xf32, #tpu.memory_space<vmem>>, vector<1x16xf32>,
        %get3A_97 = vector.shape_cast %get3A_96 : vector<1x16xf32> to vector<16xf32>
        %add3A_98 = arith.addf %get3A_93, %get3A_97 : vector<16xf32>
        %swap3A_99 = arith.index_cast %scan3A_35 : i32 to index
        %swap3A_100 = arith.constant 64 : index
        %swap3A_101 = tpu.vector_load %arg7[%swap3A_99, %swap3A_100] {strides = array<i32>} : memref<32x1024xf32, #tpu.memory_space<vmem>>, vector<1x16xf32>,
        %swap3A_102 = vector.shape_cast %swap3A_101 : vector<1x16xf32> to vector<16xf32>
        %swap3A_103 = vector.shape_cast %add3A_98 : vector<16xf32> to vector<1x16xf32>
        tpu.vector_store %arg7[%swap3A_99, %swap3A_100], %swap3A_103 {strides = array<i32>} : memref<32x1024xf32, #tpu.memory_space<vmem>>, vector<1x16xf32>,
        %get3A_104 = arith.index_cast %scan3A_35 : i32 to index
        %get3A_105 = arith.constant 80 : index
        %get3A_106 = tpu.vector_load %arg7[%get3A_104, %get3A_105] {strides = array<i32>} : memref<32x1024xf32, #tpu.memory_space<vmem>>, vector<1x16xf32>,
        %get3A_107 = vector.shape_cast %get3A_106 : vector<1x16xf32> to vector<16xf32>
        %get3A_108 = arith.index_cast %scan3A_35 : i32 to index
        %get3A_109 = arith.constant 80 : index
        %get3A_110 = tpu.vector_load %arg8[%get3A_108, %get3A_109] {strides = array<i32>} : memref<32x1024xf32, #tpu.memory_space<vmem>>, vector<1x16xf32>,
        %get3A_111 = vector.shape_cast %get3A_110 : vector<1x16xf32> to vector<16xf32>
        %add3A_112 = arith.addf %get3A_107, %get3A_111 : vector<16xf32>
        %swap3A_113 = arith.index_cast %scan3A_35 : i32 to index
        %swap3A_114 = arith.constant 80 : index
        %swap3A_115 = tpu.vector_load %arg7[%swap3A_113, %swap3A_114] {strides = array<i32>} : memref<32x1024xf32, #tpu.memory_space<vmem>>, vector<1x16xf32>,
        %swap3A_116 = vector.shape_cast %swap3A_115 : vector<1x16xf32> to vector<16xf32>
        %swap3A_117 = vector.shape_cast %add3A_112 : vector<16xf32> to vector<1x16xf32>
        tpu.vector_store %arg7[%swap3A_113, %swap3A_114], %swap3A_117 {strides = array<i32>} : memref<32x1024xf32, #tpu.memory_space<vmem>>, vector<1x16xf32>,
        %get3A_118 = arith.index_cast %scan3A_35 : i32 to index
        %get3A_119 = arith.constant 96 : index
        %get3A_120 = tpu.vector_load %arg7[%get3A_118, %get3A_119] {strides = array<i32>} : memref<32x1024xf32, #tpu.memory_space<vmem>>, vector<1x16xf32>,
        %get3A_121 = vector.shape_cast %get3A_120 : vector<1x16xf32> to vector<16xf32>
        %get3A_122 = arith.index_cast %scan3A_35 : i32 to index
        %get3A_123 = arith.constant 96 : index
        %get3A_124 = tpu.vector_load %arg8[%get3A_122, %get3A_123] {strides = array<i32>} : memref<32x1024xf32, #tpu.memory_space<vmem>>, vector<1x16xf32>,
        %get3A_125 = vector.shape_cast %get3A_124 : vector<1x16xf32> to vector<16xf32>
        %add3A_126 = arith.addf %get3A_121, %get3A_125 : vector<16xf32>
        %swap3A_127 = arith.index_cast %scan3A_35 : i32 to index
        %swap3A_128 = arith.constant 96 : index
        %swap3A_129 = tpu.vector_load %arg7[%swap3A_127, %swap3A_128] {strides = array<i32>} : memref<32x1024xf32, #tpu.memory_space<vmem>>, vector<1x16xf32>,
        %swap3A_130 = vector.shape_cast %swap3A_129 : vector<1x16xf32> to vector<16xf32>
        %swap3A_131 = vector.shape_cast %add3A_126 : vector<16xf32> to vector<1x16xf32>
        tpu.vector_store %arg7[%swap3A_127, %swap3A_128], %swap3A_131 {strides = array<i32>} : memref<32x1024xf32, #tpu.memory_space<vmem>>, vector<1x16xf32>,
        %get3A_132 = arith.index_cast %scan3A_35 : i32 to index
        %get3A_133 = arith.constant 112 : index
        %get3A_134 = tpu.vector_load %arg7[%get3A_132, %get3A_133] {strides = array<i32>} : memref<32x1024xf32, #tpu.memory_space<vmem>>, vector<1x16xf32>,
        %get3A_135 = vector.shape_cast %get3A_134 : vector<1x16xf32> to vector<16xf32>
        %get3A_136 = arith.index_cast %scan3A_35 : i32 to index
        %get3A_137 = arith.constant 112 : index
        %get3A_138 = tpu.vector_load %arg8[%get3A_136, %get3A_137] {strides = array<i32>} : memref<32x1024xf32, #tpu.memory_space<vmem>>, vector<1x16xf32>,
        %get3A_139 = vector.shape_cast %get3A_138 : vector<1x16xf32> to vector<16xf32>
        %add3A_140 = arith.addf %get3A_135, %get3A_139 : vector<16xf32>
        %swap3A_141 = arith.index_cast %scan3A_35 : i32 to index
        %swap3A_142 = arith.constant 112 : index
        %swap3A_143 = tpu.vector_load %arg7[%swap3A_141, %swap3A_142] {strides = array<i32>} : memref<32x1024xf32, #tpu.memory_space<vmem>>, vector<1x16xf32>,
        %swap3A_144 = vector.shape_cast %swap3A_143 : vector<1x16xf32> to vector<16xf32>
        %swap3A_145 = vector.shape_cast %add3A_140 : vector<16xf32> to vector<1x16xf32>
        tpu.vector_store %arg7[%swap3A_141, %swap3A_142], %swap3A_145 {strides = array<i32>} : memref<32x1024xf32, #tpu.memory_space<vmem>>, vector<1x16xf32>,
        %get3A_146 = arith.index_cast %scan3A_35 : i32 to index
        %get3A_147 = arith.constant 128 : index
        %get3A_148 = tpu.vector_load %arg7[%get3A_146, %get3A_147] {strides = array<i32>} : memref<32x1024xf32, #tpu.memory_space<vmem>>, vector<1x16xf32>,
        %get3A_149 = vector.shape_cast %get3A_148 : vector<1x16xf32> to vector<16xf32>
        %get3A_150 = arith.index_cast %scan3A_35 : i32 to index
        %get3A_151 = arith.constant 128 : index
        %get3A_152 = tpu.vector_load %arg8[%get3A_150, %get3A_151] {strides = array<i32>} : memref<32x1024xf32, #tpu.memory_space<vmem>>, vector<1x16xf32>,
        %get3A_153 = vector.shape_cast %get3A_152 : vector<1x16xf32> to vector<16xf32>
        %add3A_154 = arith.addf %get3A_149, %get3A_153 : vector<16xf32>
        %swap3A_155 = arith.index_cast %scan3A_35 : i32 to index
        %swap3A_156 = arith.constant 128 : index
        %swap3A_157 = tpu.vector_load %arg7[%swap3A_155, %swap3A_156] {strides = array<i32>} : memref<32x1024xf32, #tpu.memory_space<vmem>>, vector<1x16xf32>,
        %swap3A_158 = vector.shape_cast %swap3A_157 : vector<1x16xf32> to vector<16xf32>
        %swap3A_159 = vector.shape_cast %add3A_154 : vector<16xf32> to vector<1x16xf32>
        tpu.vector_store %arg7[%swap3A_155, %swap3A_156], %swap3A_159 {strides = array<i32>} : memref<32x1024xf32, #tpu.memory_space<vmem>>, vector<1x16xf32>,
        %get3A_160 = arith.index_cast %scan3A_35 : i32 to index
        %get3A_161 = arith.constant 144 : index
        %get3A_162 = tpu.vector_load %arg7[%get3A_160, %get3A_161] {strides = array<i32>} : memref<32x1024xf32, #tpu.memory_space<vmem>>, vector<1x16xf32>,
        %get3A_163 = vector.shape_cast %get3A_162 : vector<1x16xf32> to vector<16xf32>
        %get3A_164 = arith.index_cast %scan3A_35 : i32 to index
        %get3A_165 = arith.constant 144 : index
        %get3A_166 = tpu.vector_load %arg8[%get3A_164, %get3A_165] {strides = array<i32>} : memref<32x1024xf32, #tpu.memory_space<vmem>>, vector<1x16xf32>,
        %get3A_167 = vector.shape_cast %get3A_166 : vector<1x16xf32> to vector<16xf32>
        %add3A_168 = arith.addf %get3A_163, %get3A_167 : vector<16xf32>
        %swap3A_169 = arith.index_cast %scan3A_35 : i32 to index
        %swap3A_170 = arith.constant 144 : index
        %swap3A_171 = tpu.vector_load %arg7[%swap3A_169, %swap3A_170] {strides = array<i32>} : memref<32x1024xf32, #tpu.memory_space<vmem>>, vector<1x16xf32>,
        %swap3A_172 = vector.shape_cast %swap3A_171 : vector<1x16xf32> to vector<16xf32>
        %swap3A_173 = vector.shape_cast %add3A_168 : vector<16xf32> to vector<1x16xf32>
        tpu.vector_store %arg7[%swap3A_169, %swap3A_170], %swap3A_173 {strides = array<i32>} : memref<32x1024xf32, #tpu.memory_space<vmem>>, vector<1x16xf32>,
        %get3A_174 = arith.index_cast %scan3A_35 : i32 to index
        %get3A_175 = arith.constant 160 : index
        %get3A_176 = tpu.vector_load %arg7[%get3A_174, %get3A_175] {strides = array<i32>} : memref<32x1024xf32, #tpu.memory_space<vmem>>, vector<1x16xf32>,
        %get3A_177 = vector.shape_cast %get3A_176 : vector<1x16xf32> to vector<16xf32>
        %get3A_178 = arith.index_cast %scan3A_35 : i32 to index
        %get3A_179 = arith.constant 160 : index
        %get3A_180 = tpu.vector_load %arg8[%get3A_178, %get3A_179] {strides = array<i32>} : memref<32x1024xf32, #tpu.memory_space<vmem>>, vector<1x16xf32>,
        %get3A_181 = vector.shape_cast %get3A_180 : vector<1x16xf32> to vector<16xf32>
        %add3A_182 = arith.addf %get3A_177, %get3A_181 : vector<16xf32>
        %swap3A_183 = arith.index_cast %scan3A_35 : i32 to index
        %swap3A_184 = arith.constant 160 : index
        %swap3A_185 = tpu.vector_load %arg7[%swap3A_183, %swap3A_184] {strides = array<i32>} : memref<32x1024xf32, #tpu.memory_space<vmem>>, vector<1x16xf32>,
        %swap3A_186 = vector.shape_cast %swap3A_185 : vector<1x16xf32> to vector<16xf32>
        %swap3A_187 = vector.shape_cast %add3A_182 : vector<16xf32> to vector<1x16xf32>
        tpu.vector_store %arg7[%swap3A_183, %swap3A_184], %swap3A_187 {strides = array<i32>} : memref<32x1024xf32, #tpu.memory_space<vmem>>, vector<1x16xf32>,
        %get3A_188 = arith.index_cast %scan3A_35 : i32 to index
        %get3A_189 = arith.constant 176 : index
        %get3A_190 = tpu.vector_load %arg7[%get3A_188, %get3A_189] {strides = array<i32>} : memref<32x1024xf32, #tpu.memory_space<vmem>>, vector<1x16xf32>,
        %get3A_191 = vector.shape_cast %get3A_190 : vector<1x16xf32> to vector<16xf32>
        %get3A_192 = arith.index_cast %scan3A_35 : i32 to index
        %get3A_193 = arith.constant 176 : index
        %get3A_194 = tpu.vector_load %arg8[%get3A_192, %get3A_193] {strides = array<i32>} : memref<32x1024xf32, #tpu.memory_space<vmem>>, vector<1x16xf32>,
        %get3A_195 = vector.shape_cast %get3A_194 : vector<1x16xf32> to vector<16xf32>
        %add3A_196 = arith.addf %get3A_191, %get3A_195 : vector<16xf32>
        %swap3A_197 = arith.index_cast %scan3A_35 : i32 to index
        %swap3A_198 = arith.constant 176 : index
        %swap3A_199 = tpu.vector_load %arg7[%swap3A_197, %swap3A_198] {strides = array<i32>} : memref<32x1024xf32, #tpu.memory_space<vmem>>, vector<1x16xf32>,
        %swap3A_200 = vector.shape_cast %swap3A_199 : vector<1x16xf32> to vector<16xf32>
        %swap3A_201 = vector.shape_cast %add3A_196 : vector<16xf32> to vector<1x16xf32>
        tpu.vector_store %arg7[%swap3A_197, %swap3A_198], %swap3A_201 {strides = array<i32>} : memref<32x1024xf32, #tpu.memory_space<vmem>>, vector<1x16xf32>,
        %get3A_202 = arith.index_cast %scan3A_35 : i32 to index
        %get3A_203 = arith.constant 192 : index
        %get3A_204 = tpu.vector_load %arg7[%get3A_202, %get3A_203] {strides = array<i32>} : memref<32x1024xf32, #tpu.memory_space<vmem>>, vector<1x16xf32>,
        %get3A_205 = vector.shape_cast %get3A_204 : vector<1x16xf32> to vector<16xf32>
        %get3A_206 = arith.index_cast %scan3A_35 : i32 to index
        %get3A_207 = arith.constant 192 : index
        %get3A_208 = tpu.vector_load %arg8[%get3A_206, %get3A_207] {strides = array<i32>} : memref<32x1024xf32, #tpu.memory_space<vmem>>, vector<1x16xf32>,
        %get3A_209 = vector.shape_cast %get3A_208 : vector<1x16xf32> to vector<16xf32>
        %add3A_210 = arith.addf %get3A_205, %get3A_209 : vector<16xf32>
        %swap3A_211 = arith.index_cast %scan3A_35 : i32 to index
        %swap3A_212 = arith.constant 192 : index
        %swap3A_213 = tpu.vector_load %arg7[%swap3A_211, %swap3A_212] {strides = array<i32>} : memref<32x1024xf32, #tpu.memory_space<vmem>>, vector<1x16xf32>,
        %swap3A_214 = vector.shape_cast %swap3A_213 : vector<1x16xf32> to vector<16xf32>
        %swap3A_215 = vector.shape_cast %add3A_210 : vector<16xf32> to vector<1x16xf32>
        tpu.vector_store %arg7[%swap3A_211, %swap3A_212], %swap3A_215 {strides = array<i32>} : memref<32x1024xf32, #tpu.memory_space<vmem>>, vector<1x16xf32>,
        %get3A_216 = arith.index_cast %scan3A_35 : i32 to index
        %get3A_217 = arith.constant 208 : index
        %get3A_218 = tpu.vector_load %arg7[%get3A_216, %get3A_217] {strides = array<i32>} : memref<32x1024xf32, #tpu.memory_space<vmem>>, vector<1x16xf32>,
        %get3A_219 = vector.shape_cast %get3A_218 : vector<1x16xf32> to vector<16xf32>
        %get3A_220 = arith.index_cast %scan3A_35 : i32 to index
        %get3A_221 = arith.constant 208 : index
        %get3A_222 = tpu.vector_load %arg8[%get3A_220, %get3A_221] {strides = array<i32>} : memref<32x1024xf32, #tpu.memory_space<vmem>>, vector<1x16xf32>,
        %get3A_223 = vector.shape_cast %get3A_222 : vector<1x16xf32> to vector<16xf32>
        %add3A_224 = arith.addf %get3A_219, %get3A_223 : vector<16xf32>
        %swap3A_225 = arith.index_cast %scan3A_35 : i32 to index
        %swap3A_226 = arith.constant 208 : index
        %swap3A_227 = tpu.vector_load %arg7[%swap3A_225, %swap3A_226] {strides = array<i32>} : memref<32x1024xf32, #tpu.memory_space<vmem>>, vector<1x16xf32>,
        %swap3A_228 = vector.shape_cast %swap3A_227 : vector<1x16xf32> to vector<16xf32>
        %swap3A_229 = vector.shape_cast %add3A_224 : vector<16xf32> to vector<1x16xf32>
        tpu.vector_store %arg7[%swap3A_225, %swap3A_226], %swap3A_229 {strides = array<i32>} : memref<32x1024xf32, #tpu.memory_space<vmem>>, vector<1x16xf32>,
        %get3A_230 = arith.index_cast %scan3A_35 : i32 to index
        %get3A_231 = arith.constant 224 : index
        %get3A_232 = tpu.vector_load %arg7[%get3A_230, %get3A_231] {strides = array<i32>} : memref<32x1024xf32, #tpu.memory_space<vmem>>, vector<1x16xf32>,
        %get3A_233 = vector.shape_cast %get3A_232 : vector<1x16xf32> to vector<16xf32>
        %get3A_234 = arith.index_cast %scan3A_35 : i32 to index
        %get3A_235 = arith.constant 224 : index
        %get3A_236 = tpu.vector_load %arg8[%get3A_234, %get3A_235] {strides = array<i32>} : memref<32x1024xf32, #tpu.memory_space<vmem>>, vector<1x16xf32>,
        %get3A_237 = vector.shape_cast %get3A_236 : vector<1x16xf32> to vector<16xf32>
        %add3A_238 = arith.addf %get3A_233, %get3A_237 : vector<16xf32>
        %swap3A_239 = arith.index_cast %scan3A_35 : i32 to index
        %swap3A_240 = arith.constant 224 : index
        %swap3A_241 = tpu.vector_load %arg7[%swap3A_239, %swap3A_240] {strides = array<i32>} : memref<32x1024xf32, #tpu.memory_space<vmem>>, vector<1x16xf32>,
        %swap3A_242 = vector.shape_cast %swap3A_241 : vector<1x16xf32> to vector<16xf32>
        %swap3A_243 = vector.shape_cast %add3A_238 : vector<16xf32> to vector<1x16xf32>
        tpu.vector_store %arg7[%swap3A_239, %swap3A_240], %swap3A_243 {strides = array<i32>} : memref<32x1024xf32, #tpu.memory_space<vmem>>, vector<1x16xf32>,
        %get3A_244 = arith.index_cast %scan3A_35 : i32 to index
        %get3A_245 = arith.constant 240 : index
        %get3A_246 = tpu.vector_load %arg7[%get3A_244, %get3A_245] {strides = array<i32>} : memref<32x1024xf32, #tpu.memory_space<vmem>>, vector<1x16xf32>,
        %get3A_247 = vector.shape_cast %get3A_246 : vector<1x16xf32> to vector<16xf32>
        %get3A_248 = arith.index_cast %scan3A_35 : i32 to index
        %get3A_249 = arith.constant 240 : index
        %get3A_250 = tpu.vector_load %arg8[%get3A_248, %get3A_249] {strides = array<i32>} : memref<32x1024xf32, #tpu.memory_space<vmem>>, vector<1x16xf32>,
        %get3A_251 = vector.shape_cast %get3A_250 : vector<1x16xf32> to vector<16xf32>
        %add3A_252 = arith.addf %get3A_247, %get3A_251 : vector<16xf32>
        %swap3A_253 = arith.index_cast %scan3A_35 : i32 to index
        %swap3A_254 = arith.constant 240 : index
        %swap3A_255 = tpu.vector_load %arg7[%swap3A_253, %swap3A_254] {strides = array<i32>} : memref<32x1024xf32, #tpu.memory_space<vmem>>, vector<1x16xf32>,
        %swap3A_256 = vector.shape_cast %swap3A_255 : vector<1x16xf32> to vector<16xf32>
        %swap3A_257 = vector.shape_cast %add3A_252 : vector<16xf32> to vector<1x16xf32>
        tpu.vector_store %arg7[%swap3A_253, %swap3A_254], %swap3A_257 {strides = array<i32>} : memref<32x1024xf32, #tpu.memory_space<vmem>>, vector<1x16xf32>,
        %get3A_258 = arith.index_cast %scan3A_35 : i32 to index
        %get3A_259 = arith.constant 256 : index
        %get3A_260 = tpu.vector_load %arg7[%get3A_258, %get3A_259] {strides = array<i32>} : memref<32x1024xf32, #tpu.memory_space<vmem>>, vector<1x16xf32>,
        %get3A_261 = vector.shape_cast %get3A_260 : vector<1x16xf32> to vector<16xf32>
        %get3A_262 = arith.index_cast %scan3A_35 : i32 to index
        %get3A_263 = arith.constant 256 : index
        %get3A_264 = tpu.vector_load %arg8[%get3A_262, %get3A_263] {strides = array<i32>} : memref<32x1024xf32, #tpu.memory_space<vmem>>, vector<1x16xf32>,
        %get3A_265 = vector.shape_cast %get3A_264 : vector<1x16xf32> to vector<16xf32>
        %add3A_266 = arith.addf %get3A_261, %get3A_265 : vector<16xf32>
        %swap3A_267 = arith.index_cast %scan3A_35 : i32 to index
        %swap3A_268 = arith.constant 256 : index
        %swap3A_269 = tpu.vector_load %arg7[%swap3A_267, %swap3A_268] {strides = array<i32>} : memref<32x1024xf32, #tpu.memory_space<vmem>>, vector<1x16xf32>,
        %swap3A_270 = vector.shape_cast %swap3A_269 : vector<1x16xf32> to vector<16xf32>
        %swap3A_271 = vector.shape_cast %add3A_266 : vector<16xf32> to vector<1x16xf32>
        tpu.vector_store %arg7[%swap3A_267, %swap3A_268], %swap3A_271 {strides = array<i32>} : memref<32x1024xf32, #tpu.memory_space<vmem>>, vector<1x16xf32>,
        %get3A_272 = arith.index_cast %scan3A_35 : i32 to index
        %get3A_273 = arith.constant 272 : index
        %get3A_274 = tpu.vector_load %arg7[%get3A_272, %get3A_273] {strides = array<i32>} : memref<32x1024xf32, #tpu.memory_space<vmem>>, vector<1x16xf32>,
        %get3A_275 = vector.shape_cast %get3A_274 : vector<1x16xf32> to vector<16xf32>
        %get3A_276 = arith.index_cast %scan3A_35 : i32 to index
        %get3A_277 = arith.constant 272 : index
        %get3A_278 = tpu.vector_load %arg8[%get3A_276, %get3A_277] {strides = array<i32>} : memref<32x1024xf32, #tpu.memory_space<vmem>>, vector<1x16xf32>,
        %get3A_279 = vector.shape_cast %get3A_278 : vector<1x16xf32> to vector<16xf32>
        %add3A_280 = arith.addf %get3A_275, %get3A_279 : vector<16xf32>
        %swap3A_281 = arith.index_cast %scan3A_35 : i32 to index
        %swap3A_282 = arith.constant 272 : index
        %swap3A_283 = tpu.vector_load %arg7[%swap3A_281, %swap3A_282] {strides = array<i32>} : memref<32x1024xf32, #tpu.memory_space<vmem>>, vector<1x16xf32>,
        %swap3A_284 = vector.shape_cast %swap3A_283 : vector<1x16xf32> to vector<16xf32>
        %swap3A_285 = vector.shape_cast %add3A_280 : vector<16xf32> to vector<1x16xf32>
        tpu.vector_store %arg7[%swap3A_281, %swap3A_282], %swap3A_285 {strides = array<i32>} : memref<32x1024xf32, #tpu.memory_space<vmem>>, vector<1x16xf32>,
        %get3A_286 = arith.index_cast %scan3A_35 : i32 to index
        %get3A_287 = arith.constant 288 : index
        %get3A_288 = tpu.vector_load %arg7[%get3A_286, %get3A_287] {strides = array<i32>} : memref<32x1024xf32, #tpu.memory_space<vmem>>, vector<1x16xf32>,
        %get3A_289 = vector.shape_cast %get3A_288 : vector<1x16xf32> to vector<16xf32>
        %get3A_290 = arith.index_cast %scan3A_35 : i32 to index
        %get3A_291 = arith.constant 288 : index
        %get3A_292 = tpu.vector_load %arg8[%get3A_290, %get3A_291] {strides = array<i32>} : memref<32x1024xf32, #tpu.memory_space<vmem>>, vector<1x16xf32>,
        %get3A_293 = vector.shape_cast %get3A_292 : vector<1x16xf32> to vector<16xf32>
        %add3A_294 = arith.addf %get3A_289, %get3A_293 : vector<16xf32>
        %swap3A_295 = arith.index_cast %scan3A_35 : i32 to index
        %swap3A_296 = arith.constant 288 : index
        %swap3A_297 = tpu.vector_load %arg7[%swap3A_295, %swap3A_296] {strides = array<i32>} : memref<32x1024xf32, #tpu.memory_space<vmem>>, vector<1x16xf32>,
        %swap3A_298 = vector.shape_cast %swap3A_297 : vector<1x16xf32> to vector<16xf32>
        %swap3A_299 = vector.shape_cast %add3A_294 : vector<16xf32> to vector<1x16xf32>
        tpu.vector_store %arg7[%swap3A_295, %swap3A_296], %swap3A_299 {strides = array<i32>} : memref<32x1024xf32, #tpu.memory_space<vmem>>, vector<1x16xf32>,
        %get3A_300 = arith.index_cast %scan3A_35 : i32 to index
        %get3A_301 = arith.constant 304 : index
        %get3A_302 = tpu.vector_load %arg7[%get3A_300, %get3A_301] {strides = array<i32>} : memref<32x1024xf32, #tpu.memory_space<vmem>>, vector<1x16xf32>,
        %get3A_303 = vector.shape_cast %get3A_302 : vector<1x16xf32> to vector<16xf32>
        %get3A_304 = arith.index_cast %scan3A_35 : i32 to index
        %get3A_305 = arith.constant 304 : index
        %get3A_306 = tpu.vector_load %arg8[%get3A_304, %get3A_305] {strides = array<i32>} : memref<32x1024xf32, #tpu.memory_space<vmem>>, vector<1x16xf32>,
        %get3A_307 = vector.shape_cast %get3A_306 : vector<1x16xf32> to vector<16xf32>
        %add3A_308 = arith.addf %get3A_303, %get3A_307 : vector<16xf32>
        %swap3A_309 = arith.index_cast %scan3A_35 : i32 to index
        %swap3A_310 = arith.constant 304 : index
        %swap3A_311 = tpu.vector_load %arg7[%swap3A_309, %swap3A_310] {strides = array<i32>} : memref<32x1024xf32, #tpu.memory_space<vmem>>, vector<1x16xf32>,
        %swap3A_312 = vector.shape_cast %swap3A_311 : vector<1x16xf32> to vector<16xf32>
        %swap3A_313 = vector.shape_cast %add3A_308 : vector<16xf32> to vector<1x16xf32>
        tpu.vector_store %arg7[%swap3A_309, %swap3A_310], %swap3A_313 {strides = array<i32>} : memref<32x1024xf32, #tpu.memory_space<vmem>>, vector<1x16xf32>,
        %get3A_314 = arith.index_cast %scan3A_35 : i32 to index
        %get3A_315 = arith.constant 320 : index
        %get3A_316 = tpu.vector_load %arg7[%get3A_314, %get3A_315] {strides = array<i32>} : memref<32x1024xf32, #tpu.memory_space<vmem>>, vector<1x16xf32>,
        %get3A_317 = vector.shape_cast %get3A_316 : vector<1x16xf32> to vector<16xf32>
        %get3A_318 = arith.index_cast %scan3A_35 : i32 to index
        %get3A_319 = arith.constant 320 : index
        %get3A_320 = tpu.vector_load %arg8[%get3A_318, %get3A_319] {strides = array<i32>} : memref<32x1024xf32, #tpu.memory_space<vmem>>, vector<1x16xf32>,
        %get3A_321 = vector.shape_cast %get3A_320 : vector<1x16xf32> to vector<16xf32>
        %add3A_322 = arith.addf %get3A_317, %get3A_321 : vector<16xf32>
        %swap3A_323 = arith.index_cast %scan3A_35 : i32 to index
        %swap3A_324 = arith.constant 320 : index
        %swap3A_325 = tpu.vector_load %arg7[%swap3A_323, %swap3A_324] {strides = array<i32>} : memref<32x1024xf32, #tpu.memory_space<vmem>>, vector<1x16xf32>,
        %swap3A_326 = vector.shape_cast %swap3A_325 : vector<1x16xf32> to vector<16xf32>
        %swap3A_327 = vector.shape_cast %add3A_322 : vector<16xf32> to vector<1x16xf32>
        tpu.vector_store %arg7[%swap3A_323, %swap3A_324], %swap3A_327 {strides = array<i32>} : memref<32x1024xf32, #tpu.memory_space<vmem>>, vector<1x16xf32>,
        %get3A_328 = arith.index_cast %scan3A_35 : i32 to index
        %get3A_329 = arith.constant 336 : index
        %get3A_330 = tpu.vector_load %arg7[%get3A_328, %get3A_329] {strides = array<i32>} : memref<32x1024xf32, #tpu.memory_space<vmem>>, vector<1x16xf32>,
        %get3A_331 = vector.shape_cast %get3A_330 : vector<1x16xf32> to vector<16xf32>
        %get3A_332 = arith.index_cast %scan3A_35 : i32 to index
        %get3A_333 = arith.constant 336 : index
        %get3A_334 = tpu.vector_load %arg8[%get3A_332, %get3A_333] {strides = array<i32>} : memref<32x1024xf32, #tpu.memory_space<vmem>>, vector<1x16xf32>,
        %get3A_335 = vector.shape_cast %get3A_334 : vector<1x16xf32> to vector<16xf32>
        %add3A_336 = arith.addf %get3A_331, %get3A_335 : vector<16xf32>
        %swap3A_337 = arith.index_cast %scan3A_35 : i32 to index
        %swap3A_338 = arith.constant 336 : index
        %swap3A_339 = tpu.vector_load %arg7[%swap3A_337, %swap3A_338] {strides = array<i32>} : memref<32x1024xf32, #tpu.memory_space<vmem>>, vector<1x16xf32>,
        %swap3A_340 = vector.shape_cast %swap3A_339 : vector<1x16xf32> to vector<16xf32>
        %swap3A_341 = vector.shape_cast %add3A_336 : vector<16xf32> to vector<1x16xf32>
        tpu.vector_store %arg7[%swap3A_337, %swap3A_338], %swap3A_341 {strides = array<i32>} : memref<32x1024xf32, #tpu.memory_space<vmem>>, vector<1x16xf32>,
        %get3A_342 = arith.index_cast %scan3A_35 : i32 to index
        %get3A_343 = arith.constant 352 : index
        %get3A_344 = tpu.vector_load %arg7[%get3A_342, %get3A_343] {strides = array<i32>} : memref<32x1024xf32, #tpu.memory_space<vmem>>, vector<1x16xf32>,
        %get3A_345 = vector.shape_cast %get3A_344 : vector<1x16xf32> to vector<16xf32>
        %get3A_346 = arith.index_cast %scan3A_35 : i32 to index
        %get3A_347 = arith.constant 352 : index
        %get3A_348 = tpu.vector_load %arg8[%get3A_346, %get3A_347] {strides = array<i32>} : memref<32x1024xf32, #tpu.memory_space<vmem>>, vector<1x16xf32>,
        %get3A_349 = vector.shape_cast %get3A_348 : vector<1x16xf32> to vector<16xf32>
        %add3A_350 = arith.addf %get3A_345, %get3A_349 : vector<16xf32>
        %swap3A_351 = arith.index_cast %scan3A_35 : i32 to index
        %swap3A_352 = arith.constant 352 : index
        %swap3A_353 = tpu.vector_load %arg7[%swap3A_351, %swap3A_352] {strides = array<i32>} : memref<32x1024xf32, #tpu.memory_space<vmem>>, vector<1x16xf32>,
        %swap3A_354 = vector.shape_cast %swap3A_353 : vector<1x16xf32> to vector<16xf32>
        %swap3A_355 = vector.shape_cast %add3A_350 : vector<16xf32> to vector<1x16xf32>
        tpu.vector_store %arg7[%swap3A_351, %swap3A_352], %swap3A_355 {strides = array<i32>} : memref<32x1024xf32, #tpu.memory_space<vmem>>, vector<1x16xf32>,
        %get3A_356 = arith.index_cast %scan3A_35 : i32 to index
        %get3A_357 = arith.constant 368 : index
        %get3A_358 = tpu.vector_load %arg7[%get3A_356, %get3A_357] {strides = array<i32>} : memref<32x1024xf32, #tpu.memory_space<vmem>>, vector<1x16xf32>,
        %get3A_359 = vector.shape_cast %get3A_358 : vector<1x16xf32> to vector<16xf32>
        %get3A_360 = arith.index_cast %scan3A_35 : i32 to index
        %get3A_361 = arith.constant 368 : index
        %get3A_362 = tpu.vector_load %arg8[%get3A_360, %get3A_361] {strides = array<i32>} : memref<32x1024xf32, #tpu.memory_space<vmem>>, vector<1x16xf32>,
        %get3A_363 = vector.shape_cast %get3A_362 : vector<1x16xf32> to vector<16xf32>
        %add3A_364 = arith.addf %get3A_359, %get3A_363 : vector<16xf32>
        %swap3A_365 = arith.index_cast %scan3A_35 : i32 to index
        %swap3A_366 = arith.constant 368 : index
        %swap3A_367 = tpu.vector_load %arg7[%swap3A_365, %swap3A_366] {strides = array<i32>} : memref<32x1024xf32, #tpu.memory_space<vmem>>, vector<1x16xf32>,
        %swap3A_368 = vector.shape_cast %swap3A_367 : vector<1x16xf32> to vector<16xf32>
        %swap3A_369 = vector.shape_cast %add3A_364 : vector<16xf32> to vector<1x16xf32>
        tpu.vector_store %arg7[%swap3A_365, %swap3A_366], %swap3A_369 {strides = array<i32>} : memref<32x1024xf32, #tpu.memory_space<vmem>>, vector<1x16xf32>,
        %get3A_370 = arith.index_cast %scan3A_35 : i32 to index
        %get3A_371 = arith.constant 384 : index
        %get3A_372 = tpu.vector_load %arg7[%get3A_370, %get3A_371] {strides = array<i32>} : memref<32x1024xf32, #tpu.memory_space<vmem>>, vector<1x16xf32>,
        %get3A_373 = vector.shape_cast %get3A_372 : vector<1x16xf32> to vector<16xf32>
        %get3A_374 = arith.index_cast %scan3A_35 : i32 to index
        %get3A_375 = arith.constant 384 : index
        %get3A_376 = tpu.vector_load %arg8[%get3A_374, %get3A_375] {strides = array<i32>} : memref<32x1024xf32, #tpu.memory_space<vmem>>, vector<1x16xf32>,
        %get3A_377 = vector.shape_cast %get3A_376 : vector<1x16xf32> to vector<16xf32>
        %add3A_378 = arith.addf %get3A_373, %get3A_377 : vector<16xf32>
        %swap3A_379 = arith.index_cast %scan3A_35 : i32 to index
        %swap3A_380 = arith.constant 384 : index
        %swap3A_381 = tpu.vector_load %arg7[%swap3A_379, %swap3A_380] {strides = array<i32>} : memref<32x1024xf32, #tpu.memory_space<vmem>>, vector<1x16xf32>,
        %swap3A_382 = vector.shape_cast %swap3A_381 : vector<1x16xf32> to vector<16xf32>
        %swap3A_383 = vector.shape_cast %add3A_378 : vector<16xf32> to vector<1x16xf32>
        tpu.vector_store %arg7[%swap3A_379, %swap3A_380], %swap3A_383 {strides = array<i32>} : memref<32x1024xf32, #tpu.memory_space<vmem>>, vector<1x16xf32>,
        %get3A_384 = arith.index_cast %scan3A_35 : i32 to index
        %get3A_385 = arith.constant 400 : index
        %get3A_386 = tpu.vector_load %arg7[%get3A_384, %get3A_385] {strides = array<i32>} : memref<32x1024xf32, #tpu.memory_space<vmem>>, vector<1x16xf32>,
        %get3A_387 = vector.shape_cast %get3A_386 : vector<1x16xf32> to vector<16xf32>
        %get3A_388 = arith.index_cast %scan3A_35 : i32 to index
        %get3A_389 = arith.constant 400 : index
        %get3A_390 = tpu.vector_load %arg8[%get3A_388, %get3A_389] {strides = array<i32>} : memref<32x1024xf32, #tpu.memory_space<vmem>>, vector<1x16xf32>,
        %get3A_391 = vector.shape_cast %get3A_390 : vector<1x16xf32> to vector<16xf32>
        %add3A_392 = arith.addf %get3A_387, %get3A_391 : vector<16xf32>
        %swap3A_393 = arith.index_cast %scan3A_35 : i32 to index
        %swap3A_394 = arith.constant 400 : index
        %swap3A_395 = tpu.vector_load %arg7[%swap3A_393, %swap3A_394] {strides = array<i32>} : memref<32x1024xf32, #tpu.memory_space<vmem>>, vector<1x16xf32>,
        %swap3A_396 = vector.shape_cast %swap3A_395 : vector<1x16xf32> to vector<16xf32>
        %swap3A_397 = vector.shape_cast %add3A_392 : vector<16xf32> to vector<1x16xf32>
        tpu.vector_store %arg7[%swap3A_393, %swap3A_394], %swap3A_397 {strides = array<i32>} : memref<32x1024xf32, #tpu.memory_space<vmem>>, vector<1x16xf32>,
        %get3A_398 = arith.index_cast %scan3A_35 : i32 to index
        %get3A_399 = arith.constant 416 : index
        %get3A_400 = tpu.vector_load %arg7[%get3A_398, %get3A_399] {strides = array<i32>} : memref<32x1024xf32, #tpu.memory_space<vmem>>, vector<1x16xf32>,
        %get3A_401 = vector.shape_cast %get3A_400 : vector<1x16xf32> to vector<16xf32>
        %get3A_402 = arith.index_cast %scan3A_35 : i32 to index
        %get3A_403 = arith.constant 416 : index
        %get3A_404 = tpu.vector_load %arg8[%get3A_402, %get3A_403] {strides = array<i32>} : memref<32x1024xf32, #tpu.memory_space<vmem>>, vector<1x16xf32>,
        %get3A_405 = vector.shape_cast %get3A_404 : vector<1x16xf32> to vector<16xf32>
        %add3A_406 = arith.addf %get3A_401, %get3A_405 : vector<16xf32>
        %swap3A_407 = arith.index_cast %scan3A_35 : i32 to index
        %swap3A_408 = arith.constant 416 : index
        %swap3A_409 = tpu.vector_load %arg7[%swap3A_407, %swap3A_408] {strides = array<i32>} : memref<32x1024xf32, #tpu.memory_space<vmem>>, vector<1x16xf32>,
        %swap3A_410 = vector.shape_cast %swap3A_409 : vector<1x16xf32> to vector<16xf32>
        %swap3A_411 = vector.shape_cast %add3A_406 : vector<16xf32> to vector<1x16xf32>
        tpu.vector_store %arg7[%swap3A_407, %swap3A_408], %swap3A_411 {strides = array<i32>} : memref<32x1024xf32, #tpu.memory_space<vmem>>, vector<1x16xf32>,
        %get3A_412 = arith.index_cast %scan3A_35 : i32 to index
        %get3A_413 = arith.constant 432 : index
        %get3A_414 = tpu.vector_load %arg7[%get3A_412, %get3A_413] {strides = array<i32>} : memref<32x1024xf32, #tpu.memory_space<vmem>>, vector<1x16xf32>,
        %get3A_415 = vector.shape_cast %get3A_414 : vector<1x16xf32> to vector<16xf32>
        %get3A_416 = arith.index_cast %scan3A_35 : i32 to index
        %get3A_417 = arith.constant 432 : index
        %get3A_418 = tpu.vector_load %arg8[%get3A_416, %get3A_417] {strides = array<i32>} : memref<32x1024xf32, #tpu.memory_space<vmem>>, vector<1x16xf32>,
        %get3A_419 = vector.shape_cast %get3A_418 : vector<1x16xf32> to vector<16xf32>
        %add3A_420 = arith.addf %get3A_415, %get3A_419 : vector<16xf32>
        %swap3A_421 = arith.index_cast %scan3A_35 : i32 to index
        %swap3A_422 = arith.constant 432 : index
        %swap3A_423 = tpu.vector_load %arg7[%swap3A_421, %swap3A_422] {strides = array<i32>} : memref<32x1024xf32, #tpu.memory_space<vmem>>, vector<1x16xf32>,
        %swap3A_424 = vector.shape_cast %swap3A_423 : vector<1x16xf32> to vector<16xf32>
        %swap3A_425 = vector.shape_cast %add3A_420 : vector<16xf32> to vector<1x16xf32>
        tpu.vector_store %arg7[%swap3A_421, %swap3A_422], %swap3A_425 {strides = array<i32>} : memref<32x1024xf32, #tpu.memory_space<vmem>>, vector<1x16xf32>,
        %get3A_426 = arith.index_cast %scan3A_35 : i32 to index
        %get3A_427 = arith.constant 448 : index
        %get3A_428 = tpu.vector_load %arg7[%get3A_426, %get3A_427] {strides = array<i32>} : memref<32x1024xf32, #tpu.memory_space<vmem>>, vector<1x16xf32>,
        %get3A_429 = vector.shape_cast %get3A_428 : vector<1x16xf32> to vector<16xf32>
        %get3A_430 = arith.index_cast %scan3A_35 : i32 to index
        %get3A_431 = arith.constant 448 : index
        %get3A_432 = tpu.vector_load %arg8[%get3A_430, %get3A_431] {strides = array<i32>} : memref<32x1024xf32, #tpu.memory_space<vmem>>, vector<1x16xf32>,
        %get3A_433 = vector.shape_cast %get3A_432 : vector<1x16xf32> to vector<16xf32>
        %add3A_434 = arith.addf %get3A_429, %get3A_433 : vector<16xf32>
        %swap3A_435 = arith.index_cast %scan3A_35 : i32 to index
        %swap3A_436 = arith.constant 448 : index
        %swap3A_437 = tpu.vector_load %arg7[%swap3A_435, %swap3A_436] {strides = array<i32>} : memref<32x1024xf32, #tpu.memory_space<vmem>>, vector<1x16xf32>,
        %swap3A_438 = vector.shape_cast %swap3A_437 : vector<1x16xf32> to vector<16xf32>
        %swap3A_439 = vector.shape_cast %add3A_434 : vector<16xf32> to vector<1x16xf32>
        tpu.vector_store %arg7[%swap3A_435, %swap3A_436], %swap3A_439 {strides = array<i32>} : memref<32x1024xf32, #tpu.memory_space<vmem>>, vector<1x16xf32>,
        %get3A_440 = arith.index_cast %scan3A_35 : i32 to index
        %get3A_441 = arith.constant 464 : index
        %get3A_442 = tpu.vector_load %arg7[%get3A_440, %get3A_441] {strides = array<i32>} : memref<32x1024xf32, #tpu.memory_space<vmem>>, vector<1x16xf32>,
        %get3A_443 = vector.shape_cast %get3A_442 : vector<1x16xf32> to vector<16xf32>
        %get3A_444 = arith.index_cast %scan3A_35 : i32 to index
        %get3A_445 = arith.constant 464 : index
        %get3A_446 = tpu.vector_load %arg8[%get3A_444, %get3A_445] {strides = array<i32>} : memref<32x1024xf32, #tpu.memory_space<vmem>>, vector<1x16xf32>,
        %get3A_447 = vector.shape_cast %get3A_446 : vector<1x16xf32> to vector<16xf32>
        %add3A_448 = arith.addf %get3A_443, %get3A_447 : vector<16xf32>
        %swap3A_449 = arith.index_cast %scan3A_35 : i32 to index
        %swap3A_450 = arith.constant 464 : index
        %swap3A_451 = tpu.vector_load %arg7[%swap3A_449, %swap3A_450] {strides = array<i32>} : memref<32x1024xf32, #tpu.memory_space<vmem>>, vector<1x16xf32>,
        %swap3A_452 = vector.shape_cast %swap3A_451 : vector<1x16xf32> to vector<16xf32>
        %swap3A_453 = vector.shape_cast %add3A_448 : vector<16xf32> to vector<1x16xf32>
        tpu.vector_store %arg7[%swap3A_449, %swap3A_450], %swap3A_453 {strides = array<i32>} : memref<32x1024xf32, #tpu.memory_space<vmem>>, vector<1x16xf32>,
        %get3A_454 = arith.index_cast %scan3A_35 : i32 to index
        %get3A_455 = arith.constant 480 : index
        %get3A_456 = tpu.vector_load %arg7[%get3A_454, %get3A_455] {strides = array<i32>} : memref<32x1024xf32, #tpu.memory_space<vmem>>, vector<1x16xf32>,
        %get3A_457 = vector.shape_cast %get3A_456 : vector<1x16xf32> to vector<16xf32>
        %get3A_458 = arith.index_cast %scan3A_35 : i32 to index
        %get3A_459 = arith.constant 480 : index
        %get3A_460 = tpu.vector_load %arg8[%get3A_458, %get3A_459] {strides = array<i32>} : memref<32x1024xf32, #tpu.memory_space<vmem>>, vector<1x16xf32>,
        %get3A_461 = vector.shape_cast %get3A_460 : vector<1x16xf32> to vector<16xf32>
        %add3A_462 = arith.addf %get3A_457, %get3A_461 : vector<16xf32>
        %swap3A_463 = arith.index_cast %scan3A_35 : i32 to index
        %swap3A_464 = arith.constant 480 : index
        %swap3A_465 = tpu.vector_load %arg7[%swap3A_463, %swap3A_464] {strides = array<i32>} : memref<32x1024xf32, #tpu.memory_space<vmem>>, vector<1x16xf32>,
        %swap3A_466 = vector.shape_cast %swap3A_465 : vector<1x16xf32> to vector<16xf32>
        %swap3A_467 = vector.shape_cast %add3A_462 : vector<16xf32> to vector<1x16xf32>
        tpu.vector_store %arg7[%swap3A_463, %swap3A_464], %swap3A_467 {strides = array<i32>} : memref<32x1024xf32, #tpu.memory_space<vmem>>, vector<1x16xf32>,
        %get3A_468 = arith.index_cast %scan3A_35 : i32 to index
        %get3A_469 = arith.constant 496 : index
        %get3A_470 = tpu.vector_load %arg7[%get3A_468, %get3A_469] {strides = array<i32>} : memref<32x1024xf32, #tpu.memory_space<vmem>>, vector<1x16xf32>,
        %get3A_471 = vector.shape_cast %get3A_470 : vector<1x16xf32> to vector<16xf32>
        %get3A_472 = arith.index_cast %scan3A_35 : i32 to index
        %get3A_473 = arith.constant 496 : index
        %get3A_474 = tpu.vector_load %arg8[%get3A_472, %get3A_473] {strides = array<i32>} : memref<32x1024xf32, #tpu.memory_space<vmem>>, vector<1x16xf32>,
        %get3A_475 = vector.shape_cast %get3A_474 : vector<1x16xf32> to vector<16xf32>
        %add3A_476 = arith.addf %get3A_471, %get3A_475 : vector<16xf32>
        %swap3A_477 = arith.index_cast %scan3A_35 : i32 to index
        %swap3A_478 = arith.constant 496 : index
        %swap3A_479 = tpu.vector_load %arg7[%swap3A_477, %swap3A_478] {strides = array<i32>} : memref<32x1024xf32, #tpu.memory_space<vmem>>, vector<1x16xf32>,
        %swap3A_480 = vector.shape_cast %swap3A_479 : vector<1x16xf32> to vector<16xf32>
        %swap3A_481 = vector.shape_cast %add3A_476 : vector<16xf32> to vector<1x16xf32>
        tpu.vector_store %arg7[%swap3A_477, %swap3A_478], %swap3A_481 {strides = array<i32>} : memref<32x1024xf32, #tpu.memory_space<vmem>>, vector<1x16xf32>,
        %get3A_482 = arith.index_cast %scan3A_35 : i32 to index
        %get3A_483 = arith.constant 512 : index
        %get3A_484 = tpu.vector_load %arg7[%get3A_482, %get3A_483] {strides = array<i32>} : memref<32x1024xf32, #tpu.memory_space<vmem>>, vector<1x16xf32>,
        %get3A_485 = vector.shape_cast %get3A_484 : vector<1x16xf32> to vector<16xf32>
        %get3A_486 = arith.index_cast %scan3A_35 : i32 to index
        %get3A_487 = arith.constant 512 : index
        %get3A_488 = tpu.vector_load %arg8[%get3A_486, %get3A_487] {strides = array<i32>} : memref<32x1024xf32, #tpu.memory_space<vmem>>, vector<1x16xf32>,
        %get3A_489 = vector.shape_cast %get3A_488 : vector<1x16xf32> to vector<16xf32>
        %add3A_490 = arith.addf %get3A_485, %get3A_489 : vector<16xf32>
        %swap3A_491 = arith.index_cast %scan3A_35 : i32 to index
        %swap3A_492 = arith.constant 512 : index
        %swap3A_493 = tpu.vector_load %arg7[%swap3A_491, %swap3A_492] {strides = array<i32>} : memref<32x1024xf32, #tpu.memory_space<vmem>>, vector<1x16xf32>,
        %swap3A_494 = vector.shape_cast %swap3A_493 : vector<1x16xf32> to vector<16xf32>
        %swap3A_495 = vector.shape_cast %add3A_490 : vector<16xf32> to vector<1x16xf32>
        tpu.vector_store %arg7[%swap3A_491, %swap3A_492], %swap3A_495 {strides = array<i32>} : memref<32x1024xf32, #tpu.memory_space<vmem>>, vector<1x16xf32>,
        %get3A_496 = arith.index_cast %scan3A_35 : i32 to index
        %get3A_497 = arith.constant 528 : index
        %get3A_498 = tpu.vector_load %arg7[%get3A_496, %get3A_497] {strides = array<i32>} : memref<32x1024xf32, #tpu.memory_space<vmem>>, vector<1x16xf32>,
        %get3A_499 = vector.shape_cast %get3A_498 : vector<1x16xf32> to vector<16xf32>
        %get3A_500 = arith.index_cast %scan3A_35 : i32 to index
        %get3A_501 = arith.constant 528 : index
        %get3A_502 = tpu.vector_load %arg8[%get3A_500, %get3A_501] {strides = array<i32>} : memref<32x1024xf32, #tpu.memory_space<vmem>>, vector<1x16xf32>,
        %get3A_503 = vector.shape_cast %get3A_502 : vector<1x16xf32> to vector<16xf32>
        %add3A_504 = arith.addf %get3A_499, %get3A_503 : vector<16xf32>
        %swap3A_505 = arith.index_cast %scan3A_35 : i32 to index
        %swap3A_506 = arith.constant 528 : index
        %swap3A_507 = tpu.vector_load %arg7[%swap3A_505, %swap3A_506] {strides = array<i32>} : memref<32x1024xf32, #tpu.memory_space<vmem>>, vector<1x16xf32>,
        %swap3A_508 = vector.shape_cast %swap3A_507 : vector<1x16xf32> to vector<16xf32>
        %swap3A_509 = vector.shape_cast %add3A_504 : vector<16xf32> to vector<1x16xf32>
        tpu.vector_store %arg7[%swap3A_505, %swap3A_506], %swap3A_509 {strides = array<i32>} : memref<32x1024xf32, #tpu.memory_space<vmem>>, vector<1x16xf32>,
        %get3A_510 = arith.index_cast %scan3A_35 : i32 to index
        %get3A_511 = arith.constant 544 : index
        %get3A_512 = tpu.vector_load %arg7[%get3A_510, %get3A_511] {strides = array<i32>} : memref<32x1024xf32, #tpu.memory_space<vmem>>, vector<1x16xf32>,
        %get3A_513 = vector.shape_cast %get3A_512 : vector<1x16xf32> to vector<16xf32>
        %get3A_514 = arith.index_cast %scan3A_35 : i32 to index
        %get3A_515 = arith.constant 544 : index
        %get3A_516 = tpu.vector_load %arg8[%get3A_514, %get3A_515] {strides = array<i32>} : memref<32x1024xf32, #tpu.memory_space<vmem>>, vector<1x16xf32>,
        %get3A_517 = vector.shape_cast %get3A_516 : vector<1x16xf32> to vector<16xf32>
        %add3A_518 = arith.addf %get3A_513, %get3A_517 : vector<16xf32>
        %swap3A_519 = arith.index_cast %scan3A_35 : i32 to index
        %swap3A_520 = arith.constant 544 : index
        %swap3A_521 = tpu.vector_load %arg7[%swap3A_519, %swap3A_520] {strides = array<i32>} : memref<32x1024xf32, #tpu.memory_space<vmem>>, vector<1x16xf32>,
        %swap3A_522 = vector.shape_cast %swap3A_521 : vector<1x16xf32> to vector<16xf32>
        %swap3A_523 = vector.shape_cast %add3A_518 : vector<16xf32> to vector<1x16xf32>
        tpu.vector_store %arg7[%swap3A_519, %swap3A_520], %swap3A_523 {strides = array<i32>} : memref<32x1024xf32, #tpu.memory_space<vmem>>, vector<1x16xf32>,
        %get3A_524 = arith.index_cast %scan3A_35 : i32 to index
        %get3A_525 = arith.constant 560 : index
        %get3A_526 = tpu.vector_load %arg7[%get3A_524, %get3A_525] {strides = array<i32>} : memref<32x1024xf32, #tpu.memory_space<vmem>>, vector<1x16xf32>,
        %get3A_527 = vector.shape_cast %get3A_526 : vector<1x16xf32> to vector<16xf32>
        %get3A_528 = arith.index_cast %scan3A_35 : i32 to index
        %get3A_529 = arith.constant 560 : index
        %get3A_530 = tpu.vector_load %arg8[%get3A_528, %get3A_529] {strides = array<i32>} : memref<32x1024xf32, #tpu.memory_space<vmem>>, vector<1x16xf32>,
        %get3A_531 = vector.shape_cast %get3A_530 : vector<1x16xf32> to vector<16xf32>
        %add3A_532 = arith.addf %get3A_527, %get3A_531 : vector<16xf32>
        %swap3A_533 = arith.index_cast %scan3A_35 : i32 to index
        %swap3A_534 = arith.constant 560 : index
        %swap3A_535 = tpu.vector_load %arg7[%swap3A_533, %swap3A_534] {strides = array<i32>} : memref<32x1024xf32, #tpu.memory_space<vmem>>, vector<1x16xf32>,
        %swap3A_536 = vector.shape_cast %swap3A_535 : vector<1x16xf32> to vector<16xf32>
        %swap3A_537 = vector.shape_cast %add3A_532 : vector<16xf32> to vector<1x16xf32>
        tpu.vector_store %arg7[%swap3A_533, %swap3A_534], %swap3A_537 {strides = array<i32>} : memref<32x1024xf32, #tpu.memory_space<vmem>>, vector<1x16xf32>,
        %get3A_538 = arith.index_cast %scan3A_35 : i32 to index
        %get3A_539 = arith.constant 576 : index
        %get3A_540 = tpu.vector_load %arg7[%get3A_538, %get3A_539] {strides = array<i32>} : memref<32x1024xf32, #tpu.memory_space<vmem>>, vector<1x16xf32>,
        %get3A_541 = vector.shape_cast %get3A_540 : vector<1x16xf32> to vector<16xf32>
        %get3A_542 = arith.index_cast %scan3A_35 : i32 to index
        %get3A_543 = arith.constant 576 : index
        %get3A_544 = tpu.vector_load %arg8[%get3A_542, %get3A_543] {strides = array<i32>} : memref<32x1024xf32, #tpu.memory_space<vmem>>, vector<1x16xf32>,
        %get3A_545 = vector.shape_cast %get3A_544 : vector<1x16xf32> to vector<16xf32>
        %add3A_546 = arith.addf %get3A_541, %get3A_545 : vector<16xf32>
        %swap3A_547 = arith.index_cast %scan3A_35 : i32 to index
        %swap3A_548 = arith.constant 576 : index
        %swap3A_549 = tpu.vector_load %arg7[%swap3A_547, %swap3A_548] {strides = array<i32>} : memref<32x1024xf32, #tpu.memory_space<vmem>>, vector<1x16xf32>,
        %swap3A_550 = vector.shape_cast %swap3A_549 : vector<1x16xf32> to vector<16xf32>
        %swap3A_551 = vector.shape_cast %add3A_546 : vector<16xf32> to vector<1x16xf32>
        tpu.vector_store %arg7[%swap3A_547, %swap3A_548], %swap3A_551 {strides = array<i32>} : memref<32x1024xf32, #tpu.memory_space<vmem>>, vector<1x16xf32>,
        %get3A_552 = arith.index_cast %scan3A_35 : i32 to index
        %get3A_553 = arith.constant 592 : index
        %get3A_554 = tpu.vector_load %arg7[%get3A_552, %get3A_553] {strides = array<i32>} : memref<32x1024xf32, #tpu.memory_space<vmem>>, vector<1x16xf32>,
        %get3A_555 = vector.shape_cast %get3A_554 : vector<1x16xf32> to vector<16xf32>
        %get3A_556 = arith.index_cast %scan3A_35 : i32 to index
        %get3A_557 = arith.constant 592 : index
        %get3A_558 = tpu.vector_load %arg8[%get3A_556, %get3A_557] {strides = array<i32>} : memref<32x1024xf32, #tpu.memory_space<vmem>>, vector<1x16xf32>,
        %get3A_559 = vector.shape_cast %get3A_558 : vector<1x16xf32> to vector<16xf32>
        %add3A_560 = arith.addf %get3A_555, %get3A_559 : vector<16xf32>
        %swap3A_561 = arith.index_cast %scan3A_35 : i32 to index
        %swap3A_562 = arith.constant 592 : index
        %swap3A_563 = tpu.vector_load %arg7[%swap3A_561, %swap3A_562] {strides = array<i32>} : memref<32x1024xf32, #tpu.memory_space<vmem>>, vector<1x16xf32>,
        %swap3A_564 = vector.shape_cast %swap3A_563 : vector<1x16xf32> to vector<16xf32>
        %swap3A_565 = vector.shape_cast %add3A_560 : vector<16xf32> to vector<1x16xf32>
        tpu.vector_store %arg7[%swap3A_561, %swap3A_562], %swap3A_565 {strides = array<i32>} : memref<32x1024xf32, #tpu.memory_space<vmem>>, vector<1x16xf32>,
        %get3A_566 = arith.index_cast %scan3A_35 : i32 to index
        %get3A_567 = arith.constant 608 : index
        %get3A_568 = tpu.vector_load %arg7[%get3A_566, %get3A_567] {strides = array<i32>} : memref<32x1024xf32, #tpu.memory_space<vmem>>, vector<1x16xf32>,
        %get3A_569 = vector.shape_cast %get3A_568 : vector<1x16xf32> to vector<16xf32>
        %get3A_570 = arith.index_cast %scan3A_35 : i32 to index
        %get3A_571 = arith.constant 608 : index
        %get3A_572 = tpu.vector_load %arg8[%get3A_570, %get3A_571] {strides = array<i32>} : memref<32x1024xf32, #tpu.memory_space<vmem>>, vector<1x16xf32>,
        %get3A_573 = vector.shape_cast %get3A_572 : vector<1x16xf32> to vector<16xf32>
        %add3A_574 = arith.addf %get3A_569, %get3A_573 : vector<16xf32>
        %swap3A_575 = arith.index_cast %scan3A_35 : i32 to index
        %swap3A_576 = arith.constant 608 : index
        %swap3A_577 = tpu.vector_load %arg7[%swap3A_575, %swap3A_576] {strides = array<i32>} : memref<32x1024xf32, #tpu.memory_space<vmem>>, vector<1x16xf32>,
        %swap3A_578 = vector.shape_cast %swap3A_577 : vector<1x16xf32> to vector<16xf32>
        %swap3A_579 = vector.shape_cast %add3A_574 : vector<16xf32> to vector<1x16xf32>
        tpu.vector_store %arg7[%swap3A_575, %swap3A_576], %swap3A_579 {strides = array<i32>} : memref<32x1024xf32, #tpu.memory_space<vmem>>, vector<1x16xf32>,
        %get3A_580 = arith.index_cast %scan3A_35 : i32 to index
        %get3A_581 = arith.constant 624 : index
        %get3A_582 = tpu.vector_load %arg7[%get3A_580, %get3A_581] {strides = array<i32>} : memref<32x1024xf32, #tpu.memory_space<vmem>>, vector<1x16xf32>,
        %get3A_583 = vector.shape_cast %get3A_582 : vector<1x16xf32> to vector<16xf32>
        %get3A_584 = arith.index_cast %scan3A_35 : i32 to index
        %get3A_585 = arith.constant 624 : index
        %get3A_586 = tpu.vector_load %arg8[%get3A_584, %get3A_585] {strides = array<i32>} : memref<32x1024xf32, #tpu.memory_space<vmem>>, vector<1x16xf32>,
        %get3A_587 = vector.shape_cast %get3A_586 : vector<1x16xf32> to vector<16xf32>
        %add3A_588 = arith.addf %get3A_583, %get3A_587 : vector<16xf32>
        %swap3A_589 = arith.index_cast %scan3A_35 : i32 to index
        %swap3A_590 = arith.constant 624 : index
        %swap3A_591 = tpu.vector_load %arg7[%swap3A_589, %swap3A_590] {strides = array<i32>} : memref<32x1024xf32, #tpu.memory_space<vmem>>, vector<1x16xf32>,
        %swap3A_592 = vector.shape_cast %swap3A_591 : vector<1x16xf32> to vector<16xf32>
        %swap3A_593 = vector.shape_cast %add3A_588 : vector<16xf32> to vector<1x16xf32>
        tpu.vector_store %arg7[%swap3A_589, %swap3A_590], %swap3A_593 {strides = array<i32>} : memref<32x1024xf32, #tpu.memory_space<vmem>>, vector<1x16xf32>,
        %get3A_594 = arith.index_cast %scan3A_35 : i32 to index
        %get3A_595 = arith.constant 640 : index
        %get3A_596 = tpu.vector_load %arg7[%get3A_594, %get3A_595] {strides = array<i32>} : memref<32x1024xf32, #tpu.memory_space<vmem>>, vector<1x16xf32>,
        %get3A_597 = vector.shape_cast %get3A_596 : vector<1x16xf32> to vector<16xf32>
        %get3A_598 = arith.index_cast %scan3A_35 : i32 to index
        %get3A_599 = arith.constant 640 : index
        %get3A_600 = tpu.vector_load %arg8[%get3A_598, %get3A_599] {strides = array<i32>} : memref<32x1024xf32, #tpu.memory_space<vmem>>, vector<1x16xf32>,
        %get3A_601 = vector.shape_cast %get3A_600 : vector<1x16xf32> to vector<16xf32>
        %add3A_602 = arith.addf %get3A_597, %get3A_601 : vector<16xf32>
        %swap3A_603 = arith.index_cast %scan3A_35 : i32 to index
        %swap3A_604 = arith.constant 640 : index
        %swap3A_605 = tpu.vector_load %arg7[%swap3A_603, %swap3A_604] {strides = array<i32>} : memref<32x1024xf32, #tpu.memory_space<vmem>>, vector<1x16xf32>,
        %swap3A_606 = vector.shape_cast %swap3A_605 : vector<1x16xf32> to vector<16xf32>
        %swap3A_607 = vector.shape_cast %add3A_602 : vector<16xf32> to vector<1x16xf32>
        tpu.vector_store %arg7[%swap3A_603, %swap3A_604], %swap3A_607 {strides = array<i32>} : memref<32x1024xf32, #tpu.memory_space<vmem>>, vector<1x16xf32>,
        %get3A_608 = arith.index_cast %scan3A_35 : i32 to index
        %get3A_609 = arith.constant 656 : index
        %get3A_610 = tpu.vector_load %arg7[%get3A_608, %get3A_609] {strides = array<i32>} : memref<32x1024xf32, #tpu.memory_space<vmem>>, vector<1x16xf32>,
        %get3A_611 = vector.shape_cast %get3A_610 : vector<1x16xf32> to vector<16xf32>
        %get3A_612 = arith.index_cast %scan3A_35 : i32 to index
        %get3A_613 = arith.constant 656 : index
        %get3A_614 = tpu.vector_load %arg8[%get3A_612, %get3A_613] {strides = array<i32>} : memref<32x1024xf32, #tpu.memory_space<vmem>>, vector<1x16xf32>,
        %get3A_615 = vector.shape_cast %get3A_614 : vector<1x16xf32> to vector<16xf32>
        %add3A_616 = arith.addf %get3A_611, %get3A_615 : vector<16xf32>
        %swap3A_617 = arith.index_cast %scan3A_35 : i32 to index
        %swap3A_618 = arith.constant 656 : index
        %swap3A_619 = tpu.vector_load %arg7[%swap3A_617, %swap3A_618] {strides = array<i32>} : memref<32x1024xf32, #tpu.memory_space<vmem>>, vector<1x16xf32>,
        %swap3A_620 = vector.shape_cast %swap3A_619 : vector<1x16xf32> to vector<16xf32>
        %swap3A_621 = vector.shape_cast %add3A_616 : vector<16xf32> to vector<1x16xf32>
        tpu.vector_store %arg7[%swap3A_617, %swap3A_618], %swap3A_621 {strides = array<i32>} : memref<32x1024xf32, #tpu.memory_space<vmem>>, vector<1x16xf32>,
        %get3A_622 = arith.index_cast %scan3A_35 : i32 to index
        %get3A_623 = arith.constant 672 : index
        %get3A_624 = tpu.vector_load %arg7[%get3A_622, %get3A_623] {strides = array<i32>} : memref<32x1024xf32, #tpu.memory_space<vmem>>, vector<1x16xf32>,
        %get3A_625 = vector.shape_cast %get3A_624 : vector<1x16xf32> to vector<16xf32>
        %get3A_626 = arith.index_cast %scan3A_35 : i32 to index
        %get3A_627 = arith.constant 672 : index
        %get3A_628 = tpu.vector_load %arg8[%get3A_626, %get3A_627] {strides = array<i32>} : memref<32x1024xf32, #tpu.memory_space<vmem>>, vector<1x16xf32>,
        %get3A_629 = vector.shape_cast %get3A_628 : vector<1x16xf32> to vector<16xf32>
        %add3A_630 = arith.addf %get3A_625, %get3A_629 : vector<16xf32>
        %swap3A_631 = arith.index_cast %scan3A_35 : i32 to index
        %swap3A_632 = arith.constant 672 : index
        %swap3A_633 = tpu.vector_load %arg7[%swap3A_631, %swap3A_632] {strides = array<i32>} : memref<32x1024xf32, #tpu.memory_space<vmem>>, vector<1x16xf32>,
        %swap3A_634 = vector.shape_cast %swap3A_633 : vector<1x16xf32> to vector<16xf32>
        %swap3A_635 = vector.shape_cast %add3A_630 : vector<16xf32> to vector<1x16xf32>
        tpu.vector_store %arg7[%swap3A_631, %swap3A_632], %swap3A_635 {strides = array<i32>} : memref<32x1024xf32, #tpu.memory_space<vmem>>, vector<1x16xf32>,
        %get3A_636 = arith.index_cast %scan3A_35 : i32 to index
        %get3A_637 = arith.constant 688 : index
        %get3A_638 = tpu.vector_load %arg7[%get3A_636, %get3A_637] {strides = array<i32>} : memref<32x1024xf32, #tpu.memory_space<vmem>>, vector<1x16xf32>,
        %get3A_639 = vector.shape_cast %get3A_638 : vector<1x16xf32> to vector<16xf32>
        %get3A_640 = arith.index_cast %scan3A_35 : i32 to index
        %get3A_641 = arith.constant 688 : index
        %get3A_642 = tpu.vector_load %arg8[%get3A_640, %get3A_641] {strides = array<i32>} : memref<32x1024xf32, #tpu.memory_space<vmem>>, vector<1x16xf32>,
        %get3A_643 = vector.shape_cast %get3A_642 : vector<1x16xf32> to vector<16xf32>
        %add3A_644 = arith.addf %get3A_639, %get3A_643 : vector<16xf32>
        %swap3A_645 = arith.index_cast %scan3A_35 : i32 to index
        %swap3A_646 = arith.constant 688 : index
        %swap3A_647 = tpu.vector_load %arg7[%swap3A_645, %swap3A_646] {strides = array<i32>} : memref<32x1024xf32, #tpu.memory_space<vmem>>, vector<1x16xf32>,
        %swap3A_648 = vector.shape_cast %swap3A_647 : vector<1x16xf32> to vector<16xf32>
        %swap3A_649 = vector.shape_cast %add3A_644 : vector<16xf32> to vector<1x16xf32>
        tpu.vector_store %arg7[%swap3A_645, %swap3A_646], %swap3A_649 {strides = array<i32>} : memref<32x1024xf32, #tpu.memory_space<vmem>>, vector<1x16xf32>,
        %get3A_650 = arith.index_cast %scan3A_35 : i32 to index
        %get3A_651 = arith.constant 704 : index
        %get3A_652 = tpu.vector_load %arg7[%get3A_650, %get3A_651] {strides = array<i32>} : memref<32x1024xf32, #tpu.memory_space<vmem>>, vector<1x16xf32>,
        %get3A_653 = vector.shape_cast %get3A_652 : vector<1x16xf32> to vector<16xf32>
        %get3A_654 = arith.index_cast %scan3A_35 : i32 to index
        %get3A_655 = arith.constant 704 : index
        %get3A_656 = tpu.vector_load %arg8[%get3A_654, %get3A_655] {strides = array<i32>} : memref<32x1024xf32, #tpu.memory_space<vmem>>, vector<1x16xf32>,
        %get3A_657 = vector.shape_cast %get3A_656 : vector<1x16xf32> to vector<16xf32>
        %add3A_658 = arith.addf %get3A_653, %get3A_657 : vector<16xf32>
        %swap3A_659 = arith.index_cast %scan3A_35 : i32 to index
        %swap3A_660 = arith.constant 704 : index
        %swap3A_661 = tpu.vector_load %arg7[%swap3A_659, %swap3A_660] {strides = array<i32>} : memref<32x1024xf32, #tpu.memory_space<vmem>>, vector<1x16xf32>,
        %swap3A_662 = vector.shape_cast %swap3A_661 : vector<1x16xf32> to vector<16xf32>
        %swap3A_663 = vector.shape_cast %add3A_658 : vector<16xf32> to vector<1x16xf32>
        tpu.vector_store %arg7[%swap3A_659, %swap3A_660], %swap3A_663 {strides = array<i32>} : memref<32x1024xf32, #tpu.memory_space<vmem>>, vector<1x16xf32>,
        %get3A_664 = arith.index_cast %scan3A_35 : i32 to index
        %get3A_665 = arith.constant 720 : index
        %get3A_666 = tpu.vector_load %arg7[%get3A_664, %get3A_665] {strides = array<i32>} : memref<32x1024xf32, #tpu.memory_space<vmem>>, vector<1x16xf32>,
        %get3A_667 = vector.shape_cast %get3A_666 : vector<1x16xf32> to vector<16xf32>
        %get3A_668 = arith.index_cast %scan3A_35 : i32 to index
        %get3A_669 = arith.constant 720 : index
        %get3A_670 = tpu.vector_load %arg8[%get3A_668, %get3A_669] {strides = array<i32>} : memref<32x1024xf32, #tpu.memory_space<vmem>>, vector<1x16xf32>,
        %get3A_671 = vector.shape_cast %get3A_670 : vector<1x16xf32> to vector<16xf32>
        %add3A_672 = arith.addf %get3A_667, %get3A_671 : vector<16xf32>
        %swap3A_673 = arith.index_cast %scan3A_35 : i32 to index
        %swap3A_674 = arith.constant 720 : index
        %swap3A_675 = tpu.vector_load %arg7[%swap3A_673, %swap3A_674] {strides = array<i32>} : memref<32x1024xf32, #tpu.memory_space<vmem>>, vector<1x16xf32>,
        %swap3A_676 = vector.shape_cast %swap3A_675 : vector<1x16xf32> to vector<16xf32>
        %swap3A_677 = vector.shape_cast %add3A_672 : vector<16xf32> to vector<1x16xf32>
        tpu.vector_store %arg7[%swap3A_673, %swap3A_674], %swap3A_677 {strides = array<i32>} : memref<32x1024xf32, #tpu.memory_space<vmem>>, vector<1x16xf32>,
        %get3A_678 = arith.index_cast %scan3A_35 : i32 to index
        %get3A_679 = arith.constant 736 : index
        %get3A_680 = tpu.vector_load %arg7[%get3A_678, %get3A_679] {strides = array<i32>} : memref<32x1024xf32, #tpu.memory_space<vmem>>, vector<1x16xf32>,
        %get3A_681 = vector.shape_cast %get3A_680 : vector<1x16xf32> to vector<16xf32>
        %get3A_682 = arith.index_cast %scan3A_35 : i32 to index
        %get3A_683 = arith.constant 736 : index
        %get3A_684 = tpu.vector_load %arg8[%get3A_682, %get3A_683] {strides = array<i32>} : memref<32x1024xf32, #tpu.memory_space<vmem>>, vector<1x16xf32>,
        %get3A_685 = vector.shape_cast %get3A_684 : vector<1x16xf32> to vector<16xf32>
        %add3A_686 = arith.addf %get3A_681, %get3A_685 : vector<16xf32>
        %swap3A_687 = arith.index_cast %scan3A_35 : i32 to index
        %swap3A_688 = arith.constant 736 : index
        %swap3A_689 = tpu.vector_load %arg7[%swap3A_687, %swap3A_688] {strides = array<i32>} : memref<32x1024xf32, #tpu.memory_space<vmem>>, vector<1x16xf32>,
        %swap3A_690 = vector.shape_cast %swap3A_689 : vector<1x16xf32> to vector<16xf32>
        %swap3A_691 = vector.shape_cast %add3A_686 : vector<16xf32> to vector<1x16xf32>
        tpu.vector_store %arg7[%swap3A_687, %swap3A_688], %swap3A_691 {strides = array<i32>} : memref<32x1024xf32, #tpu.memory_space<vmem>>, vector<1x16xf32>,
        %get3A_692 = arith.index_cast %scan3A_35 : i32 to index
        %get3A_693 = arith.constant 752 : index
        %get3A_694 = tpu.vector_load %arg7[%get3A_692, %get3A_693] {strides = array<i32>} : memref<32x1024xf32, #tpu.memory_space<vmem>>, vector<1x16xf32>,
        %get3A_695 = vector.shape_cast %get3A_694 : vector<1x16xf32> to vector<16xf32>
        %get3A_696 = arith.index_cast %scan3A_35 : i32 to index
        %get3A_697 = arith.constant 752 : index
        %get3A_698 = tpu.vector_load %arg8[%get3A_696, %get3A_697] {strides = array<i32>} : memref<32x1024xf32, #tpu.memory_space<vmem>>, vector<1x16xf32>,
        %get3A_699 = vector.shape_cast %get3A_698 : vector<1x16xf32> to vector<16xf32>
        %add3A_700 = arith.addf %get3A_695, %get3A_699 : vector<16xf32>
        %swap3A_701 = arith.index_cast %scan3A_35 : i32 to index
        %swap3A_702 = arith.constant 752 : index
        %swap3A_703 = tpu.vector_load %arg7[%swap3A_701, %swap3A_702] {strides = array<i32>} : memref<32x1024xf32, #tpu.memory_space<vmem>>, vector<1x16xf32>,
        %swap3A_704 = vector.shape_cast %swap3A_703 : vector<1x16xf32> to vector<16xf32>
        %swap3A_705 = vector.shape_cast %add3A_700 : vector<16xf32> to vector<1x16xf32>
        tpu.vector_store %arg7[%swap3A_701, %swap3A_702], %swap3A_705 {strides = array<i32>} : memref<32x1024xf32, #tpu.memory_space<vmem>>, vector<1x16xf32>,
        %get3A_706 = arith.index_cast %scan3A_35 : i32 to index
        %get3A_707 = arith.constant 768 : index
        %get3A_708 = tpu.vector_load %arg7[%get3A_706, %get3A_707] {strides = array<i32>} : memref<32x1024xf32, #tpu.memory_space<vmem>>, vector<1x16xf32>,
        %get3A_709 = vector.shape_cast %get3A_708 : vector<1x16xf32> to vector<16xf32>
        %get3A_710 = arith.index_cast %scan3A_35 : i32 to index
        %get3A_711 = arith.constant 768 : index
        %get3A_712 = tpu.vector_load %arg8[%get3A_710, %get3A_711] {strides = array<i32>} : memref<32x1024xf32, #tpu.memory_space<vmem>>, vector<1x16xf32>,
        %get3A_713 = vector.shape_cast %get3A_712 : vector<1x16xf32> to vector<16xf32>
        %add3A_714 = arith.addf %get3A_709, %get3A_713 : vector<16xf32>
        %swap3A_715 = arith.index_cast %scan3A_35 : i32 to index
        %swap3A_716 = arith.constant 768 : index
        %swap3A_717 = tpu.vector_load %arg7[%swap3A_715, %swap3A_716] {strides = array<i32>} : memref<32x1024xf32, #tpu.memory_space<vmem>>, vector<1x16xf32>,
        %swap3A_718 = vector.shape_cast %swap3A_717 : vector<1x16xf32> to vector<16xf32>
        %swap3A_719 = vector.shape_cast %add3A_714 : vector<16xf32> to vector<1x16xf32>
        tpu.vector_store %arg7[%swap3A_715, %swap3A_716], %swap3A_719 {strides = array<i32>} : memref<32x1024xf32, #tpu.memory_space<vmem>>, vector<1x16xf32>,
        %get3A_720 = arith.index_cast %scan3A_35 : i32 to index
        %get3A_721 = arith.constant 784 : index
        %get3A_722 = tpu.vector_load %arg7[%get3A_720, %get3A_721] {strides = array<i32>} : memref<32x1024xf32, #tpu.memory_space<vmem>>, vector<1x16xf32>,
        %get3A_723 = vector.shape_cast %get3A_722 : vector<1x16xf32> to vector<16xf32>
        %get3A_724 = arith.index_cast %scan3A_35 : i32 to index
        %get3A_725 = arith.constant 784 : index
        %get3A_726 = tpu.vector_load %arg8[%get3A_724, %get3A_725] {strides = array<i32>} : memref<32x1024xf32, #tpu.memory_space<vmem>>, vector<1x16xf32>,
        %get3A_727 = vector.shape_cast %get3A_726 : vector<1x16xf32> to vector<16xf32>
        %add3A_728 = arith.addf %get3A_723, %get3A_727 : vector<16xf32>
        %swap3A_729 = arith.index_cast %scan3A_35 : i32 to index
        %swap3A_730 = arith.constant 784 : index
        %swap3A_731 = tpu.vector_load %arg7[%swap3A_729, %swap3A_730] {strides = array<i32>} : memref<32x1024xf32, #tpu.memory_space<vmem>>, vector<1x16xf32>,
        %swap3A_732 = vector.shape_cast %swap3A_731 : vector<1x16xf32> to vector<16xf32>
        %swap3A_733 = vector.shape_cast %add3A_728 : vector<16xf32> to vector<1x16xf32>
        tpu.vector_store %arg7[%swap3A_729, %swap3A_730], %swap3A_733 {strides = array<i32>} : memref<32x1024xf32, #tpu.memory_space<vmem>>, vector<1x16xf32>,
        %get3A_734 = arith.index_cast %scan3A_35 : i32 to index
        %get3A_735 = arith.constant 800 : index
        %get3A_736 = tpu.vector_load %arg7[%get3A_734, %get3A_735] {strides = array<i32>} : memref<32x1024xf32, #tpu.memory_space<vmem>>, vector<1x16xf32>,
        %get3A_737 = vector.shape_cast %get3A_736 : vector<1x16xf32> to vector<16xf32>
        %get3A_738 = arith.index_cast %scan3A_35 : i32 to index
        %get3A_739 = arith.constant 800 : index
        %get3A_740 = tpu.vector_load %arg8[%get3A_738, %get3A_739] {strides = array<i32>} : memref<32x1024xf32, #tpu.memory_space<vmem>>, vector<1x16xf32>,
        %get3A_741 = vector.shape_cast %get3A_740 : vector<1x16xf32> to vector<16xf32>
        %add3A_742 = arith.addf %get3A_737, %get3A_741 : vector<16xf32>
        %swap3A_743 = arith.index_cast %scan3A_35 : i32 to index
        %swap3A_744 = arith.constant 800 : index
        %swap3A_745 = tpu.vector_load %arg7[%swap3A_743, %swap3A_744] {strides = array<i32>} : memref<32x1024xf32, #tpu.memory_space<vmem>>, vector<1x16xf32>,
        %swap3A_746 = vector.shape_cast %swap3A_745 : vector<1x16xf32> to vector<16xf32>
        %swap3A_747 = vector.shape_cast %add3A_742 : vector<16xf32> to vector<1x16xf32>
        tpu.vector_store %arg7[%swap3A_743, %swap3A_744], %swap3A_747 {strides = array<i32>} : memref<32x1024xf32, #tpu.memory_space<vmem>>, vector<1x16xf32>,
        %get3A_748 = arith.index_cast %scan3A_35 : i32 to index
        %get3A_749 = arith.constant 816 : index
        %get3A_750 = tpu.vector_load %arg7[%get3A_748, %get3A_749] {strides = array<i32>} : memref<32x1024xf32, #tpu.memory_space<vmem>>, vector<1x16xf32>,
        %get3A_751 = vector.shape_cast %get3A_750 : vector<1x16xf32> to vector<16xf32>
        %get3A_752 = arith.index_cast %scan3A_35 : i32 to index
        %get3A_753 = arith.constant 816 : index
        %get3A_754 = tpu.vector_load %arg8[%get3A_752, %get3A_753] {strides = array<i32>} : memref<32x1024xf32, #tpu.memory_space<vmem>>, vector<1x16xf32>,
        %get3A_755 = vector.shape_cast %get3A_754 : vector<1x16xf32> to vector<16xf32>
        %add3A_756 = arith.addf %get3A_751, %get3A_755 : vector<16xf32>
        %swap3A_757 = arith.index_cast %scan3A_35 : i32 to index
        %swap3A_758 = arith.constant 816 : index
        %swap3A_759 = tpu.vector_load %arg7[%swap3A_757, %swap3A_758] {strides = array<i32>} : memref<32x1024xf32, #tpu.memory_space<vmem>>, vector<1x16xf32>,
        %swap3A_760 = vector.shape_cast %swap3A_759 : vector<1x16xf32> to vector<16xf32>
        %swap3A_761 = vector.shape_cast %add3A_756 : vector<16xf32> to vector<1x16xf32>
        tpu.vector_store %arg7[%swap3A_757, %swap3A_758], %swap3A_761 {strides = array<i32>} : memref<32x1024xf32, #tpu.memory_space<vmem>>, vector<1x16xf32>,
        %get3A_762 = arith.index_cast %scan3A_35 : i32 to index
        %get3A_763 = arith.constant 832 : index
        %get3A_764 = tpu.vector_load %arg7[%get3A_762, %get3A_763] {strides = array<i32>} : memref<32x1024xf32, #tpu.memory_space<vmem>>, vector<1x16xf32>,
        %get3A_765 = vector.shape_cast %get3A_764 : vector<1x16xf32> to vector<16xf32>
        %get3A_766 = arith.index_cast %scan3A_35 : i32 to index
        %get3A_767 = arith.constant 832 : index
        %get3A_768 = tpu.vector_load %arg8[%get3A_766, %get3A_767] {strides = array<i32>} : memref<32x1024xf32, #tpu.memory_space<vmem>>, vector<1x16xf32>,
        %get3A_769 = vector.shape_cast %get3A_768 : vector<1x16xf32> to vector<16xf32>
        %add3A_770 = arith.addf %get3A_765, %get3A_769 : vector<16xf32>
        %swap3A_771 = arith.index_cast %scan3A_35 : i32 to index
        %swap3A_772 = arith.constant 832 : index
        %swap3A_773 = tpu.vector_load %arg7[%swap3A_771, %swap3A_772] {strides = array<i32>} : memref<32x1024xf32, #tpu.memory_space<vmem>>, vector<1x16xf32>,
        %swap3A_774 = vector.shape_cast %swap3A_773 : vector<1x16xf32> to vector<16xf32>
        %swap3A_775 = vector.shape_cast %add3A_770 : vector<16xf32> to vector<1x16xf32>
        tpu.vector_store %arg7[%swap3A_771, %swap3A_772], %swap3A_775 {strides = array<i32>} : memref<32x1024xf32, #tpu.memory_space<vmem>>, vector<1x16xf32>,
        %get3A_776 = arith.index_cast %scan3A_35 : i32 to index
        %get3A_777 = arith.constant 848 : index
        %get3A_778 = tpu.vector_load %arg7[%get3A_776, %get3A_777] {strides = array<i32>} : memref<32x1024xf32, #tpu.memory_space<vmem>>, vector<1x16xf32>,
        %get3A_779 = vector.shape_cast %get3A_778 : vector<1x16xf32> to vector<16xf32>
        %get3A_780 = arith.index_cast %scan3A_35 : i32 to index
        %get3A_781 = arith.constant 848 : index
        %get3A_782 = tpu.vector_load %arg8[%get3A_780, %get3A_781] {strides = array<i32>} : memref<32x1024xf32, #tpu.memory_space<vmem>>, vector<1x16xf32>,
        %get3A_783 = vector.shape_cast %get3A_782 : vector<1x16xf32> to vector<16xf32>
        %add3A_784 = arith.addf %get3A_779, %get3A_783 : vector<16xf32>
        %swap3A_785 = arith.index_cast %scan3A_35 : i32 to index
        %swap3A_786 = arith.constant 848 : index
        %swap3A_787 = tpu.vector_load %arg7[%swap3A_785, %swap3A_786] {strides = array<i32>} : memref<32x1024xf32, #tpu.memory_space<vmem>>, vector<1x16xf32>,
        %swap3A_788 = vector.shape_cast %swap3A_787 : vector<1x16xf32> to vector<16xf32>
        %swap3A_789 = vector.shape_cast %add3A_784 : vector<16xf32> to vector<1x16xf32>
        tpu.vector_store %arg7[%swap3A_785, %swap3A_786], %swap3A_789 {strides = array<i32>} : memref<32x1024xf32, #tpu.memory_space<vmem>>, vector<1x16xf32>,
        %get3A_790 = arith.index_cast %scan3A_35 : i32 to index
        %get3A_791 = arith.constant 864 : index
        %get3A_792 = tpu.vector_load %arg7[%get3A_790, %get3A_791] {strides = array<i32>} : memref<32x1024xf32, #tpu.memory_space<vmem>>, vector<1x16xf32>,
        %get3A_793 = vector.shape_cast %get3A_792 : vector<1x16xf32> to vector<16xf32>
        %get3A_794 = arith.index_cast %scan3A_35 : i32 to index
        %get3A_795 = arith.constant 864 : index
        %get3A_796 = tpu.vector_load %arg8[%get3A_794, %get3A_795] {strides = array<i32>} : memref<32x1024xf32, #tpu.memory_space<vmem>>, vector<1x16xf32>,
        %get3A_797 = vector.shape_cast %get3A_796 : vector<1x16xf32> to vector<16xf32>
        %add3A_798 = arith.addf %get3A_793, %get3A_797 : vector<16xf32>
        %swap3A_799 = arith.index_cast %scan3A_35 : i32 to index
        %swap3A_800 = arith.constant 864 : index
        %swap3A_801 = tpu.vector_load %arg7[%swap3A_799, %swap3A_800] {strides = array<i32>} : memref<32x1024xf32, #tpu.memory_space<vmem>>, vector<1x16xf32>,
        %swap3A_802 = vector.shape_cast %swap3A_801 : vector<1x16xf32> to vector<16xf32>
        %swap3A_803 = vector.shape_cast %add3A_798 : vector<16xf32> to vector<1x16xf32>
        tpu.vector_store %arg7[%swap3A_799, %swap3A_800], %swap3A_803 {strides = array<i32>} : memref<32x1024xf32, #tpu.memory_space<vmem>>, vector<1x16xf32>,
        %get3A_804 = arith.index_cast %scan3A_35 : i32 to index
        %get3A_805 = arith.constant 880 : index
        %get3A_806 = tpu.vector_load %arg7[%get3A_804, %get3A_805] {strides = array<i32>} : memref<32x1024xf32, #tpu.memory_space<vmem>>, vector<1x16xf32>,
        %get3A_807 = vector.shape_cast %get3A_806 : vector<1x16xf32> to vector<16xf32>
        %get3A_808 = arith.index_cast %scan3A_35 : i32 to index
        %get3A_809 = arith.constant 880 : index
        %get3A_810 = tpu.vector_load %arg8[%get3A_808, %get3A_809] {strides = array<i32>} : memref<32x1024xf32, #tpu.memory_space<vmem>>, vector<1x16xf32>,
        %get3A_811 = vector.shape_cast %get3A_810 : vector<1x16xf32> to vector<16xf32>
        %add3A_812 = arith.addf %get3A_807, %get3A_811 : vector<16xf32>
        %swap3A_813 = arith.index_cast %scan3A_35 : i32 to index
        %swap3A_814 = arith.constant 880 : index
        %swap3A_815 = tpu.vector_load %arg7[%swap3A_813, %swap3A_814] {strides = array<i32>} : memref<32x1024xf32, #tpu.memory_space<vmem>>, vector<1x16xf32>,
        %swap3A_816 = vector.shape_cast %swap3A_815 : vector<1x16xf32> to vector<16xf32>
        %swap3A_817 = vector.shape_cast %add3A_812 : vector<16xf32> to vector<1x16xf32>
        tpu.vector_store %arg7[%swap3A_813, %swap3A_814], %swap3A_817 {strides = array<i32>} : memref<32x1024xf32, #tpu.memory_space<vmem>>, vector<1x16xf32>,
        %get3A_818 = arith.index_cast %scan3A_35 : i32 to index
        %get3A_819 = arith.constant 896 : index
        %get3A_820 = tpu.vector_load %arg7[%get3A_818, %get3A_819] {strides = array<i32>} : memref<32x1024xf32, #tpu.memory_space<vmem>>, vector<1x16xf32>,
        %get3A_821 = vector.shape_cast %get3A_820 : vector<1x16xf32> to vector<16xf32>
        %get3A_822 = arith.index_cast %scan3A_35 : i32 to index
        %get3A_823 = arith.constant 896 : index
        %get3A_824 = tpu.vector_load %arg8[%get3A_822, %get3A_823] {strides = array<i32>} : memref<32x1024xf32, #tpu.memory_space<vmem>>, vector<1x16xf32>,
        %get3A_825 = vector.shape_cast %get3A_824 : vector<1x16xf32> to vector<16xf32>
        %add3A_826 = arith.addf %get3A_821, %get3A_825 : vector<16xf32>
        %swap3A_827 = arith.index_cast %scan3A_35 : i32 to index
        %swap3A_828 = arith.constant 896 : index
        %swap3A_829 = tpu.vector_load %arg7[%swap3A_827, %swap3A_828] {strides = array<i32>} : memref<32x1024xf32, #tpu.memory_space<vmem>>, vector<1x16xf32>,
        %swap3A_830 = vector.shape_cast %swap3A_829 : vector<1x16xf32> to vector<16xf32>
        %swap3A_831 = vector.shape_cast %add3A_826 : vector<16xf32> to vector<1x16xf32>
        tpu.vector_store %arg7[%swap3A_827, %swap3A_828], %swap3A_831 {strides = array<i32>} : memref<32x1024xf32, #tpu.memory_space<vmem>>, vector<1x16xf32>,
        %get3A_832 = arith.index_cast %scan3A_35 : i32 to index
        %get3A_833 = arith.constant 912 : index
        %get3A_834 = tpu.vector_load %arg7[%get3A_832, %get3A_833] {strides = array<i32>} : memref<32x1024xf32, #tpu.memory_space<vmem>>, vector<1x16xf32>,
        %get3A_835 = vector.shape_cast %get3A_834 : vector<1x16xf32> to vector<16xf32>
        %get3A_836 = arith.index_cast %scan3A_35 : i32 to index
        %get3A_837 = arith.constant 912 : index
        %get3A_838 = tpu.vector_load %arg8[%get3A_836, %get3A_837] {strides = array<i32>} : memref<32x1024xf32, #tpu.memory_space<vmem>>, vector<1x16xf32>,
        %get3A_839 = vector.shape_cast %get3A_838 : vector<1x16xf32> to vector<16xf32>
        %add3A_840 = arith.addf %get3A_835, %get3A_839 : vector<16xf32>
        %swap3A_841 = arith.index_cast %scan3A_35 : i32 to index
        %swap3A_842 = arith.constant 912 : index
        %swap3A_843 = tpu.vector_load %arg7[%swap3A_841, %swap3A_842] {strides = array<i32>} : memref<32x1024xf32, #tpu.memory_space<vmem>>, vector<1x16xf32>,
        %swap3A_844 = vector.shape_cast %swap3A_843 : vector<1x16xf32> to vector<16xf32>
        %swap3A_845 = vector.shape_cast %add3A_840 : vector<16xf32> to vector<1x16xf32>
        tpu.vector_store %arg7[%swap3A_841, %swap3A_842], %swap3A_845 {strides = array<i32>} : memref<32x1024xf32, #tpu.memory_space<vmem>>, vector<1x16xf32>,
        %get3A_846 = arith.index_cast %scan3A_35 : i32 to index
        %get3A_847 = arith.constant 928 : index
        %get3A_848 = tpu.vector_load %arg7[%get3A_846, %get3A_847] {strides = array<i32>} : memref<32x1024xf32, #tpu.memory_space<vmem>>, vector<1x16xf32>,
        %get3A_849 = vector.shape_cast %get3A_848 : vector<1x16xf32> to vector<16xf32>
        %get3A_850 = arith.index_cast %scan3A_35 : i32 to index
        %get3A_851 = arith.constant 928 : index
        %get3A_852 = tpu.vector_load %arg8[%get3A_850, %get3A_851] {strides = array<i32>} : memref<32x1024xf32, #tpu.memory_space<vmem>>, vector<1x16xf32>,
        %get3A_853 = vector.shape_cast %get3A_852 : vector<1x16xf32> to vector<16xf32>
        %add3A_854 = arith.addf %get3A_849, %get3A_853 : vector<16xf32>
        %swap3A_855 = arith.index_cast %scan3A_35 : i32 to index
        %swap3A_856 = arith.constant 928 : index
        %swap3A_857 = tpu.vector_load %arg7[%swap3A_855, %swap3A_856] {strides = array<i32>} : memref<32x1024xf32, #tpu.memory_space<vmem>>, vector<1x16xf32>,
        %swap3A_858 = vector.shape_cast %swap3A_857 : vector<1x16xf32> to vector<16xf32>
        %swap3A_859 = vector.shape_cast %add3A_854 : vector<16xf32> to vector<1x16xf32>
        tpu.vector_store %arg7[%swap3A_855, %swap3A_856], %swap3A_859 {strides = array<i32>} : memref<32x1024xf32, #tpu.memory_space<vmem>>, vector<1x16xf32>,
        %get3A_860 = arith.index_cast %scan3A_35 : i32 to index
        %get3A_861 = arith.constant 944 : index
        %get3A_862 = tpu.vector_load %arg7[%get3A_860, %get3A_861] {strides = array<i32>} : memref<32x1024xf32, #tpu.memory_space<vmem>>, vector<1x16xf32>,
        %get3A_863 = vector.shape_cast %get3A_862 : vector<1x16xf32> to vector<16xf32>
        %get3A_864 = arith.index_cast %scan3A_35 : i32 to index
        %get3A_865 = arith.constant 944 : index
        %get3A_866 = tpu.vector_load %arg8[%get3A_864, %get3A_865] {strides = array<i32>} : memref<32x1024xf32, #tpu.memory_space<vmem>>, vector<1x16xf32>,
        %get3A_867 = vector.shape_cast %get3A_866 : vector<1x16xf32> to vector<16xf32>
        %add3A_868 = arith.addf %get3A_863, %get3A_867 : vector<16xf32>
        %swap3A_869 = arith.index_cast %scan3A_35 : i32 to index
        %swap3A_870 = arith.constant 944 : index
        %swap3A_871 = tpu.vector_load %arg7[%swap3A_869, %swap3A_870] {strides = array<i32>} : memref<32x1024xf32, #tpu.memory_space<vmem>>, vector<1x16xf32>,
        %swap3A_872 = vector.shape_cast %swap3A_871 : vector<1x16xf32> to vector<16xf32>
        %swap3A_873 = vector.shape_cast %add3A_868 : vector<16xf32> to vector<1x16xf32>
        tpu.vector_store %arg7[%swap3A_869, %swap3A_870], %swap3A_873 {strides = array<i32>} : memref<32x1024xf32, #tpu.memory_space<vmem>>, vector<1x16xf32>,
        %get3A_874 = arith.index_cast %scan3A_35 : i32 to index
        %get3A_875 = arith.constant 960 : index
        %get3A_876 = tpu.vector_load %arg7[%get3A_874, %get3A_875] {strides = array<i32>} : memref<32x1024xf32, #tpu.memory_space<vmem>>, vector<1x16xf32>,
        %get3A_877 = vector.shape_cast %get3A_876 : vector<1x16xf32> to vector<16xf32>
        %get3A_878 = arith.index_cast %scan3A_35 : i32 to index
        %get3A_879 = arith.constant 960 : index
        %get3A_880 = tpu.vector_load %arg8[%get3A_878, %get3A_879] {strides = array<i32>} : memref<32x1024xf32, #tpu.memory_space<vmem>>, vector<1x16xf32>,
        %get3A_881 = vector.shape_cast %get3A_880 : vector<1x16xf32> to vector<16xf32>
        %add3A_882 = arith.addf %get3A_877, %get3A_881 : vector<16xf32>
        %swap3A_883 = arith.index_cast %scan3A_35 : i32 to index
        %swap3A_884 = arith.constant 960 : index
        %swap3A_885 = tpu.vector_load %arg7[%swap3A_883, %swap3A_884] {strides = array<i32>} : memref<32x1024xf32, #tpu.memory_space<vmem>>, vector<1x16xf32>,
        %swap3A_886 = vector.shape_cast %swap3A_885 : vector<1x16xf32> to vector<16xf32>
        %swap3A_887 = vector.shape_cast %add3A_882 : vector<16xf32> to vector<1x16xf32>
        tpu.vector_store %arg7[%swap3A_883, %swap3A_884], %swap3A_887 {strides = array<i32>} : memref<32x1024xf32, #tpu.memory_space<vmem>>, vector<1x16xf32>,
        %get3A_888 = arith.index_cast %scan3A_35 : i32 to index
        %get3A_889 = arith.constant 976 : index
        %get3A_890 = tpu.vector_load %arg7[%get3A_888, %get3A_889] {strides = array<i32>} : memref<32x1024xf32, #tpu.memory_space<vmem>>, vector<1x16xf32>,
        %get3A_891 = vector.shape_cast %get3A_890 : vector<1x16xf32> to vector<16xf32>
        %get3A_892 = arith.index_cast %scan3A_35 : i32 to index
        %get3A_893 = arith.constant 976 : index
        %get3A_894 = tpu.vector_load %arg8[%get3A_892, %get3A_893] {strides = array<i32>} : memref<32x1024xf32, #tpu.memory_space<vmem>>, vector<1x16xf32>,
        %get3A_895 = vector.shape_cast %get3A_894 : vector<1x16xf32> to vector<16xf32>
        %add3A_896 = arith.addf %get3A_891, %get3A_895 : vector<16xf32>
        %swap3A_897 = arith.index_cast %scan3A_35 : i32 to index
        %swap3A_898 = arith.constant 976 : index
        %swap3A_899 = tpu.vector_load %arg7[%swap3A_897, %swap3A_898] {strides = array<i32>} : memref<32x1024xf32, #tpu.memory_space<vmem>>, vector<1x16xf32>,
        %swap3A_900 = vector.shape_cast %swap3A_899 : vector<1x16xf32> to vector<16xf32>
        %swap3A_901 = vector.shape_cast %add3A_896 : vector<16xf32> to vector<1x16xf32>
        tpu.vector_store %arg7[%swap3A_897, %swap3A_898], %swap3A_901 {strides = array<i32>} : memref<32x1024xf32, #tpu.memory_space<vmem>>, vector<1x16xf32>,
        %get3A_902 = arith.index_cast %scan3A_35 : i32 to index
        %get3A_903 = arith.constant 992 : index
        %get3A_904 = tpu.vector_load %arg7[%get3A_902, %get3A_903] {strides = array<i32>} : memref<32x1024xf32, #tpu.memory_space<vmem>>, vector<1x16xf32>,
        %get3A_905 = vector.shape_cast %get3A_904 : vector<1x16xf32> to vector<16xf32>
        %get3A_906 = arith.index_cast %scan3A_35 : i32 to index
        %get3A_907 = arith.constant 992 : index
        %get3A_908 = tpu.vector_load %arg8[%get3A_906, %get3A_907] {strides = array<i32>} : memref<32x1024xf32, #tpu.memory_space<vmem>>, vector<1x16xf32>,
        %get3A_909 = vector.shape_cast %get3A_908 : vector<1x16xf32> to vector<16xf32>
        %add3A_910 = arith.addf %get3A_905, %get3A_909 : vector<16xf32>
        %swap3A_911 = arith.index_cast %scan3A_35 : i32 to index
        %swap3A_912 = arith.constant 992 : index
        %swap3A_913 = tpu.vector_load %arg7[%swap3A_911, %swap3A_912] {strides = array<i32>} : memref<32x1024xf32, #tpu.memory_space<vmem>>, vector<1x16xf32>,
        %swap3A_914 = vector.shape_cast %swap3A_913 : vector<1x16xf32> to vector<16xf32>
        %swap3A_915 = vector.shape_cast %add3A_910 : vector<16xf32> to vector<1x16xf32>
        tpu.vector_store %arg7[%swap3A_911, %swap3A_912], %swap3A_915 {strides = array<i32>} : memref<32x1024xf32, #tpu.memory_space<vmem>>, vector<1x16xf32>,
        %get3A_916 = arith.index_cast %scan3A_35 : i32 to index
        %get3A_917 = arith.constant 1008 : index
        %get3A_918 = tpu.vector_load %arg7[%get3A_916, %get3A_917] {strides = array<i32>} : memref<32x1024xf32, #tpu.memory_space<vmem>>, vector<1x16xf32>,
        %get3A_919 = vector.shape_cast %get3A_918 : vector<1x16xf32> to vector<16xf32>
        %get3A_920 = arith.index_cast %scan3A_35 : i32 to index
        %get3A_921 = arith.constant 1008 : index
        %get3A_922 = tpu.vector_load %arg8[%get3A_920, %get3A_921] {strides = array<i32>} : memref<32x1024xf32, #tpu.memory_space<vmem>>, vector<1x16xf32>,
        %get3A_923 = vector.shape_cast %get3A_922 : vector<1x16xf32> to vector<16xf32>
        %add3A_924 = arith.addf %get3A_919, %get3A_923 : vector<16xf32>
        %swap3A_925 = arith.index_cast %scan3A_35 : i32 to index
        %swap3A_926 = arith.constant 1008 : index
        %swap3A_927 = tpu.vector_load %arg7[%swap3A_925, %swap3A_926] {strides = array<i32>} : memref<32x1024xf32, #tpu.memory_space<vmem>>, vector<1x16xf32>,
        %swap3A_928 = vector.shape_cast %swap3A_927 : vector<1x16xf32> to vector<16xf32>
        %swap3A_929 = vector.shape_cast %add3A_924 : vector<16xf32> to vector<1x16xf32>
        tpu.vector_store %arg7[%swap3A_925, %swap3A_926], %swap3A_929 {strides = array<i32>} : memref<32x1024xf32, #tpu.memory_space<vmem>>, vector<1x16xf32>,
      }
      %scan3A_33 = arith.constant 32 : i32
      %add3A_34 = arith.addi %mul3A_2, %mul3A_13 : i32
      "tpu.region"() ({
        %run_scoped3A_35 = tpu.sem_alloc : memref<!tpu.dma_semaphore, #tpu.memory_space<semaphore_mem>>
        %dma_start3A_36 = arith.constant 0 : i32
        %dma_start3A_37 = tpu.memref_slice %arg4[%add3A_34, %dma_start3A_36] : memref<4096x1024xf32, #tpu.memory_space<hbm>> -> memref<32x1024xf32, #tpu.memory_space<hbm>>
        %dma_start3A_38 = arith.constant 0 : i32
        %dma_start3A_39 = tpu.memref_slice %arg4[%add3A_34, %dma_start3A_38] : memref<4096x1024xf32, #tpu.memory_space<hbm>> -> memref<32x1024xf32, #tpu.memory_space<hbm>>
        tpu.enqueue_dma source(%arg7 : memref<32x1024xf32, #tpu.memory_space<vmem>>) target(%dma_start3A_39 : memref<32x1024xf32, #tpu.memory_space<hbm>>) target_semaphore(%run_scoped3A_35 : memref<!tpu.dma_semaphore, #tpu.memory_space<semaphore_mem>>)
        %dma_wait3A_40 = arith.constant 0 : i32
        %dma_wait3A_41 = tpu.memref_slice %arg4[%add3A_34, %dma_wait3A_40] : memref<4096x1024xf32, #tpu.memory_space<hbm>> -> memref<32x1024xf32, #tpu.memory_space<hbm>>
        %dma_wait3A_42 = arith.constant 0 : i32
        %dma_wait3A_43 = tpu.memref_slice %arg4[%add3A_34, %dma_wait3A_42] : memref<4096x1024xf32, #tpu.memory_space<hbm>> -> memref<32x1024xf32, #tpu.memory_space<hbm>>
        tpu.wait_dma2 semaphore(%run_scoped3A_35 : memref<!tpu.dma_semaphore, #tpu.memory_space<semaphore_mem>>) src(%arg7 : memref<32x1024xf32, #tpu.memory_space<vmem>>) dst(%dma_wait3A_43 : memref<32x1024xf32, #tpu.memory_space<hbm>>)
        tpu.yield
      }) : () -> ()
    }
    %scan3A_10 = arith.constant 4 : i32
    return
  }
}

module attributes {stable_mosaic.version = 14 : i64} {
  func.func @_gemm_body(%arg0: i32, %arg1: i32, %arg2: memref<1x48xi32, #tpu.memory_space<smem>>, %arg3: memref<256x1024xf32, #tpu.memory_space<vmem>>, %arg4: memref<1x256x1xf32, #tpu.memory_space<vmem>>, %arg5: memref<1x512x1024xf32, #tpu.memory_space<vmem>>, %arg6: memref<1x512x1024xf32, #tpu.memory_space<vmem>>, %arg7: memref<1x1024x512xf32, #tpu.memory_space<vmem>>, %arg8: memref<256x1024xf32, #tpu.memory_space<vmem>>) attributes {dimension_semantics = [#tpu.dimension_semantics<arbitrary>, #tpu.dimension_semantics<arbitrary>], iteration_bounds = array<i64: 40, 7>, scalar_prefetch = 1 : i64, scratch_operands = 0 : i64, tpu.core_type = #tpu.core_type<tc>, window_params = [{transform_indices = @transform_0, window_bounds = array<i64: 256, 1024>}, {transform_indices = @transform_1, window_bounds = array<i64: 1, 256, 1>}, {transform_indices = @transform_2, window_bounds = array<i64: 1, 512, 1024>}, {transform_indices = @transform_3, window_bounds = array<i64: 1, 512, 1024>}, {transform_indices = @transform_4, window_bounds = array<i64: 1, 1024, 512>}, {transform_indices = @transform_5, window_bounds = array<i64: 256, 1024>}]} {
    %get3A = arith.constant 0 : index
    %get3A_0 = arith.constant 40 : index
    %get3A_1 = memref.load %arg2[%get3A, %get3A_0] : memref<1x48xi32, #tpu.memory_space<smem>>
    %lt3A = arith.cmpi slt, %arg0, %get3A_1 : i32
    %convert_element_type3A = arith.extui %lt3A : i1 to i32
    %cond3A = arith.constant 0 : i32
    %cond3A_2 = arith.cmpi ne, %convert_element_type3A, %cond3A : i32
    scf.if %cond3A_2 {
      %get3A_3 = arith.constant 0 : index
      %get3A_4 = arith.constant 0 : index
      %get3A_5 = vector.load %arg3[%get3A_3, %get3A_4] : memref<256x1024xf32, #tpu.memory_space<vmem>>, vector<256x1024xf32>
      %get3A_6 = arith.constant 0 : index
      %get3A_7 = arith.constant 0 : index
      %get3A_8 = arith.constant 0 : index
      %get3A_9 = vector.load %arg5[%get3A_6, %get3A_7, %get3A_8] : memref<1x512x1024xf32, #tpu.memory_space<vmem>>, vector<1x512x1024xf32>
      %get3A_10 = vector.shape_cast %get3A_9 : vector<1x512x1024xf32> to vector<512x1024xf32>
      %dot_general3A = arith.constant dense<0.000000e+00> : vector<256x512xf32>
      %dot_general3A_11 = tpu.matmul %get3A_5, %get3A_10, %dot_general3A {dimension_numbers = #tpu.dot_dimension_numbers<[1], [1], [0], [0], [0, 0, 1, 0], [], []>, transpose_lhs_hint = false} : vector<256x1024xf32>, vector<512x1024xf32>, vector<256x512xf32> -> vector<256x512xf32>
      %get3A_12 = arith.constant 0 : index
      %get3A_13 = arith.constant 0 : index
      %get3A_14 = arith.constant 0 : index
      %get3A_15 = vector.load %arg6[%get3A_12, %get3A_13, %get3A_14] : memref<1x512x1024xf32, #tpu.memory_space<vmem>>, vector<1x512x1024xf32>
      %get3A_16 = vector.shape_cast %get3A_15 : vector<1x512x1024xf32> to vector<512x1024xf32>
      %dot_general3A_17 = arith.constant dense<0.000000e+00> : vector<256x512xf32>
      %dot_general3A_18 = tpu.matmul %get3A_5, %get3A_16, %dot_general3A_17 {dimension_numbers = #tpu.dot_dimension_numbers<[1], [1], [0], [0], [0, 0, 1, 0], [], []>, transpose_lhs_hint = false} : vector<256x1024xf32>, vector<512x1024xf32>, vector<256x512xf32> -> vector<256x512xf32>
      %logistic3A = arith.negf %dot_general3A_11 : vector<256x512xf32>
      %logistic3A_19 = math.exp %logistic3A : vector<256x512xf32>
      %logistic3A_20 = arith.constant 1.000000e+00 : f32
      %logistic3A_21 = vector.broadcast %logistic3A_20 : f32 to vector<256x512xf32>
      %logistic3A_22 = arith.addf %logistic3A_21, %logistic3A_19 : vector<256x512xf32>
      %logistic3A_23 = arith.divf %logistic3A_21, %logistic3A_22 : vector<256x512xf32>
      %mul3A = arith.mulf %dot_general3A_11, %logistic3A_23 : vector<256x512xf32>
      %mul3A_24 = arith.mulf %mul3A, %dot_general3A_18 : vector<256x512xf32>
      %get3A_25 = arith.constant 0 : index
      %get3A_26 = arith.constant 0 : index
      %get3A_27 = arith.constant 0 : index
      %get3A_28 = vector.load %arg4[%get3A_25, %get3A_26, %get3A_27] : memref<1x256x1xf32, #tpu.memory_space<vmem>>, vector<1x256x1xf32>
      %get3A_29 = vector.shape_cast %get3A_28 : vector<1x256x1xf32> to vector<256x1xf32>
      %mul3A_30 = vector.broadcast %get3A_29 : vector<256x1xf32> to vector<256x512xf32>
      %mul3A_31 = arith.mulf %mul3A_24, %mul3A_30 : vector<256x512xf32>
      %get3A_32 = arith.constant 0 : index
      %get3A_33 = arith.constant 0 : index
      %get3A_34 = arith.constant 0 : index
      %get3A_35 = vector.load %arg7[%get3A_32, %get3A_33, %get3A_34] : memref<1x1024x512xf32, #tpu.memory_space<vmem>>, vector<1x1024x512xf32>
      %get3A_36 = vector.shape_cast %get3A_35 : vector<1x1024x512xf32> to vector<1024x512xf32>
      %dot_general3A_37 = arith.constant dense<0.000000e+00> : vector<256x1024xf32>
      %dot_general3A_38 = tpu.matmul %mul3A_31, %get3A_36, %dot_general3A_37 {dimension_numbers = #tpu.dot_dimension_numbers<[1], [1], [0], [0], [0, 0, 1, 0], [], []>, transpose_lhs_hint = false} : vector<256x512xf32>, vector<1024x512xf32>, vector<256x1024xf32> -> vector<256x1024xf32>
      %eq3A = arith.constant 0 : i32
      %eq3A_39 = arith.cmpi eq, %arg1, %eq3A : i32
      %convert_element_type3A_40 = arith.extui %eq3A_39 : i1 to i32
      %cond3A_41 = arith.constant 0 : i32
      %cond3A_42 = arith.cmpi ne, %convert_element_type3A_40, %cond3A_41 : i32
      scf.if %cond3A_42 {
        %swap3A = arith.constant 0 : index
        %swap3A_47 = arith.constant 0 : index
        %swap3A_48 = vector.load %arg8[%swap3A, %swap3A_47] : memref<256x1024xf32, #tpu.memory_space<vmem>>, vector<256x1024xf32>
        tpu.vector_store %arg8[%swap3A, %swap3A_47], %dot_general3A_38 {strides = array<i32>} : memref<256x1024xf32, #tpu.memory_space<vmem>>, vector<256x1024xf32>,
      } else {
      }
      %ne3A = arith.constant 0 : i32
      %ne3A_43 = arith.cmpi ne, %arg1, %ne3A : i32
      %convert_element_type3A_44 = arith.extui %ne3A_43 : i1 to i32
      %cond3A_45 = arith.constant 0 : i32
      %cond3A_46 = arith.cmpi ne, %convert_element_type3A_44, %cond3A_45 : i32
      scf.if %cond3A_46 {
        %get3A_47 = arith.constant 0 : index
        %get3A_48 = arith.constant 0 : index
        %get3A_49 = vector.load %arg8[%get3A_47, %get3A_48] : memref<256x1024xf32, #tpu.memory_space<vmem>>, vector<256x1024xf32>
        %add3A = arith.addf %get3A_49, %dot_general3A_38 : vector<256x1024xf32>
        %swap3A = arith.constant 0 : index
        %swap3A_50 = arith.constant 0 : index
        %swap3A_51 = vector.load %arg8[%swap3A, %swap3A_50] : memref<256x1024xf32, #tpu.memory_space<vmem>>, vector<256x1024xf32>
        tpu.vector_store %arg8[%swap3A, %swap3A_50], %add3A {strides = array<i32>} : memref<256x1024xf32, #tpu.memory_space<vmem>>, vector<256x1024xf32>,
      } else {
      }
    } else {
    }
    return
  }
  func.func @transform_0(%arg0: i32, %arg1: i32, %arg2: memref<1x48xi32, #tpu.memory_space<smem>>) -> (i32, i32) {
    %c0_i32 = arith.constant 0 : i32
    %c0_i32_0 = arith.constant 0 : i32
    return %arg0, %c0_i32 : i32, i32
  }
  func.func @transform_1(%arg0: i32, %arg1: i32, %arg2: memref<1x48xi32, #tpu.memory_space<smem>>) -> (i32, i32, i32) {
    %c0_i32 = arith.constant 0 : i32
    %c0_i32_0 = arith.constant 0 : i32
    %c0_i32_1 = arith.constant 0 : i32
    return %arg0, %c0_i32, %c0_i32_0 : i32, i32, i32
  }
  func.func @transform_2(%arg0: i32, %arg1: i32, %arg2: memref<1x48xi32, #tpu.memory_space<smem>>) -> (i32, i32, i32) {
    %get3A = arith.constant 0 : index
    %get3A_0 = arith.constant 40 : index
    %get3A_1 = memref.load %arg2[%get3A, %get3A_0] : memref<1x48xi32, #tpu.memory_space<smem>>
    %ge3A = arith.cmpi sge, %arg0, %get3A_1 : i32
    %get3A_2 = arith.constant 0 : index
    %get3A_3 = arith.index_cast %arg0 : i32 to index
    %get3A_4 = memref.load %arg2[%get3A_2, %get3A_3] : memref<1x48xi32, #tpu.memory_space<smem>>
    %jit3A = arith.constant 6 : i32
    %select_n3A = arith.select %ge3A, %jit3A, %arg1 : i32
    %c0_i32 = arith.constant 0 : i32
    %c0_i32_5 = arith.constant 0 : i32
    return %get3A_4, %select_n3A, %c0_i32 : i32, i32, i32
  }
  func.func @transform_3(%arg0: i32, %arg1: i32, %arg2: memref<1x48xi32, #tpu.memory_space<smem>>) -> (i32, i32, i32) {
    %get3A = arith.constant 0 : index
    %get3A_0 = arith.constant 40 : index
    %get3A_1 = memref.load %arg2[%get3A, %get3A_0] : memref<1x48xi32, #tpu.memory_space<smem>>
    %ge3A = arith.cmpi sge, %arg0, %get3A_1 : i32
    %get3A_2 = arith.constant 0 : index
    %get3A_3 = arith.index_cast %arg0 : i32 to index
    %get3A_4 = memref.load %arg2[%get3A_2, %get3A_3] : memref<1x48xi32, #tpu.memory_space<smem>>
    %jit3A = arith.constant 6 : i32
    %select_n3A = arith.select %ge3A, %jit3A, %arg1 : i32
    %c0_i32 = arith.constant 0 : i32
    %c0_i32_5 = arith.constant 0 : i32
    return %get3A_4, %select_n3A, %c0_i32 : i32, i32, i32
  }
  func.func @transform_4(%arg0: i32, %arg1: i32, %arg2: memref<1x48xi32, #tpu.memory_space<smem>>) -> (i32, i32, i32) {
    %get3A = arith.constant 0 : index
    %get3A_0 = arith.constant 40 : index
    %get3A_1 = memref.load %arg2[%get3A, %get3A_0] : memref<1x48xi32, #tpu.memory_space<smem>>
    %ge3A = arith.cmpi sge, %arg0, %get3A_1 : i32
    %get3A_2 = arith.constant 0 : index
    %get3A_3 = arith.index_cast %arg0 : i32 to index
    %get3A_4 = memref.load %arg2[%get3A_2, %get3A_3] : memref<1x48xi32, #tpu.memory_space<smem>>
    %jit3A = arith.constant 6 : i32
    %select_n3A = arith.select %ge3A, %jit3A, %arg1 : i32
    %c0_i32 = arith.constant 0 : i32
    %c0_i32_5 = arith.constant 0 : i32
    return %get3A_4, %c0_i32, %select_n3A : i32, i32, i32
  }
  func.func @transform_5(%arg0: i32, %arg1: i32, %arg2: memref<1x48xi32, #tpu.memory_space<smem>>) -> (i32, i32) {
    %c0_i32 = arith.constant 0 : i32
    %c0_i32_0 = arith.constant 0 : i32
    return %arg0, %c0_i32 : i32, i32
  }
}

module attributes {stable_mosaic.version = 14 : i64} {
  func.func @_router_body(%arg0: memref<4096x1024xf32, #tpu.memory_space<vmem>>, %arg1: memref<8x1024xf32, #tpu.memory_space<vmem>>, %arg2: memref<4096x8xf32, #tpu.memory_space<vmem>>, %arg3: memref<8x8192xi32, #tpu.memory_space<vmem>>, %arg4: memref<8x8192xf32, #tpu.memory_space<vmem>>, %arg5: memref<1x48xi32, #tpu.memory_space<vmem>>) attributes {dimension_semantics = [], scalar_prefetch = 0 : i64, scratch_operands = 0 : i64, tpu.core_type = #tpu.core_type<tc>} {
    %get3A = arith.constant 0 : index
    %get3A_0 = arith.constant 0 : index
    %get3A_1 = vector.load %arg0[%get3A, %get3A_0] : memref<4096x1024xf32, #tpu.memory_space<vmem>>, vector<4096x1024xf32>
    %get3A_2 = arith.constant 0 : index
    %get3A_3 = arith.constant 0 : index
    %get3A_4 = vector.load %arg1[%get3A_2, %get3A_3] : memref<8x1024xf32, #tpu.memory_space<vmem>>, vector<8x1024xf32>
    %dot_general3A = arith.constant dense<0.000000e+00> : vector<4096x8xf32>
    %dot_general3A_5 = tpu.matmul %get3A_1, %get3A_4, %dot_general3A {dimension_numbers = #tpu.dot_dimension_numbers<[1], [1], [0], [0], [0, 0, 1, 0], [], []>, transpose_lhs_hint = false} : vector<4096x1024xf32>, vector<8x1024xf32>, vector<4096x8xf32> -> vector<4096x8xf32>
    %swap3A = arith.constant 0 : index
    %swap3A_6 = arith.constant 0 : index
    %swap3A_7 = vector.load %arg2[%swap3A, %swap3A_6] : memref<4096x8xf32, #tpu.memory_space<vmem>>, vector<4096x8xf32>
    tpu.vector_store %arg2[%swap3A, %swap3A_6], %dot_general3A_5 {strides = array<i32>} : memref<4096x8xf32, #tpu.memory_space<vmem>>, vector<4096x8xf32>,
    %dot_general3A_8 = arith.constant dense<0.000000e+00> : vector<8x4096xf32>
    %dot_general3A_9 = tpu.matmul %get3A_4, %get3A_1, %dot_general3A_8 {dimension_numbers = #tpu.dot_dimension_numbers<[1], [1], [0], [0], [0, 0, 1, 0], [], []>, transpose_lhs_hint = false} : vector<8x1024xf32>, vector<4096x1024xf32>, vector<8x4096xf32> -> vector<8x4096xf32>
    %reduce_max3A = arith.constant dense<0xFF800000> : vector<4096xf32>
    %reduce_max3A_10 = vector.multi_reduction <maximumf>, %dot_general3A_9, %reduce_max3A [0] : vector<8x4096xf32> to vector<4096xf32>
    %broadcast_in_dim3A = vector.shape_cast %reduce_max3A_10 : vector<4096xf32> to vector<1x4096xf32>
    %sub3A = vector.broadcast %broadcast_in_dim3A : vector<1x4096xf32> to vector<8x4096xf32>
    %sub3A_11 = arith.subf %dot_general3A_9, %sub3A : vector<8x4096xf32>
    %exp3A = math.exp %sub3A_11 : vector<8x4096xf32>
    %reduce_sum3A = arith.constant dense<0.000000e+00> : vector<4096xf32>
    %reduce_sum3A_12 = vector.multi_reduction <add>, %exp3A, %reduce_sum3A [0] : vector<8x4096xf32> to vector<4096xf32>
    %broadcast_in_dim3A_13 = vector.shape_cast %reduce_sum3A_12 : vector<4096xf32> to vector<1x4096xf32>
    %div3A = vector.broadcast %broadcast_in_dim3A_13 : vector<1x4096xf32> to vector<8x4096xf32>
    %div3A_14 = arith.divf %exp3A, %div3A : vector<8x4096xf32>
    %iota3A = tpu.iota {dimensions = array<i32: 0>} : vector<8x4096xi32>
    %reduce_max3A_15 = arith.constant dense<0xFF800000> : vector<4096xf32>
    %reduce_max3A_16 = vector.multi_reduction <maximumf>, %div3A_14, %reduce_max3A_15 [0] : vector<8x4096xf32> to vector<4096xf32>
    %broadcast_in_dim3A_17 = vector.shape_cast %reduce_max3A_16 : vector<4096xf32> to vector<1x4096xf32>
    %eq3A = vector.broadcast %broadcast_in_dim3A_17 : vector<1x4096xf32> to vector<8x4096xf32>
    %eq3A_18 = arith.cmpf oeq, %div3A_14, %eq3A : vector<8x4096xf32>
    %jit3A = arith.constant 8 : i32
    %broadcast_in_dim3A_19 = vector.broadcast %jit3A : i32 to vector<8x4096xi32>
    %select_n3A = arith.select %eq3A_18, %iota3A, %broadcast_in_dim3A_19 : vector<8x4096xi1>, vector<8x4096xi32>
    %reduce_min3A = arith.constant dense<2147483647> : vector<4096xi32>
    %reduce_min3A_20 = vector.multi_reduction <minsi>, %select_n3A, %reduce_min3A [0] : vector<8x4096xi32> to vector<4096xi32>
    %broadcast_in_dim3A_21 = vector.shape_cast %reduce_min3A_20 : vector<4096xi32> to vector<1x4096xi32>
    %eq3A_22 = vector.broadcast %broadcast_in_dim3A_21 : vector<1x4096xi32> to vector<8x4096xi32>
    %eq3A_23 = arith.cmpi eq, %iota3A, %eq3A_22 : vector<8x4096xi32>
    %jit3A_24 = arith.constant -1.000000e+00 : f32
    %broadcast_in_dim3A_25 = vector.broadcast %jit3A_24 : f32 to vector<8x4096xf32>
    %select_n3A_26 = arith.select %eq3A_23, %broadcast_in_dim3A_25, %div3A_14 : vector<8x4096xi1>, vector<8x4096xf32>
    %reduce_max3A_27 = arith.constant dense<0xFF800000> : vector<4096xf32>
    %reduce_max3A_28 = vector.multi_reduction <maximumf>, %select_n3A_26, %reduce_max3A_27 [0] : vector<8x4096xf32> to vector<4096xf32>
    %broadcast_in_dim3A_29 = vector.shape_cast %reduce_max3A_28 : vector<4096xf32> to vector<1x4096xf32>
    %eq3A_30 = vector.broadcast %broadcast_in_dim3A_29 : vector<1x4096xf32> to vector<8x4096xf32>
    %eq3A_31 = arith.cmpf oeq, %select_n3A_26, %eq3A_30 : vector<8x4096xf32>
    %jit3A_32 = arith.constant 8 : i32
    %broadcast_in_dim3A_33 = vector.broadcast %jit3A_32 : i32 to vector<8x4096xi32>
    %select_n3A_34 = arith.select %eq3A_31, %iota3A, %broadcast_in_dim3A_33 : vector<8x4096xi1>, vector<8x4096xi32>
    %reduce_min3A_35 = arith.constant dense<2147483647> : vector<4096xi32>
    %reduce_min3A_36 = vector.multi_reduction <minsi>, %select_n3A_34, %reduce_min3A_35 [0] : vector<8x4096xi32> to vector<4096xi32>
    %broadcast_in_dim3A_37 = vector.shape_cast %reduce_min3A_36 : vector<4096xi32> to vector<1x4096xi32>
    %add3A = arith.addf %broadcast_in_dim3A_17, %broadcast_in_dim3A_29 : vector<1x4096xf32>
    %eq3A_38 = vector.broadcast %broadcast_in_dim3A_21 : vector<1x4096xi32> to vector<8x4096xi32>
    %eq3A_39 = arith.cmpi eq, %iota3A, %eq3A_38 : vector<8x4096xi32>
    %convert_element_type3A = arith.extui %eq3A_39 : vector<8x4096xi1> to vector<8x4096xi32>
    %eq3A_40 = vector.broadcast %broadcast_in_dim3A_37 : vector<1x4096xi32> to vector<8x4096xi32>
    %eq3A_41 = arith.cmpi eq, %iota3A, %eq3A_40 : vector<8x4096xi32>
    %convert_element_type3A_42 = arith.extui %eq3A_41 : vector<8x4096xi1> to vector<8x4096xi32>
    %reshape3A = vector.shape_cast %convert_element_type3A : vector<8x4096xi32> to vector<8x32x128xi32>
    %convert_element_type3A_43 = arith.sitofp %reshape3A : vector<8x32x128xi32> to vector<8x32x128xf32>
    %iota3A_44 = tpu.iota {dimensions = array<i32: 0>} : vector<128x128xi32>
    %iota3A_45 = tpu.iota {dimensions = array<i32: 1>} : vector<128x128xi32>
    %le3A = arith.cmpi sle, %iota3A_44, %iota3A_45 : vector<128x128xi32>
    %convert_element_type3A_46 = arith.extui %le3A : vector<128x128xi1> to vector<128x128xi32>
    %convert_element_type3A_47 = arith.sitofp %convert_element_type3A_46 : vector<128x128xi32> to vector<128x128xf32>
    %dot_general3A_48 = arith.constant dense<0.000000e+00> : vector<8x32x128xf32>
    %dot_general3A_49 = tpu.matmul %convert_element_type3A_43, %convert_element_type3A_47, %dot_general3A_48 {dimension_numbers = #tpu.dot_dimension_numbers<[2], [0], [0, 1], [1], [0, 0, 0, 1, 1, 1], [], []>, transpose_lhs_hint = false} : vector<8x32x128xf32>, vector<128x128xf32>, vector<8x32x128xf32> -> vector<8x32x128xf32>
    %reduce_sum3A_50 = arith.constant dense<0.000000e+00> : vector<8x32xf32>
    %reduce_sum3A_51 = vector.multi_reduction <add>, %convert_element_type3A_43, %reduce_sum3A_50 [2] : vector<8x32x128xf32> to vector<8x32xf32>
    %iota3A_52 = tpu.iota {dimensions = array<i32: 0>} : vector<32x32xi32>
    %iota3A_53 = tpu.iota {dimensions = array<i32: 1>} : vector<32x32xi32>
    %lt3A = arith.cmpi slt, %iota3A_52, %iota3A_53 : vector<32x32xi32>
    %convert_element_type3A_54 = arith.extui %lt3A : vector<32x32xi1> to vector<32x32xi32>
    %convert_element_type3A_55 = arith.sitofp %convert_element_type3A_54 : vector<32x32xi32> to vector<32x32xf32>
    %dot_general3A_56 = arith.constant dense<0.000000e+00> : vector<8x32xf32>
    %dot_general3A_57 = tpu.matmul %reduce_sum3A_51, %convert_element_type3A_55, %dot_general3A_56 {dimension_numbers = #tpu.dot_dimension_numbers<[1], [0], [0], [1], [0, 0, 1, 1], [], []>, transpose_lhs_hint = false} : vector<8x32xf32>, vector<32x32xf32>, vector<8x32xf32> -> vector<8x32xf32>
    %broadcast_in_dim3A_58 = vector.shape_cast %dot_general3A_57 : vector<8x32xf32> to vector<8x32x1xf32>
    %add3A_59 = vector.broadcast %broadcast_in_dim3A_58 : vector<8x32x1xf32> to vector<8x32x128xf32>
    %add3A_60 = arith.addf %dot_general3A_49, %add3A_59 : vector<8x32x128xf32>
    %reshape3A_61 = vector.shape_cast %add3A_60 : vector<8x32x128xf32> to vector<8x4096xf32>
    %convert_element_type3A_62 = arith.fptosi %reshape3A_61 : vector<8x4096xf32> to vector<8x4096xi32>
    %reshape3A_63 = vector.shape_cast %convert_element_type3A_42 : vector<8x4096xi32> to vector<8x32x128xi32>
    %convert_element_type3A_64 = arith.sitofp %reshape3A_63 : vector<8x32x128xi32> to vector<8x32x128xf32>
    %iota3A_65 = tpu.iota {dimensions = array<i32: 0>} : vector<128x128xi32>
    %iota3A_66 = tpu.iota {dimensions = array<i32: 1>} : vector<128x128xi32>
    %le3A_67 = arith.cmpi sle, %iota3A_65, %iota3A_66 : vector<128x128xi32>
    %convert_element_type3A_68 = arith.extui %le3A_67 : vector<128x128xi1> to vector<128x128xi32>
    %convert_element_type3A_69 = arith.sitofp %convert_element_type3A_68 : vector<128x128xi32> to vector<128x128xf32>
    %dot_general3A_70 = arith.constant dense<0.000000e+00> : vector<8x32x128xf32>
    %dot_general3A_71 = tpu.matmul %convert_element_type3A_64, %convert_element_type3A_69, %dot_general3A_70 {dimension_numbers = #tpu.dot_dimension_numbers<[2], [0], [0, 1], [1], [0, 0, 0, 1, 1, 1], [], []>, transpose_lhs_hint = false} : vector<8x32x128xf32>, vector<128x128xf32>, vector<8x32x128xf32> -> vector<8x32x128xf32>
    %reduce_sum3A_72 = arith.constant dense<0.000000e+00> : vector<8x32xf32>
    %reduce_sum3A_73 = vector.multi_reduction <add>, %convert_element_type3A_64, %reduce_sum3A_72 [2] : vector<8x32x128xf32> to vector<8x32xf32>
    %iota3A_74 = tpu.iota {dimensions = array<i32: 0>} : vector<32x32xi32>
    %iota3A_75 = tpu.iota {dimensions = array<i32: 1>} : vector<32x32xi32>
    %lt3A_76 = arith.cmpi slt, %iota3A_74, %iota3A_75 : vector<32x32xi32>
    %convert_element_type3A_77 = arith.extui %lt3A_76 : vector<32x32xi1> to vector<32x32xi32>
    %convert_element_type3A_78 = arith.sitofp %convert_element_type3A_77 : vector<32x32xi32> to vector<32x32xf32>
    %dot_general3A_79 = arith.constant dense<0.000000e+00> : vector<8x32xf32>
    %dot_general3A_80 = tpu.matmul %reduce_sum3A_73, %convert_element_type3A_78, %dot_general3A_79 {dimension_numbers = #tpu.dot_dimension_numbers<[1], [0], [0], [1], [0, 0, 1, 1], [], []>, transpose_lhs_hint = false} : vector<8x32xf32>, vector<32x32xf32>, vector<8x32xf32> -> vector<8x32xf32>
    %broadcast_in_dim3A_81 = vector.shape_cast %dot_general3A_80 : vector<8x32xf32> to vector<8x32x1xf32>
    %add3A_82 = vector.broadcast %broadcast_in_dim3A_81 : vector<8x32x1xf32> to vector<8x32x128xf32>
    %add3A_83 = arith.addf %dot_general3A_71, %add3A_82 : vector<8x32x128xf32>
    %reshape3A_84 = vector.shape_cast %add3A_83 : vector<8x32x128xf32> to vector<8x4096xf32>
    %convert_element_type3A_85 = arith.fptosi %reshape3A_84 : vector<8x4096xf32> to vector<8x4096xi32>
    %sub3A_86 = arith.subi %convert_element_type3A_62, %convert_element_type3A : vector<8x4096xi32>
    %mul3A = arith.muli %sub3A_86, %convert_element_type3A : vector<8x4096xi32>
    %reduce_sum3A_87 = arith.constant dense<0> : vector<4096xi32>
    %reduce_sum3A_88 = vector.multi_reduction <add>, %mul3A, %reduce_sum3A_87 [0] : vector<8x4096xi32> to vector<4096xi32>
    %broadcast_in_dim3A_89 = vector.shape_cast %reduce_sum3A_88 : vector<4096xi32> to vector<1x4096xi32>
    %sub3A_90 = arith.subi %convert_element_type3A_85, %convert_element_type3A_42 : vector<8x4096xi32>
    %mul3A_91 = arith.muli %sub3A_90, %convert_element_type3A_42 : vector<8x4096xi32>
    %reduce_sum3A_92 = arith.constant dense<0> : vector<4096xi32>
    %reduce_sum3A_93 = vector.multi_reduction <add>, %mul3A_91, %reduce_sum3A_92 [0] : vector<8x4096xi32> to vector<4096xi32>
    %broadcast_in_dim3A_94 = vector.shape_cast %reduce_sum3A_93 : vector<4096xi32> to vector<1x4096xi32>
    %slice3A = vector.extract_strided_slice %convert_element_type3A_62 {offsets = [0, 4095], sizes = [8, 1], strides = [1, 1]} : vector<8x4096xi32> to vector<8x1xi32>
    %slice3A_95 = vector.extract_strided_slice %convert_element_type3A_85 {offsets = [0, 4095], sizes = [8, 1], strides = [1, 1]} : vector<8x4096xi32> to vector<8x1xi32>
    %add3A_96 = arith.addi %slice3A, %slice3A_95 : vector<8x1xi32>
    %add3A_97 = arith.constant 256 : i32
    %add3A_98 = vector.broadcast %add3A_97 : i32 to vector<8x1xi32>
    %add3A_99 = arith.addi %add3A_96, %add3A_98 : vector<8x1xi32>
    %sub3A_100 = arith.constant 1 : i32
    %sub3A_101 = vector.broadcast %sub3A_100 : i32 to vector<8x1xi32>
    %sub3A_102 = arith.subi %add3A_99, %sub3A_101 : vector<8x1xi32>
    %jit3A_103 = arith.constant 256 : i32
    %div3A_104 = vector.broadcast %jit3A_103 : i32 to vector<8x1xi32>
    %div3A_105 = arith.divsi %sub3A_102, %div3A_104 : vector<8x1xi32>
    %sign3A = arith.constant 0 : i32
    %sign3A_106 = vector.broadcast %sign3A : i32 to vector<8x1xi32>
    %sign3A_107 = arith.cmpi sgt, %sub3A_102, %sign3A_106 : vector<8x1xi32>
    %sign3A_108 = arith.extui %sign3A_107 : vector<8x1xi1> to vector<8x1xi32>
    %sign3A_109 = arith.constant 0 : i32
    %sign3A_110 = vector.broadcast %sign3A_109 : i32 to vector<8x1xi32>
    %sign3A_111 = arith.cmpi slt, %sub3A_102, %sign3A_110 : vector<8x1xi32>
    %sign3A_112 = arith.extui %sign3A_111 : vector<8x1xi1> to vector<8x1xi32>
    %sign3A_113 = arith.subi %sign3A_108, %sign3A_112 : vector<8x1xi32>
    %sign3A_114 = arith.constant 0 : i32
    %sign3A_115 = arith.cmpi sgt, %jit3A_103, %sign3A_114 : i32
    %sign3A_116 = arith.extui %sign3A_115 : i1 to i32
    %sign3A_117 = arith.constant 0 : i32
    %sign3A_118 = arith.cmpi slt, %jit3A_103, %sign3A_117 : i32
    %sign3A_119 = arith.extui %sign3A_118 : i1 to i32
    %sign3A_120 = arith.subi %sign3A_116, %sign3A_119 : i32
    %ne3A = vector.broadcast %sign3A_120 : i32 to vector<8x1xi32>
    %ne3A_121 = arith.cmpi ne, %sign3A_113, %ne3A : vector<8x1xi32>
    %rem3A = vector.broadcast %jit3A_103 : i32 to vector<8x1xi32>
    %rem3A_122 = arith.remsi %sub3A_102, %rem3A : vector<8x1xi32>
    %ne3A_123 = arith.constant 0 : i32
    %ne3A_124 = vector.broadcast %ne3A_123 : i32 to vector<8x1xi32>
    %ne3A_125 = arith.cmpi ne, %rem3A_122, %ne3A_124 : vector<8x1xi32>
    %and3A = arith.andi %ne3A_121, %ne3A_125 : vector<8x1xi1>
    %sub3A_126 = arith.constant 1 : i32
    %sub3A_127 = vector.broadcast %sub3A_126 : i32 to vector<8x1xi32>
    %sub3A_128 = arith.subi %div3A_105, %sub3A_127 : vector<8x1xi32>
    %select_n3A_129 = arith.select %and3A, %sub3A_128, %div3A_105 : vector<8x1xi1>, vector<8x1xi32>
    %mul3A_130 = arith.constant 256 : i32
    %mul3A_131 = vector.broadcast %mul3A_130 : i32 to vector<8x1xi32>
    %mul3A_132 = arith.muli %select_n3A_129, %mul3A_131 : vector<8x1xi32>
    %iota3A_133 = tpu.iota {dimensions = array<i32: 1>} : vector<8x8xi32>
    %iota3A_134 = tpu.iota {dimensions = array<i32: 0>} : vector<8x8xi32>
    %le3A_135 = arith.cmpi sle, %iota3A_133, %iota3A_134 : vector<8x8xi32>
    %convert_element_type3A_136 = arith.extui %le3A_135 : vector<8x8xi1> to vector<8x8xi32>
    %convert_element_type3A_137 = arith.sitofp %convert_element_type3A_136 : vector<8x8xi32> to vector<8x8xf32>
    %convert_element_type3A_138 = arith.sitofp %mul3A_132 : vector<8x1xi32> to vector<8x1xf32>
    %dot_general3A_139 = arith.constant dense<0.000000e+00> : vector<8x1xf32>
    %dot_general3A_140 = tpu.matmul %convert_element_type3A_137, %convert_element_type3A_138, %dot_general3A_139 {dimension_numbers = #tpu.dot_dimension_numbers<[1], [0], [0], [1], [0, 0, 1, 1], [], []>, transpose_lhs_hint = false} : vector<8x8xf32>, vector<8x1xf32>, vector<8x1xf32> -> vector<8x1xf32>
    %convert_element_type3A_141 = arith.fptosi %dot_general3A_140 : vector<8x1xf32> to vector<8x1xi32>
    %sub3A_142 = arith.subi %convert_element_type3A_141, %mul3A_132 : vector<8x1xi32>
    %mul3A_143 = vector.broadcast %sub3A_142 : vector<8x1xi32> to vector<8x4096xi32>
    %mul3A_144 = arith.muli %convert_element_type3A, %mul3A_143 : vector<8x4096xi32>
    %reduce_sum3A_145 = arith.constant dense<0> : vector<4096xi32>
    %reduce_sum3A_146 = vector.multi_reduction <add>, %mul3A_144, %reduce_sum3A_145 [0] : vector<8x4096xi32> to vector<4096xi32>
    %broadcast_in_dim3A_147 = vector.shape_cast %reduce_sum3A_146 : vector<4096xi32> to vector<1x4096xi32>
    %add3A_148 = arith.addi %broadcast_in_dim3A_147, %broadcast_in_dim3A_89 : vector<1x4096xi32>
    %add3A_149 = arith.addi %sub3A_142, %slice3A : vector<8x1xi32>
    %mul3A_150 = vector.broadcast %add3A_149 : vector<8x1xi32> to vector<8x4096xi32>
    %mul3A_151 = arith.muli %convert_element_type3A_42, %mul3A_150 : vector<8x4096xi32>
    %reduce_sum3A_152 = arith.constant dense<0> : vector<4096xi32>
    %reduce_sum3A_153 = vector.multi_reduction <add>, %mul3A_151, %reduce_sum3A_152 [0] : vector<8x4096xi32> to vector<4096xi32>
    %broadcast_in_dim3A_154 = vector.shape_cast %reduce_sum3A_153 : vector<4096xi32> to vector<1x4096xi32>
    %add3A_155 = arith.addi %broadcast_in_dim3A_154, %broadcast_in_dim3A_94 : vector<1x4096xi32>
    %concatenate3A = tpu.concatenate %add3A_148, %add3A_155 in 1 : vector<1x4096xi32>, vector<1x4096xi32> -> vector<1x8192xi32>
    %broadcast_in_dim3A_156 = arith.constant 0 : i32
    %broadcast_in_dim3A_157 = vector.broadcast %broadcast_in_dim3A_156 : i32 to vector<7x8192xi32>
    %concatenate3A_158 = tpu.concatenate %concatenate3A, %broadcast_in_dim3A_157 in 0 : vector<1x8192xi32>, vector<7x8192xi32> -> vector<8x8192xi32>
    %swap3A_159 = arith.constant 0 : index
    %swap3A_160 = arith.constant 0 : index
    %swap3A_161 = vector.load %arg3[%swap3A_159, %swap3A_160] : memref<8x8192xi32, #tpu.memory_space<vmem>>, vector<8x8192xi32>
    tpu.vector_store %arg3[%swap3A_159, %swap3A_160], %concatenate3A_158 {strides = array<i32>} : memref<8x8192xi32, #tpu.memory_space<vmem>>, vector<8x8192xi32>,
    %div3A_162 = arith.divf %broadcast_in_dim3A_17, %add3A : vector<1x4096xf32>
    %div3A_163 = arith.divf %broadcast_in_dim3A_29, %add3A : vector<1x4096xf32>
    %concatenate3A_164 = tpu.concatenate %div3A_162, %div3A_163 in 1 : vector<1x4096xf32>, vector<1x4096xf32> -> vector<1x8192xf32>
    %broadcast_in_dim3A_165 = arith.constant 0.000000e+00 : f32
    %broadcast_in_dim3A_166 = vector.broadcast %broadcast_in_dim3A_165 : f32 to vector<7x8192xf32>
    %concatenate3A_167 = tpu.concatenate %concatenate3A_164, %broadcast_in_dim3A_166 in 0 : vector<1x8192xf32>, vector<7x8192xf32> -> vector<8x8192xf32>
    %swap3A_168 = arith.constant 0 : index
    %swap3A_169 = arith.constant 0 : index
    %swap3A_170 = vector.load %arg4[%swap3A_168, %swap3A_169] : memref<8x8192xf32, #tpu.memory_space<vmem>>, vector<8x8192xf32>
    tpu.vector_store %arg4[%swap3A_168, %swap3A_169], %concatenate3A_167 {strides = array<i32>} : memref<8x8192xf32, #tpu.memory_space<vmem>>, vector<8x8192xf32>,
    %slice3A_171 = vector.extract_strided_slice %convert_element_type3A_141 {offsets = [7, 0], sizes = [1, 1], strides = [1, 1]} : vector<8x1xi32> to vector<1x1xi32>
    %jit3A_172 = arith.constant 256 : i32
    %div3A_173 = vector.broadcast %jit3A_172 : i32 to vector<1x1xi32>
    %div3A_174 = arith.divsi %slice3A_171, %div3A_173 : vector<1x1xi32>
    %sign3A_175 = arith.constant 0 : i32
    %sign3A_176 = vector.broadcast %sign3A_175 : i32 to vector<1x1xi32>
    %sign3A_177 = arith.cmpi sgt, %slice3A_171, %sign3A_176 : vector<1x1xi32>
    %sign3A_178 = arith.extui %sign3A_177 : vector<1x1xi1> to vector<1x1xi32>
    %sign3A_179 = arith.constant 0 : i32
    %sign3A_180 = vector.broadcast %sign3A_179 : i32 to vector<1x1xi32>
    %sign3A_181 = arith.cmpi slt, %slice3A_171, %sign3A_180 : vector<1x1xi32>
    %sign3A_182 = arith.extui %sign3A_181 : vector<1x1xi1> to vector<1x1xi32>
    %sign3A_183 = arith.subi %sign3A_178, %sign3A_182 : vector<1x1xi32>
    %sign3A_184 = arith.constant 0 : i32
    %sign3A_185 = arith.cmpi sgt, %jit3A_172, %sign3A_184 : i32
    %sign3A_186 = arith.extui %sign3A_185 : i1 to i32
    %sign3A_187 = arith.constant 0 : i32
    %sign3A_188 = arith.cmpi slt, %jit3A_172, %sign3A_187 : i32
    %sign3A_189 = arith.extui %sign3A_188 : i1 to i32
    %sign3A_190 = arith.subi %sign3A_186, %sign3A_189 : i32
    %ne3A_191 = vector.broadcast %sign3A_190 : i32 to vector<1x1xi32>
    %ne3A_192 = arith.cmpi ne, %sign3A_183, %ne3A_191 : vector<1x1xi32>
    %rem3A_193 = vector.broadcast %jit3A_172 : i32 to vector<1x1xi32>
    %rem3A_194 = arith.remsi %slice3A_171, %rem3A_193 : vector<1x1xi32>
    %ne3A_195 = arith.constant 0 : i32
    %ne3A_196 = vector.broadcast %ne3A_195 : i32 to vector<1x1xi32>
    %ne3A_197 = arith.cmpi ne, %rem3A_194, %ne3A_196 : vector<1x1xi32>
    %and3A_198 = arith.andi %ne3A_192, %ne3A_197 : vector<1x1xi1>
    %sub3A_199 = arith.constant 1 : i32
    %sub3A_200 = vector.broadcast %sub3A_199 : i32 to vector<1x1xi32>
    %sub3A_201 = arith.subi %div3A_174, %sub3A_200 : vector<1x1xi32>
    %select_n3A_202 = arith.select %and3A_198, %sub3A_201, %div3A_174 : vector<1x1xi1>, vector<1x1xi32>
    %iota3A_203 = tpu.iota {dimensions = array<i32: 1>} : vector<8x40xi32>
    %mul3A_204 = arith.constant 256 : i32
    %mul3A_205 = vector.broadcast %mul3A_204 : i32 to vector<8x40xi32>
    %mul3A_206 = arith.muli %iota3A_203, %mul3A_205 : vector<8x40xi32>
    %ge3A = vector.broadcast %convert_element_type3A_141 : vector<8x1xi32> to vector<8x40xi32>
    %ge3A_207 = arith.cmpi sge, %mul3A_206, %ge3A : vector<8x40xi32>
    %convert_element_type3A_208 = arith.extui %ge3A_207 : vector<8x40xi1> to vector<8x40xi32>
    %reduce_sum3A_209 = arith.constant dense<0> : vector<40xi32>
    %reduce_sum3A_210 = vector.multi_reduction <add>, %convert_element_type3A_208, %reduce_sum3A_209 [0] : vector<8x40xi32> to vector<40xi32>
    %broadcast_in_dim3A_211 = vector.shape_cast %reduce_sum3A_210 : vector<40xi32> to vector<1x40xi32>
    %min3A = arith.constant 7 : i32
    %min3A_212 = vector.broadcast %min3A : i32 to vector<1x40xi32>
    %min3A_213 = arith.minsi %broadcast_in_dim3A_211, %min3A_212 : vector<1x40xi32>
    %iota3A_214 = tpu.iota {dimensions = array<i32: 0>} : vector<8x1xi32>
    %gt3A = arith.constant 0 : i32
    %gt3A_215 = vector.broadcast %gt3A : i32 to vector<8x1xi32>
    %gt3A_216 = arith.cmpi sgt, %add3A_96, %gt3A_215 : vector<8x1xi32>
    %jit3A_217 = arith.constant 0 : i32
    %broadcast_in_dim3A_218 = vector.broadcast %jit3A_217 : i32 to vector<8x1xi32>
    %select_n3A_219 = arith.select %gt3A_216, %iota3A_214, %broadcast_in_dim3A_218 : vector<8x1xi1>, vector<8x1xi32>
    %reduce_max3A_220 = arith.constant dense<-2147483648> : vector<1xi32>
    %reduce_max3A_221 = vector.multi_reduction <maxsi>, %select_n3A_219, %reduce_max3A_220 [0] : vector<8x1xi32> to vector<1xi32>
    %broadcast_in_dim3A_222 = vector.shape_cast %reduce_max3A_221 : vector<1xi32> to vector<1x1xi32>
    %iota3A_223 = tpu.iota {dimensions = array<i32: 1>} : vector<1x40xi32>
    %ge3A_224 = vector.broadcast %select_n3A_202 : vector<1x1xi32> to vector<1x40xi32>
    %ge3A_225 = arith.cmpi sge, %iota3A_223, %ge3A_224 : vector<1x40xi32>
    %broadcast_in_dim3A_226 = vector.shape_cast %broadcast_in_dim3A_222 : vector<1x1xi32> to vector<1x1xi32>
    %broadcast_in_dim3A_227 = vector.broadcast %broadcast_in_dim3A_226 : vector<1x1xi32> to vector<1x40xi32>
    %select_n3A_228 = arith.select %ge3A_225, %broadcast_in_dim3A_227, %min3A_213 : vector<1x40xi1>, vector<1x40xi32>
    %broadcast_in_dim3A_229 = vector.shape_cast %select_n3A_202 : vector<1x1xi32> to vector<1x1xi32>
    %broadcast_in_dim3A_230 = vector.broadcast %broadcast_in_dim3A_229 : vector<1x1xi32> to vector<1x8xi32>
    %concatenate3A_231 = tpu.concatenate %select_n3A_228, %broadcast_in_dim3A_230 in 1 : vector<1x40xi32>, vector<1x8xi32> -> vector<1x48xi32>
    %swap3A_232 = arith.constant 0 : index
    %swap3A_233 = arith.constant 0 : index
    %swap3A_234 = vector.load %arg5[%swap3A_232, %swap3A_233] : memref<1x48xi32, #tpu.memory_space<vmem>>, vector<1x48xi32>
    tpu.vector_store %arg5[%swap3A_232, %swap3A_233], %concatenate3A_231 {strides = array<i32>} : memref<1x48xi32, #tpu.memory_space<vmem>>, vector<1x48xi32>,
    return
  }
}

</mosaic_0001>

<sc_bundles>
// kernel: kernel.10.cloned.1.call-start
scs
__scs_entry_jumppad:
0x0: {  	(pc) =	sbr.rel $0x88, $3  }
0x1: {  	(tag) =	ssettag $0x0;
	lr =	simm.s32 $0x1  }
0x2: {  	[smem:$0x3F9C] =	sst lr;
	_ =	strace $0xD0000000  }
0x3: {  	_ = 	snop  }
0x4: {  	_ = 	snop  }
0x5: {  	_ = 	snop  }
0x6: {  	_ = 	snop  }
0x7: {  	_ = 	snop  }
__scs_overlays_trampoline_lowered:
0x8: {  	[smem:$0x3FAB] =	sst s0  }
0x9: {  	[smem:$0x3FAC] =	sst s1  }
0xa: {  	[smem:$0x3FAD] =	sst s2  }
0xb: {  	[smem:$0x3FAE] =	sst s3  }
0xc: {  	[smem:$0x3FAF] =	sst s4  }
0xd: {  	[smem:$0x3FB0] =	sst s5  }
0xe: {  	[smem:$0x3FB1] =	sst s6  }
0xf: {  	[smem:$0x3FB2] =	sst s7  }
0x10: {  	[smem:$0x3FB3] =	sst s8  }
0x11: {  	[smem:$0x3FB4] =	sst s9;
	s0 =	simm.s32 @!p0 $0x0  }
0x12: {  	s1 =	sld [smem:$0x3F9A];
	s0 =	simm.s32 @p0 $0x1  }
0x13: {  	[smem:$0x3FB5] =	sst s0;
	s0 =	simm.s32 @!p1 $0x0  }
0x14: {  	s2 =	sld [smem:$0x3F99];
	s0 =	simm.s32 @p1 $0x1  }
0x15: {  	[smem:$0x3FB6] =	sst s0;
	s0 =	simm.s32 @!p2 $0x0  }
0x16: {  	s3 =	sld [smem:$0x3FDB];
	s0 =	simm.s32 @p2 $0x1  }
0x17: {  	s4 =	simm.s32 $0x1BF5;
	[smem:$0x3FB8] =	sst s0  }
0x18: {  	s0 =	sld [smem:$0x3F9B];
	_ =	swait.ge [sflag:s4], $0x0  }
0x19: {  	s7 =	sld [smem:$0x3F9C]  }
0x1a: {  	s8 =	sadd.s32 $0xFFFFE003, lr  }
0x1b: {  	s9 =	sadd.s32 $0xFFFFFEF7, lr;
	s5 =	simm.s32 $0xFFFFFFFF;
	p2 =	slt.u32 s8, $0xFFFFF086  }
0x1c: {  	p1 =	slt.u32 s9, $0xF7A;
	s5 =	simm.s32 @!p2 $0x0  }
0x1d: {  	s5 =	simm.s32 @p1 $0x1;
	p0 =	seq.s32 s7, s2  }
0x1e: {  	s7 =	smul.u32 @!p0 $0xF7A, s2;
	p2 =	seq.s32 @!p0 s5, $0x0  }
0x1f: {  	s9 =	smul.u32 $0xF7A, s1;
	s8 =	simm.s32 @!p0 $0x1BF5;
	p2 =	por !p2, p0  }
0x20: {  	[sflag:s8] =	ssyncset.s32 @!p0 $0xFFFFF086;
	s6 =	sadd.s32 @!p0 s3, s7;
	s7 =	simm.s32 @!p0 $0x108  }
0x21: {  	s3 =	sadd.s32 s3, s9;
	s6 =	sadd.s32 @!p0 $0x88, s6;
	s7 =	simm.s32 @p2 $0x1082  }
0x22: {  	[simem:s7], [sflag:s8] =	dma.local @!p0 [hbm:s6], $0xF7A  }
0x23: {  	s9 =	sor.u32 $0xD0000000, s2;
	s6 =	simm.s32 $0x108;
	_ =	swait.ge @!p0 [sflag:s8], $0x0  }
0x24: {  	s3 =	sadd.s32 $0x88, s3;
	s6 =	simm.s32 @!p1 $0x1082;
	[sflag:s4] =	ssyncset.s32 $0xFFFFF086  }
0x25: {  	[simem:s6], [sflag:s4] =	dma.local [hbm:s3], $0xF7A  }
0x26: {  	[smem:$0x3F9C] =	sst s1;
	(tag) =	ssettag s2;
	_ =	strace s9  }
0x27: {  	s1 =	sld [smem:$0x3FAC]  }
0x28: {  	s2 =	sld [smem:$0x3FAD]  }
0x29: {  	s4 =	sld [smem:$0x3FAF]  }
0x2a: {  	p0 =	seq.s32 s5, $0x0;
	s5 =	sld [smem:$0x3FB0]  }
0x2b: {  	s6 =	sld [smem:$0x3FB1]  }
0x2c: {  	s7 =	sld [smem:$0x3FB2]  }
0x2d: {  	s3 =	simm.s32 $0x108;
	s8 =	sld [smem:$0x3FB3]  }
0x2e: {  	s3 =	simm.s32 @!p0 $0x1082;
	s9 =	sld [smem:$0x3FB4]  }
0x2f: {  	lr =	sadd.s32 s0, s3;
	s0 =	sld [smem:$0x3FAB]  }
0x30: {  	s3 =	sld [smem:$0x3FAE]  }
0x31: {  	[smem:$0x3FB7] =	sst s10  }
0x32: {  	s10 =	sld [smem:$0x3FB5];
	_ =	sdelay $0x3  }
0x33: {  	p0 =	seq.s32 s10, $0x1;
	s10 =	sld [smem:$0x3FB7];
	_ =	sdelay $0x3  }
0x34: {  	[smem:$0x3FB7] =	sst s10  }
0x35: {  	s10 =	sld [smem:$0x3FB6];
	_ =	sdelay $0x3  }
0x36: {  	p1 =	seq.s32 s10, $0x1;
	s10 =	sld [smem:$0x3FB7];
	_ =	sdelay $0x3  }
0x37: {  	[smem:$0x3FB7] =	sst s10  }
0x38: {  	s10 =	sld [smem:$0x3FB8]  }
0x39: {  	_ = 	snop;
	(pc) =	sbr.ind lr, $3  }
0x3a: {  	_ = 	snop  }
0x3b: {  	_ = 	snop  }
0x3c: {  	p2 =	seq.s32 s10, $0x1;
	s10 =	sld [smem:$0x3FB7]  }
0x3d: {  	_ =	shalt  }
0x3e: {  	_ =	shalt  }
0x3f: {  	_ =	shalt  }
0x40: {  	_ =	shalt  }
0x41: {  	_ =	shalt  }
0x42: {  	_ =	shalt  }
0x43: {  	_ =	shalt  }
0x44: {  	_ =	shalt  }
0x45: {  	_ =	shalt  }
0x46: {  	_ =	shalt  }
0x47: {  	_ =	shalt  }
0x48: {  	_ =	shalt  }
0x49: {  	_ =	shalt  }
0x4a: {  	_ =	shalt  }
0x4b: {  	_ =	shalt  }
0x4c: {  	_ =	shalt  }
0x4d: {  	_ =	shalt  }
0x4e: {  	_ =	shalt  }
0x4f: {  	_ =	shalt  }
0x50: {  	_ =	shalt  }
0x51: {  	_ =	shalt  }
0x52: {  	_ =	shalt  }
0x53: {  	_ =	shalt  }
0x54: {  	_ =	shalt  }
0x55: {  	_ =	shalt  }
0x56: {  	_ =	shalt  }
0x57: {  	_ =	shalt  }
0x58: {  	_ =	shalt  }
0x59: {  	_ =	shalt  }
0x5a: {  	_ =	shalt  }
0x5b: {  	_ =	shalt  }
0x5c: {  	_ =	shalt  }
0x5d: {  	_ =	shalt  }
0x5e: {  	_ =	shalt  }
0x5f: {  	_ =	shalt  }
0x60: {  	_ =	shalt  }
0x61: {  	_ =	shalt  }
0x62: {  	_ =	shalt  }
0x63: {  	_ =	shalt  }
0x64: {  	_ =	shalt  }
0x65: {  	_ =	shalt  }
0x66: {  	_ =	shalt  }
0x67: {  	_ =	shalt  }
0x68: {  	_ =	shalt  }
0x69: {  	_ =	shalt  }
0x6a: {  	_ =	shalt  }
0x6b: {  	_ =	shalt  }
0x6c: {  	_ =	shalt  }
0x6d: {  	_ =	shalt  }
0x6e: {  	_ =	shalt  }
0x6f: {  	_ =	shalt  }
0x70: {  	_ =	shalt  }
0x71: {  	_ =	shalt  }
0x72: {  	_ =	shalt  }
0x73: {  	_ =	shalt  }
0x74: {  	_ =	shalt  }
0x75: {  	_ =	shalt  }
0x76: {  	_ =	shalt  }
0x77: {  	_ =	shalt  }
0x78: {  	_ =	shalt  }
0x79: {  	_ =	shalt  }
0x7a: {  	_ =	shalt  }
0x7b: {  	_ =	shalt  }
0x7c: {  	_ =	shalt  }
0x7d: {  	_ =	shalt  }
0x7e: {  	_ =	shalt  }
0x7f: {  	_ =	shalt  }
0x80: {  	_ =	shalt  }
0x81: {  	_ =	shalt  }
0x82: {  	_ =	shalt  }
0x83: {  	_ =	shalt  }
0x84: {  	_ =	shalt  }
0x85: {  	_ =	shalt  }
0x86: {  	_ =	shalt  }
0x87: {  	_ =	shalt  }
.Lfunc_end0:
.L_simem_size_0:
called_computation.1_lowered:
.L_overlay_start_0:
0x88: {  	s2 =	sld [smem:$0x3FD9]  }
0x89: {  	s3 =	sld [smem:$0x3FFE];
	_ =	sdelay $0x1  }
0x8a: {  	s1 =	srdreg.scid  }
0x8b: {  	s0 =	sand.u32 $0x1, s1  }
0x8c: {  	s14 =	sshll.u32 s0, $0xA;
	s2 =	sadd.s32 s3, s2  }
0x8d: {  	s2 =	sadd.s32 s2, s14  }
0x8e: {  	[smem:$0x3FC3] =	sst s2  }
0x8f: {  	_ = 	snop  }
0x90: {  	s2 =	sld [smem:$0x3FD0];
	_ =	sdelay $0x2  }
0x91: {  	s4 =	simm.s32 $0xA;
	s5 =	simm.s32 $0x10;
	s15 =	sld [smem:$0x3FC9]  }
0x92: {  	[smem:s5], [sflag:s4] =	dma.local [hbm:s2], $0x1  }
0x93: {  	_ =	swait.eq [sflag:s4], $0x1  }
0x94: {  	[sflag:s4] =	ssyncset.done $0x0  }
0x95: {  	[sflag:s4] =	ssyncadd.s32 $0xFFFFFFFF  }
0x96: {  	s16 =	sld [smem:$0x11];
	(tm) =	ssettm $0x1  }
0x97: {  	s17 =	sld [smem:$0x3FFB];
	_ =	sdelay $0x3  }
0x98: {  	_ =	strace s17  }
0x99: {  	s4 =	sld [smem:$0x3FFC];
	_ =	sdelay $0x3  }
0x9a: {  	_ =	strace s4  }
0x9b: {  	s4 =	sld [smem:$0x3FFD];
	_ =	sdelay $0x3  }
0x9c: {  	_ =	strace s4  }
0x9d: {  	_ =	strace $0x8FFFFFFF  }
0x9e: {  	s18 =	sld [smem:$0x3FDB];
	_ =	sdelay $0x1  }
0x9f: {  	s19 =	simm.s32 $_scs_section_size  }
0xa0: {  	s6 =	simm.s32 $_size__tile_overlayer_lowered;
	s7 =	simm.s32 $_tile_overlayer_lowered  }
0xa1: {  	s22 =	simm.s32 $0x1BFF;
	s21 =	sshll.u32 s7, $0x1;
	s4 =	sadd.s32 s19, s18  }
0xa2: {  	s8 =	simm.s32 $0x0;
	s20 =	sshll.u32 s6, $0x1;
	s6 =	sadd.s32 s21, s4  }
0xa3: {  	[timem:s8], [sflag:s22] =	dma.local [hbm:s6], s20  }
0xa4: {  	_ =	swait.ge [sflag:s22], s20  }
0xa5: {  	s5 =	ssub.s32 $0x0, s20;
	[sflag:s22] =	ssyncset.done $0x0  }
0xa6: {  	[sflag:s22] =	ssyncadd.s32 s5;
	_ =	sdelay $0x1  }
0xa7: {  	s23 =	simm.s32 $0x1B8B  }
0xa8: {  	_ =	swait.ge [sflag:s23], $0x1  }
0xa9: {  	[sflag:s23] =	ssyncset.done $0x0  }
0xaa: {  	s25 =	simm.s32 $0x1B8E;
	s24 =	sld [smem:$0x3FFE];
	[sflag:s23] =	ssyncadd.s32 $0xFFFFFFFF  }
0xab: {  	s26 =	simm.s32 $execute0_lowered;
	[smem:$0x3FD2] =	sst s25  }
0xac: {  	s6 =	sshll.u32 s26, $0x1;
	_ =	strace $0x80000049;
	[dreg:$0x1] =	wrdreg $0xFFFFFFFF  }
0xad: {  	s28 =	simm.s32 $_size_execute0_lowered;
	s4 =	sadd.s32 s4, s6;
	[dreg:$0x0] =	wrdreg $0x0  }
0xae: {  	s6 =	sshll.u32 s28, $0x1;
	[dreg:$0x2] =	wrdreg s4  }
0xaf: {  	[dreg:$0x3] =	wrdreg s6  }
0xb0: {  	[dreg:$0x4] =	wrdreg $0xC0  }
0xb1: {  	_ =	task [dreg:s8], $0x5FFFF  }
0xb2: {  	[dreg:$0x1] =	wrdreg $0xFFFFFFFF  }
0xb3: {  	[dreg:$0x0] =	wrdreg $0x60  }
0xb4: {  	[dreg:$0x2] =	wrdreg s15  }
0xb5: {  	[dreg:$0x3] =	wrdreg s16  }
0xb6: {  	[dreg:$0x4] =	wrdreg s24  }
0xb7: {  	[dreg:$0x5] =	wrdreg $0x9  }
0xb8: {  	_ =	task.clear_ibuf [dreg:s8], $0x6FFFF;
	_ =	strace $0x90000049  }
0xb9: {  	s29 =	simm.s32 $0x9;
	_ =	strace $0x8000004B  }
0xba: {  	_ =	swait.ge [sflag:s29], $0x1  }
0xbb: {  	[sflag:s29] =	ssyncadd.s32 $0xFFFFFFFF  }
0xbc: {  	_ =	strace $0x9000004B  }
0xbd: {  	_ =	sfence  }
0xbe: {  	s30 =	sld [smem:$0x0];
	_ =	sdelay $0x2  }
0xbf: {  	s31 =	sshll.u32 s1, $0xD;
	s1 =	sshrl.u32 s1, $0x2  }
0xc0: {  	s3 =	sand.u32 $0x4000, s31;
	s1 =	sadd.s32 s1, s30  }
0xc1: {  	s0 =	sor.u32 s3, s0;
	s1 =	sshll.u32 s1, $0x11  }
0xc2: {  	s0 =	sor.u32 s1, s0  }
0xc3: {  	s0 =	sadd.s32 $0x8F2B, s0  }
0xc4: {  	[sflag:s0] =	ssyncadd.remote.s32 $0x1  }
0xc5: {  	_ =	sfence.sel $0xFFFF  }
0xc6: {  	[dreg:$0x0] =	wrdreg $0xFFFFFFFF;
	(pc) =	sbr.abs _section_cstart, $3  }
0xc7: {  	[dreg:$0x1] =	wrdreg $0xFFFFFFFF  }
0xc8: {  	_ =	task.clear_ibuf [dreg:s8], $0x2FFFF;
	_ =	strace $0x9FFFFFFF  }
0xc9: {  	(tm) =	ssettm $0x7FFFFFFF  }
tec
execute0_lowered:
.L_overlay_start_1:
0x0: {  	(tag) =	ssettag $0x1  }
0x1: {  	s2 =	rddreg [dreg:$0x0]  }
0x2: {  	s4 =	rddreg [dreg:$0x1]  }
0x3: {  	s6 =	rddreg [dreg:$0x2];
	s3 =	simm.s32 $0x0  }
0x4: {  	s23 =	simm.s32 $0x880;
	[smem:$0x7FF] =	sst s3  }
0x5: {  	s24 =	simm.s32 $0x1080;
	_ =	strace $0x8000004A;
	[dreg:$0x5] =	wrdreg s23  }
0x6: {  	s25 =	simm.s32 $0x1880;
	[dreg:$0x6] =	wrdreg s24  }
0x7: {  	s26 =	simm.s32 $0x2080;
	[dreg:$0x7] =	wrdreg s25  }
0x8: {  	s9 =	simm.s32 $0x3880;
	[dreg:$0x8] =	wrdreg s26  }
0x9: {  	s7 =	stileid.u32;
	s10 =	simm.s32 $0x4080;
	[dreg:$0xb] =	wrdreg s9  }
0xa: {  	s0 =	srdreg.scid;
	s11 =	simm.s32 $0x4880;
	[dreg:$0xc] =	wrdreg s10  }
0xb: {  	s13 =	simm.s32 $0x5080;
	s15 =	simm.s32 $0x5880;
	[dreg:$0xd] =	wrdreg s11  }
0xc: {  	s17 =	simm.s32 $0x6080;
	s18 =	simm.s32 $0x6880;
	[dreg:$0xe] =	wrdreg s13  }
0xd: {  	s19 =	simm.s32 $0x7080;
	s20 =	simm.s32 $0x7880;
	[dreg:$0xf] =	wrdreg s15  }
0xe: {  	s21 =	simm.s32 $0x8080;
	s22 =	simm.s32 $0x8880;
	[dreg:$0x10] =	wrdreg s17  }
0xf: {  	s28 =	simm.s32 $0x13080;
	s29 =	simm.s32 $0x13880;
	[dreg:$0x11] =	wrdreg s18  }
0x10: {  	s30 =	simm.s32 $0x1;
	s1 =	smul.u32 $0x280, s7;
	[dreg:$0x12] =	wrdreg s19  }
0x11: {  	s0 =	sand.u32 $0x1, s0;
	s8 =	smul.u32 $0x14000, s7;
	[dreg:$0x13] =	wrdreg s20  }
0x12: {  	s31 =	simm.s32 $0x0;
	s5 =	smul.u32 $0x140, s0;
	[dreg:$0x14] =	wrdreg s21  }
0x13: {  	s12 =	ssub.s32 $0x2, s0;
	s0 =	smul.u32 $0xA000, s0;
	[dreg:$0x15] =	wrdreg s22  }
0x14: {  	s23 =	simm.s32 $0x9080;
	s24 =	simm.s32 $0x9880;
	s9 =	simm.s32 $0x2  }
0x15: {  	s25 =	simm.s32 $0xA080;
	s10 =	simm.s32 $0x80;
	s26 =	simm.s32 $0xA880  }
0x16: {  	s11 =	simm.s32 $0xB080;
	s13 =	simm.s32 $0xC080;
	s15 =	simm.s32 $0xD080  }
0x17: {  	s17 =	simm.s32 $0xE080;
	s18 =	simm.s32 $0xE880;
	s19 =	simm.s32 $0xF080  }
0x18: {  	s20 =	simm.s32 $0xF880;
	s21 =	simm.s32 $0x10080;
	[dreg:$0x16] =	wrdreg s23  }
0x19: {  	s22 =	simm.s32 $0x10880;
	s8 =	sadd.s32 s8, s6;
	[dreg:$0x17] =	wrdreg s24  }
0x1a: {  	s14 =	sshrl.u32 s12, $0x1;
	s6 =	sadd.s32 $0x300, s2;
	[dreg:$0x18] =	wrdreg s25  }
0x1b: {  	[dreg:$0x19] =	wrdreg s26;
	s23 =	simm.s32 $0x11080;
	s24 =	simm.s32 $0x11880  }
0x1c: {  	s25 =	simm.s32 $0x12080;
	s26 =	simm.s32 $0x12880;
	s1 =	sadd.s32 s5, s1  }
0x1d: {  	s5 =	simm.s32 $0x3080;
	s16 =	ssub.s32 s12, s14;
	s0 =	sadd.s32 s0, s8  }
0x1e: {  	s12 =	simm.s32 $0xB880;
	[dreg:$0xa] =	wrdreg s5;
	s7 =	smax.u32 s16, $0x1  }
0x1f: {  	s1 =	sshrl.u32 s1, $0x3;
	s0 =	sadd.s32 $0x14600, s0;
	[dreg:$0x1a] =	wrdreg s7  }
0x20: {  	v2 =	vlaneseq.u32;
	s14 =	simm.s32 $0xC880;
	s1 =	sadd.s32 s1, s4;
	[dreg:$0x1b] =	wrdreg s0  }
0x21: {  	vm0 =	vmmov $0xffff;
	v1 =	vshrl.u32 v2, $0x3;
	s5 =	sadd.s32 $0x200, s2;
	s4 =	simm.s32 $0x2880;
	[dreg:$0x4] =	wrdreg s1  }
0x22: {  	v0 =	vand.u32 $0x7, v2;
	v2 =	vor.u32 $0x8, v2;
	v1 =	vmul.u32 $0x8, v1;
	s16 =	simm.s32 $0xD880;
	[dreg:$0x9] =	wrdreg s4;
	s4 =	sadd.s32 $0x100, s2  }
.LBB2_1:
0x23: {  	s8 =	rddreg [dreg:$0x1b];
	s0 =	simm.s32 $0x0  }
.LBB2_2:
0x24: {  	s7 =	rddreg [dreg:$0x4]  }
0x25: {  	s7 =	sadd.s32 s0, s7  }
0x26: {  	[tilespmem:s3], [sflag:$0x2] =	stream.linear.gather [hbm4b:s7+s3], $0x50, $0x38;
	[tilespmem:$0x14080] =	vst v63  }
0x27: {  	_ =	swait.ge [sflag:s9], $0x50  }
0x28: {  	[sflag:s9] =	ssyncset.done $0x0  }
0x29: {  	[sflag:s9] =	ssyncadd.s32 $0xFFFFFFB0  }
0x2a: {  	v3 =	vld [tilespmem:$0x0];
	_ =	sdelay $0x4  }
0x2b: {  	v4 =	vshll.u32 v3, $0x3  }
0x2c: {  	v3 =	vand.u32 $0x7, v3;
	v4 =	vand.u32 $0xFFFFFFC0, v4  }
0x2d: {  	v3 =	vor.u32 v3, v4  }
0x2e: {  	v4 =	vperm.xlane v3, v0;
	_ =	sdelay $0x1  }
0x2f: {  	v4 =	vadd.s32 v1, v4;
	_ =	sdelay $0x4  }
0x30: {  	[tilespmem:s10], [sflag:$0x1] =	stream.indirect_vreg.gather [hbm4b:s2+s3], $0x80, v4, vm0, $0xb8;
	[tilespmem:$0x14080] =	vst v63  }
0x31: {  	s7 =	rddreg [dreg:$0x5];
	v3 =	vperm.xlane v3, v2  }
0x32: {  	[tilespmem:s7], [sflag:$0x1] =	stream.indirect_vreg.gather [hbm4b:s4+s3], $0x80, v4, vm0, $0xb8;
	[tilespmem:$0x14080] =	vst v63  }
0x33: {  	s1 =	rddreg [dreg:$0x6];
	v3 =	vadd.s32 v1, v3  }
0x34: {  	[tilespmem:s1], [sflag:$0x1] =	stream.indirect_vreg.gather [hbm4b:s5+s3], $0x80, v4, vm0, $0xb8;
	[tilespmem:$0x14080] =	vst v63  }
0x35: {  	s7 =	rddreg [dreg:$0x7]  }
0x36: {  	[tilespmem:s7], [sflag:$0x1] =	stream.indirect_vreg.gather [hbm4b:s6+s3], $0x80, v4, vm0, $0xb8;
	[tilespmem:$0x14080] =	vst v63  }
0x37: {  	s1 =	rddreg [dreg:$0x8]  }
0x38: {  	[tilespmem:s1], [sflag:$0x1] =	stream.indirect_vreg.gather [hbm4b:s2+s3], $0x80, v3, vm0, $0xb8;
	[tilespmem:$0x14080] =	vst v63  }
0x39: {  	s7 =	rddreg [dreg:$0x9]  }
0x3a: {  	[tilespmem:s7], [sflag:$0x1] =	stream.indirect_vreg.gather [hbm4b:s4+s3], $0x80, v3, vm0, $0xb8;
	[tilespmem:$0x14080] =	vst v63  }
0x3b: {  	s1 =	rddreg [dreg:$0xa]  }
0x3c: {  	[tilespmem:s1], [sflag:$0x1] =	stream.indirect_vreg.gather [hbm4b:s5+s3], $0x80, v3, vm0, $0xb8;
	[tilespmem:$0x14080] =	vst v63  }
0x3d: {  	s7 =	rddreg [dreg:$0xb]  }
0x3e: {  	[tilespmem:s7], [sflag:$0x1] =	stream.indirect_vreg.gather [hbm4b:s6+s3], $0x80, v3, vm0, $0xb8;
	[tilespmem:$0x14080] =	vst v63  }
0x3f: {  	v3 =	vld [tilespmem:$0x10];
	_ =	sdelay $0x4  }
0x40: {  	v60 =	vshll.u32 v3, $0x3  }
0x41: {  	v3 =	vand.u32 $0x7, v3;
	v4 =	vand.u32 $0xFFFFFFC0, v60  }
0x42: {  	v3 =	vor.u32 v3, v4  }
0x43: {  	v4 =	vperm.xlane v3, v0;
	_ =	sdelay $0x1  }
0x44: {  	v4 =	vadd.s32 v1, v4;
	_ =	sdelay $0x3  }
0x45: {  	s1 =	rddreg [dreg:$0xc]  }
0x46: {  	[tilespmem:s1], [sflag:$0x1] =	stream.indirect_vreg.gather [hbm4b:s2+s3], $0x80, v4, vm0, $0xb8;
	[tilespmem:$0x14080] =	vst v63  }
0x47: {  	s7 =	rddreg [dreg:$0xd];
	v3 =	vperm.xlane v3, v2  }
0x48: {  	[tilespmem:s7], [sflag:$0x1] =	stream.indirect_vreg.gather [hbm4b:s4+s3], $0x80, v4, vm0, $0xb8;
	[tilespmem:$0x14080] =	vst v63  }
0x49: {  	v3 =	vadd.s32 v1, v3;
	s1 =	rddreg [dreg:$0xe]  }
0x4a: {  	[tilespmem:s1], [sflag:$0x1] =	stream.indirect_vreg.gather [hbm4b:s5+s3], $0x80, v4, vm0, $0xb8;
	[tilespmem:$0x14080] =	vst v63  }
0x4b: {  	s7 =	rddreg [dreg:$0xf]  }
0x4c: {  	[tilespmem:s7], [sflag:$0x1] =	stream.indirect_vreg.gather [hbm4b:s6+s3], $0x80, v4, vm0, $0xb8;
	[tilespmem:$0x14080] =	vst v63  }
0x4d: {  	s1 =	rddreg [dreg:$0x10]  }
0x4e: {  	[tilespmem:s1], [sflag:$0x1] =	stream.indirect_vreg.gather [hbm4b:s2+s3], $0x80, v3, vm0, $0xb8;
	[tilespmem:$0x14080] =	vst v63  }
0x4f: {  	s7 =	rddreg [dreg:$0x11]  }
0x50: {  	[tilespmem:s7], [sflag:$0x1] =	stream.indirect_vreg.gather [hbm4b:s4+s3], $0x80, v3, vm0, $0xb8;
	[tilespmem:$0x14080] =	vst v63  }
0x51: {  	s1 =	rddreg [dreg:$0x12]  }
0x52: {  	[tilespmem:s1], [sflag:$0x1] =	stream.indirect_vreg.gather [hbm4b:s5+s3], $0x80, v3, vm0, $0xb8;
	[tilespmem:$0x14080] =	vst v63  }
0x53: {  	s7 =	rddreg [dreg:$0x13]  }
0x54: {  	[tilespmem:s7], [sflag:$0x1] =	stream.indirect_vreg.gather [hbm4b:s6+s3], $0x80, v3, vm0, $0xb8;
	[tilespmem:$0x14080] =	vst v63  }
0x55: {  	v3 =	vld [tilespmem:$0x20];
	_ =	sdelay $0x4  }
0x56: {  	v61 =	vshll.u32 v3, $0x3  }
0x57: {  	v3 =	vand.u32 $0x7, v3;
	v4 =	vand.u32 $0xFFFFFFC0, v61  }
0x58: {  	v3 =	vor.u32 v3, v4  }
0x59: {  	v4 =	vperm.xlane v3, v0;
	_ =	sdelay $0x1  }
0x5a: {  	v4 =	vadd.s32 v1, v4;
	_ =	sdelay $0x3  }
0x5b: {  	s1 =	rddreg [dreg:$0x14]  }
0x5c: {  	[tilespmem:s1], [sflag:$0x1] =	stream.indirect_vreg.gather [hbm4b:s2+s3], $0x80, v4, vm0, $0xb8;
	[tilespmem:$0x14080] =	vst v63  }
0x5d: {  	s7 =	rddreg [dreg:$0x15];
	v3 =	vperm.xlane v3, v2  }
0x5e: {  	[tilespmem:s7], [sflag:$0x1] =	stream.indirect_vreg.gather [hbm4b:s4+s3], $0x80, v4, vm0, $0xb8;
	[tilespmem:$0x14080] =	vst v63  }
0x5f: {  	v3 =	vadd.s32 v1, v3;
	s1 =	rddreg [dreg:$0x16]  }
0x60: {  	[tilespmem:s1], [sflag:$0x1] =	stream.indirect_vreg.gather [hbm4b:s5+s3], $0x80, v4, vm0, $0xb8;
	[tilespmem:$0x14080] =	vst v63  }
0x61: {  	s7 =	rddreg [dreg:$0x17]  }
0x62: {  	[tilespmem:s7], [sflag:$0x1] =	stream.indirect_vreg.gather [hbm4b:s6+s3], $0x80, v4, vm0, $0xb8;
	[tilespmem:$0x14080] =	vst v63  }
0x63: {  	s1 =	rddreg [dreg:$0x18]  }
0x64: {  	[tilespmem:s1], [sflag:$0x1] =	stream.indirect_vreg.gather [hbm4b:s2+s3], $0x80, v3, vm0, $0xb8;
	[tilespmem:$0x14080] =	vst v63  }
0x65: {  	s7 =	rddreg [dreg:$0x19]  }
0x66: {  	[tilespmem:s7], [sflag:$0x1] =	stream.indirect_vreg.gather [hbm4b:s4+s3], $0x80, v3, vm0, $0xb8;
	[tilespmem:$0x14080] =	vst v63  }
0x67: {  	_ = 	snop  }
0x68: {  	[tilespmem:s11], [sflag:$0x1] =	stream.indirect_vreg.gather [hbm4b:s5+s3], $0x80, v3, vm0, $0xb8;
	[tilespmem:$0x14080] =	vst v63  }
0x69: {  	_ = 	snop  }
0x6a: {  	[tilespmem:s12], [sflag:$0x1] =	stream.indirect_vreg.gather [hbm4b:s6+s3], $0x80, v3, vm0, $0xb8;
	[tilespmem:$0x14080] =	vst v63  }
0x6b: {  	v3 =	vld [tilespmem:$0x30];
	_ =	sdelay $0x4  }
0x6c: {  	v62 =	vshll.u32 v3, $0x3  }
0x6d: {  	v3 =	vand.u32 $0x7, v3;
	v4 =	vand.u32 $0xFFFFFFC0, v62  }
0x6e: {  	v3 =	vor.u32 v3, v4  }
0x6f: {  	v4 =	vperm.xlane v3, v0;
	_ =	sdelay $0x1  }
0x70: {  	v4 =	vadd.s32 v1, v4;
	_ =	sdelay $0x4  }
0x71: {  	[tilespmem:s13], [sflag:$0x1] =	stream.indirect_vreg.gather [hbm4b:s2+s3], $0x80, v4, vm0, $0xb8;
	[tilespmem:$0x14080] =	vst v63  }
0x72: {  	v3 =	vperm.xlane v3, v2  }
0x73: {  	[tilespmem:s14], [sflag:$0x1] =	stream.indirect_vreg.gather [hbm4b:s4+s3], $0x80, v4, vm0, $0xb8;
	[tilespmem:$0x14080] =	vst v63  }
0x74: {  	v3 =	vadd.s32 v1, v3  }
0x75: {  	[tilespmem:s15], [sflag:$0x1] =	stream.indirect_vreg.gather [hbm4b:s5+s3], $0x80, v4, vm0, $0xb8;
	[tilespmem:$0x14080] =	vst v63  }
0x76: {  	_ = 	snop  }
0x77: {  	[tilespmem:s16], [sflag:$0x1] =	stream.indirect_vreg.gather [hbm4b:s6+s3], $0x80, v4, vm0, $0xb8;
	[tilespmem:$0x14080] =	vst v63  }
0x78: {  	_ = 	snop  }
0x79: {  	[tilespmem:s17], [sflag:$0x1] =	stream.indirect_vreg.gather [hbm4b:s2+s3], $0x80, v3, vm0, $0xb8;
	[tilespmem:$0x14080] =	vst v63  }
0x7a: {  	_ = 	snop  }
0x7b: {  	[tilespmem:s18], [sflag:$0x1] =	stream.indirect_vreg.gather [hbm4b:s4+s3], $0x80, v3, vm0, $0xb8;
	[tilespmem:$0x14080] =	vst v63  }
0x7c: {  	_ = 	snop  }
0x7d: {  	[tilespmem:s19], [sflag:$0x1] =	stream.indirect_vreg.gather [hbm4b:s5+s3], $0x80, v3, vm0, $0xb8;
	[tilespmem:$0x14080] =	vst v63  }
0x7e: {  	_ = 	snop  }
0x7f: {  	[tilespmem:s20], [sflag:$0x1] =	stream.indirect_vreg.gather [hbm4b:s6+s3], $0x80, v3, vm0, $0xb8;
	[tilespmem:$0x14080] =	vst v63  }
0x80: {  	v3 =	vld [tilespmem:$0x40];
	_ =	sdelay $0x4  }
0x81: {  	v63 =	vshll.u32 v3, $0x3  }
0x82: {  	v3 =	vand.u32 $0x7, v3;
	v4 =	vand.u32 $0xFFFFFFC0, v63  }
0x83: {  	v3 =	vor.u32 v3, v4  }
0x84: {  	v4 =	vperm.xlane v3, v0;
	_ =	sdelay $0x1  }
0x85: {  	v4 =	vadd.s32 v1, v4;
	_ =	sdelay $0x4  }
0x86: {  	[tilespmem:s21], [sflag:$0x1] =	stream.indirect_vreg.gather [hbm4b:s2+s3], $0x80, v4, vm0, $0xb8;
	[tilespmem:$0x14080] =	vst v63  }
0x87: {  	v3 =	vperm.xlane v3, v2  }
0x88: {  	[tilespmem:s22], [sflag:$0x1] =	stream.indirect_vreg.gather [hbm4b:s4+s3], $0x80, v4, vm0, $0xb8;
	[tilespmem:$0x14080] =	vst v63  }
0x89: {  	v3 =	vadd.s32 v1, v3  }
0x8a: {  	[tilespmem:s23], [sflag:$0x1] =	stream.indirect_vreg.gather [hbm4b:s5+s3], $0x80, v4, vm0, $0xb8;
	[tilespmem:$0x14080] =	vst v63  }
0x8b: {  	_ = 	snop  }
0x8c: {  	[tilespmem:s24], [sflag:$0x1] =	stream.indirect_vreg.gather [hbm4b:s6+s3], $0x80, v4, vm0, $0xb8;
	[tilespmem:$0x14080] =	vst v63  }
0x8d: {  	_ = 	snop  }
0x8e: {  	[tilespmem:s25], [sflag:$0x1] =	stream.indirect_vreg.gather [hbm4b:s2+s3], $0x80, v3, vm0, $0xb8;
	[tilespmem:$0x14080] =	vst v63  }
0x8f: {  	_ = 	snop  }
0x90: {  	[tilespmem:s26], [sflag:$0x1] =	stream.indirect_vreg.gather [hbm4b:s4+s3], $0x80, v3, vm0, $0xb8;
	[tilespmem:$0x14080] =	vst v63  }
0x91: {  	_ = 	snop  }
0x92: {  	[tilespmem:s28], [sflag:$0x1] =	stream.indirect_vreg.gather [hbm4b:s5+s3], $0x80, v3, vm0, $0xb8;
	[tilespmem:$0x14080] =	vst v63  }
0x93: {  	_ = 	snop  }
0x94: {  	[tilespmem:s29], [sflag:$0x1] =	stream.indirect_vreg.gather [hbm4b:s6+s3], $0x80, v3, vm0, $0xb8;
	[tilespmem:$0x14080] =	vst v63  }
0x95: {  	_ =	swait.ge [sflag:s30], $0x14000  }
0x96: {  	p0 =	sne.s32 s0, $0x1E;
	[sflag:s30] =	ssyncset.done $0x0  }
.Ltmp0:
0x97: {  	[sflag:s30] =	ssyncadd.s32 $0xFFFEC000;
	(pc) =	sbr.rel @p0 .LBB2_2-.Ltmp0, $4  }
0x98: {  	[hbm4b:s8+s3] =	stream.linear.scatter [tilespmem:s10], [sflag:$0x2], $0x14000, $0x38;
	[tilespmem:$0x14080] =	vst v63  }
0x99: {  	_ =	swait.ge [sflag:s9], $0x14000  }
0x9a: {  	[sflag:s9] =	ssyncset.done $0x0  }
0x9b: {  	s0 =	sadd.s32 $0xA, s0;
	s8 =	sadd.s32 $0x2800, s8;
	[sflag:s9] =	ssyncadd.s32 $0xFFFEC000  }
0x9c: {  	s31 =	sadd.s32 $0x1, s31;
	s0 =	rddreg [dreg:$0x1a]  }
0x9d: {  	p0 =	sne.s32 s31, s0  }
.Ltmp1:
0x9e: {  	_ = 	snop;
	(pc) =	sbr.rel @p0 .LBB2_1-.Ltmp1, $1  }
0x9f: {  	_ =	sdelay $0x3  }
0xa0: {  	_ =	sfence.sel $0x180000  }
0xa1: {  	[bflag:$0x0] =	sbarrier.arrive $0xFFFF  }
0xa2: {  	_ =	strace $0x9000004A  }
0xa3: {  	s0 =	stileid.u32;
	[bflag:$0x2] =	sbarrier.arrive $0xFFFF  }
0xa4: {  	p0 =	sne.s32 s0, $0x0;
	s0 =	rddreg [dreg:$0x3]  }
0xa5: {  	s0 =	sadd.s32 @!p0 $0x100000, s0  }
0xa6: {  	[sflag:s0] =	ssyncadd.tile.s32 @!p0 $0x1;
	_ =	shalt  }
.Lfunc_end2:
_tile_overlayer_lowered:
.L_overlay_start_2:
0xa7: {  	(tag) =	ssettag $0x2  }
0xa8: {  	s0 =	rddreg [dreg:$0x0];
	s2 =	stileid.u32  }
0xa9: {  	s1 =	rddreg [dreg:$0x1];
	p0 =	sne.s32 s2, $0x0  }
0xaa: {  	s3 =	rddreg [dreg:$0x2];
	[bflag:$0x3] =	sbarrier.arrive $0xFFFF;
	s2 =	simm.s32 @!p0 $0x1C02  }
0xab: {  	[timem:s3], [sflag:s2] =	dma.local @!p0 [hbm:s0], s1  }
0xac: {  	s0 =	simm.s32 @!p0 $0x2  }
0xad: {  	_ =	swait.ge @!p0 [sflag:s0], s1  }
0xae: {  	s1 =	ssub.s32 @!p0 $0x0, s1;
	[sflag:s0] =	ssyncset.done @!p0 $0x0  }
0xaf: {  	[sflag:s0] =	ssyncadd.s32 @!p0 s1  }
0xb0: {  	[bflag:$0x3] =	sbarrier.arrive $0xFFFF  }
0xb1: {  	_ =	shalt  }

// kernel: kernel.13.cloned.1.call-start
scs
__scs_entry_jumppad:
0x0: {  	(pc) =	sbr.rel $0x88, $3  }
0x1: {  	(tag) =	ssettag $0x0;
	lr =	simm.s32 $0x1  }
0x2: {  	[smem:$0x3F9C] =	sst lr;
	_ =	strace $0xD0000000  }
0x3: {  	_ = 	snop  }
0x4: {  	_ = 	snop  }
0x5: {  	_ = 	snop  }
0x6: {  	_ = 	snop  }
0x7: {  	_ = 	snop  }
__scs_overlays_trampoline_lowered:
0x8: {  	[smem:$0x3FAB] =	sst s0  }
0x9: {  	[smem:$0x3FAC] =	sst s1  }
0xa: {  	[smem:$0x3FAD] =	sst s2  }
0xb: {  	[smem:$0x3FAE] =	sst s3  }
0xc: {  	[smem:$0x3FAF] =	sst s4  }
0xd: {  	[smem:$0x3FB0] =	sst s5  }
0xe: {  	[smem:$0x3FB1] =	sst s6  }
0xf: {  	[smem:$0x3FB2] =	sst s7  }
0x10: {  	[smem:$0x3FB3] =	sst s8  }
0x11: {  	[smem:$0x3FB4] =	sst s9;
	s0 =	simm.s32 @!p0 $0x0  }
0x12: {  	s1 =	sld [smem:$0x3F9A];
	s0 =	simm.s32 @p0 $0x1  }
0x13: {  	[smem:$0x3FB5] =	sst s0;
	s0 =	simm.s32 @!p1 $0x0  }
0x14: {  	s2 =	sld [smem:$0x3F99];
	s0 =	simm.s32 @p1 $0x1  }
0x15: {  	[smem:$0x3FB6] =	sst s0;
	s0 =	simm.s32 @!p2 $0x0  }
0x16: {  	s3 =	sld [smem:$0x3FDB];
	s0 =	simm.s32 @p2 $0x1  }
0x17: {  	s4 =	simm.s32 $0x1BF5;
	[smem:$0x3FB8] =	sst s0  }
0x18: {  	s0 =	sld [smem:$0x3F9B];
	_ =	swait.ge [sflag:s4], $0x0  }
0x19: {  	s7 =	sld [smem:$0x3F9C]  }
0x1a: {  	s8 =	sadd.s32 $0xFFFFE003, lr  }
0x1b: {  	s9 =	sadd.s32 $0xFFFFFEF7, lr;
	s5 =	simm.s32 $0xFFFFFFFF;
	p2 =	slt.u32 s8, $0xFFFFF086  }
0x1c: {  	p1 =	slt.u32 s9, $0xF7A;
	s5 =	simm.s32 @!p2 $0x0  }
0x1d: {  	s5 =	simm.s32 @p1 $0x1;
	p0 =	seq.s32 s7, s2  }
0x1e: {  	s7 =	smul.u32 @!p0 $0xF7A, s2;
	p2 =	seq.s32 @!p0 s5, $0x0  }
0x1f: {  	s9 =	smul.u32 $0xF7A, s1;
	s8 =	simm.s32 @!p0 $0x1BF5;
	p2 =	por !p2, p0  }
0x20: {  	[sflag:s8] =	ssyncset.s32 @!p0 $0xFFFFF086;
	s6 =	sadd.s32 @!p0 s3, s7;
	s7 =	simm.s32 @!p0 $0x108  }
0x21: {  	s3 =	sadd.s32 s3, s9;
	s6 =	sadd.s32 @!p0 $0x88, s6;
	s7 =	simm.s32 @p2 $0x1082  }
0x22: {  	[simem:s7], [sflag:s8] =	dma.local @!p0 [hbm:s6], $0xF7A  }
0x23: {  	s9 =	sor.u32 $0xD0000000, s2;
	s6 =	simm.s32 $0x108;
	_ =	swait.ge @!p0 [sflag:s8], $0x0  }
0x24: {  	s3 =	sadd.s32 $0x88, s3;
	s6 =	simm.s32 @!p1 $0x1082;
	[sflag:s4] =	ssyncset.s32 $0xFFFFF086  }
0x25: {  	[simem:s6], [sflag:s4] =	dma.local [hbm:s3], $0xF7A  }
0x26: {  	[smem:$0x3F9C] =	sst s1;
	(tag) =	ssettag s2;
	_ =	strace s9  }
0x27: {  	s1 =	sld [smem:$0x3FAC]  }
0x28: {  	s2 =	sld [smem:$0x3FAD]  }
0x29: {  	s4 =	sld [smem:$0x3FAF]  }
0x2a: {  	p0 =	seq.s32 s5, $0x0;
	s5 =	sld [smem:$0x3FB0]  }
0x2b: {  	s6 =	sld [smem:$0x3FB1]  }
0x2c: {  	s7 =	sld [smem:$0x3FB2]  }
0x2d: {  	s3 =	simm.s32 $0x108;
	s8 =	sld [smem:$0x3FB3]  }
0x2e: {  	s3 =	simm.s32 @!p0 $0x1082;
	s9 =	sld [smem:$0x3FB4]  }
0x2f: {  	lr =	sadd.s32 s0, s3;
	s0 =	sld [smem:$0x3FAB]  }
0x30: {  	s3 =	sld [smem:$0x3FAE]  }
0x31: {  	[smem:$0x3FB7] =	sst s10  }
0x32: {  	s10 =	sld [smem:$0x3FB5];
	_ =	sdelay $0x3  }
0x33: {  	p0 =	seq.s32 s10, $0x1;
	s10 =	sld [smem:$0x3FB7];
	_ =	sdelay $0x3  }
0x34: {  	[smem:$0x3FB7] =	sst s10  }
0x35: {  	s10 =	sld [smem:$0x3FB6];
	_ =	sdelay $0x3  }
0x36: {  	p1 =	seq.s32 s10, $0x1;
	s10 =	sld [smem:$0x3FB7];
	_ =	sdelay $0x3  }
0x37: {  	[smem:$0x3FB7] =	sst s10  }
0x38: {  	s10 =	sld [smem:$0x3FB8]  }
0x39: {  	_ = 	snop;
	(pc) =	sbr.ind lr, $3  }
0x3a: {  	_ = 	snop  }
0x3b: {  	_ = 	snop  }
0x3c: {  	p2 =	seq.s32 s10, $0x1;
	s10 =	sld [smem:$0x3FB7]  }
0x3d: {  	_ =	shalt  }
0x3e: {  	_ =	shalt  }
0x3f: {  	_ =	shalt  }
0x40: {  	_ =	shalt  }
0x41: {  	_ =	shalt  }
0x42: {  	_ =	shalt  }
0x43: {  	_ =	shalt  }
0x44: {  	_ =	shalt  }
0x45: {  	_ =	shalt  }
0x46: {  	_ =	shalt  }
0x47: {  	_ =	shalt  }
0x48: {  	_ =	shalt  }
0x49: {  	_ =	shalt  }
0x4a: {  	_ =	shalt  }
0x4b: {  	_ =	shalt  }
0x4c: {  	_ =	shalt  }
0x4d: {  	_ =	shalt  }
0x4e: {  	_ =	shalt  }
0x4f: {  	_ =	shalt  }
0x50: {  	_ =	shalt  }
0x51: {  	_ =	shalt  }
0x52: {  	_ =	shalt  }
0x53: {  	_ =	shalt  }
0x54: {  	_ =	shalt  }
0x55: {  	_ =	shalt  }
0x56: {  	_ =	shalt  }
0x57: {  	_ =	shalt  }
0x58: {  	_ =	shalt  }
0x59: {  	_ =	shalt  }
0x5a: {  	_ =	shalt  }
0x5b: {  	_ =	shalt  }
0x5c: {  	_ =	shalt  }
0x5d: {  	_ =	shalt  }
0x5e: {  	_ =	shalt  }
0x5f: {  	_ =	shalt  }
0x60: {  	_ =	shalt  }
0x61: {  	_ =	shalt  }
0x62: {  	_ =	shalt  }
0x63: {  	_ =	shalt  }
0x64: {  	_ =	shalt  }
0x65: {  	_ =	shalt  }
0x66: {  	_ =	shalt  }
0x67: {  	_ =	shalt  }
0x68: {  	_ =	shalt  }
0x69: {  	_ =	shalt  }
0x6a: {  	_ =	shalt  }
0x6b: {  	_ =	shalt  }
0x6c: {  	_ =	shalt  }
0x6d: {  	_ =	shalt  }
0x6e: {  	_ =	shalt  }
0x6f: {  	_ =	shalt  }
0x70: {  	_ =	shalt  }
0x71: {  	_ =	shalt  }
0x72: {  	_ =	shalt  }
0x73: {  	_ =	shalt  }
0x74: {  	_ =	shalt  }
0x75: {  	_ =	shalt  }
0x76: {  	_ =	shalt  }
0x77: {  	_ =	shalt  }
0x78: {  	_ =	shalt  }
0x79: {  	_ =	shalt  }
0x7a: {  	_ =	shalt  }
0x7b: {  	_ =	shalt  }
0x7c: {  	_ =	shalt  }
0x7d: {  	_ =	shalt  }
0x7e: {  	_ =	shalt  }
0x7f: {  	_ =	shalt  }
0x80: {  	_ =	shalt  }
0x81: {  	_ =	shalt  }
0x82: {  	_ =	shalt  }
0x83: {  	_ =	shalt  }
0x84: {  	_ =	shalt  }
0x85: {  	_ =	shalt  }
0x86: {  	_ =	shalt  }
0x87: {  	_ =	shalt  }
.Lfunc_end0:
.L_simem_size_0:
called_computation.2_lowered:
.L_overlay_start_0:
0x88: {  	s2 =	sld [smem:$0x3FD9]  }
0x89: {  	s3 =	sld [smem:$0x3FFE];
	_ =	sdelay $0x1  }
0x8a: {  	s1 =	srdreg.scid  }
0x8b: {  	s0 =	sand.u32 $0x1, s1  }
0x8c: {  	s14 =	sshll.u32 s0, $0xA;
	s2 =	sadd.s32 s3, s2  }
0x8d: {  	s2 =	sadd.s32 s2, s14  }
0x8e: {  	[smem:$0x3FC3] =	sst s2  }
0x8f: {  	_ = 	snop  }
0x90: {  	s2 =	sld [smem:$0x3FD0];
	_ =	sdelay $0x2  }
0x91: {  	s15 =	simm.s32 $0xA;
	s4 =	simm.s32 $0x10  }
0x92: {  	[smem:s4], [sflag:s15] =	dma.local [hbm:s2], $0x1  }
0x93: {  	_ =	swait.eq [sflag:s15], $0x1  }
0x94: {  	[sflag:s15] =	ssyncset.done $0x0  }
0x95: {  	[sflag:s15] =	ssyncadd.s32 $0xFFFFFFFF  }
0x96: {  	s16 =	sld [smem:$0x10];
	(tm) =	ssettm $0x1  }
0x97: {  	s17 =	sld [smem:$0x3FFB];
	_ =	sdelay $0x3  }
0x98: {  	_ =	strace s17  }
0x99: {  	s3 =	sld [smem:$0x3FFC];
	_ =	sdelay $0x3  }
0x9a: {  	_ =	strace s3  }
0x9b: {  	s3 =	sld [smem:$0x3FFD];
	_ =	sdelay $0x3  }
0x9c: {  	_ =	strace s3  }
0x9d: {  	_ =	strace $0x8FFFFFFF  }
0x9e: {  	s18 =	sld [smem:$0x3FDB];
	_ =	sdelay $0x1  }
0x9f: {  	s19 =	simm.s32 $_scs_section_size  }
0xa0: {  	s5 =	simm.s32 $_size__tile_overlayer_lowered;
	s6 =	simm.s32 $_tile_overlayer_lowered  }
0xa1: {  	s22 =	simm.s32 $0x1BFF;
	s21 =	sshll.u32 s6, $0x1;
	s3 =	sadd.s32 s19, s18  }
0xa2: {  	s7 =	simm.s32 $0x0;
	s20 =	sshll.u32 s5, $0x1;
	s5 =	sadd.s32 s21, s3  }
0xa3: {  	[timem:s7], [sflag:s22] =	dma.local [hbm:s5], s20  }
0xa4: {  	_ =	swait.ge [sflag:s22], s20  }
0xa5: {  	s4 =	ssub.s32 $0x0, s20;
	[sflag:s22] =	ssyncset.done $0x0  }
0xa6: {  	[sflag:s22] =	ssyncadd.s32 s4;
	_ =	sdelay $0x1  }
0xa7: {  	s23 =	simm.s32 $0x1B8B  }
0xa8: {  	_ =	swait.ge [sflag:s23], $0x1  }
0xa9: {  	[sflag:s23] =	ssyncset.done $0x0  }
0xaa: {  	s25 =	simm.s32 $0x1B8E;
	s24 =	sld [smem:$0x3FFE];
	[sflag:s23] =	ssyncadd.s32 $0xFFFFFFFF  }
0xab: {  	s26 =	simm.s32 $execute0_lowered;
	[smem:$0x3FD2] =	sst s25  }
0xac: {  	s5 =	sshll.u32 s26, $0x1;
	_ =	strace $0x8000004C;
	[dreg:$0x1] =	wrdreg $0xFFFFFFFF  }
0xad: {  	s28 =	simm.s32 $_size_execute0_lowered;
	s3 =	sadd.s32 s3, s5;
	[dreg:$0x0] =	wrdreg $0x0  }
0xae: {  	s5 =	sshll.u32 s28, $0x1;
	[dreg:$0x2] =	wrdreg s3  }
0xaf: {  	[dreg:$0x3] =	wrdreg s5  }
0xb0: {  	[dreg:$0x4] =	wrdreg $0xC0  }
0xb1: {  	_ =	task [dreg:s7], $0x5FFFF  }
0xb2: {  	[dreg:$0x1] =	wrdreg $0xFFFFFFFF  }
0xb3: {  	[dreg:$0x0] =	wrdreg $0x60  }
0xb4: {  	[dreg:$0x2] =	wrdreg s24  }
0xb5: {  	[dreg:$0x3] =	wrdreg s16  }
0xb6: {  	[dreg:$0x4] =	wrdreg $0x9  }
0xb7: {  	_ =	task.clear_ibuf [dreg:s7], $0x5FFFF;
	_ =	strace $0x9000004C  }
0xb8: {  	s29 =	simm.s32 $0x9;
	_ =	strace $0x8000004E  }
0xb9: {  	_ =	swait.ge [sflag:s29], $0x1  }
0xba: {  	[sflag:s29] =	ssyncadd.s32 $0xFFFFFFFF  }
0xbb: {  	_ =	strace $0x9000004E  }
0xbc: {  	_ =	sfence  }
0xbd: {  	s30 =	sld [smem:$0x0];
	_ =	sdelay $0x2  }
0xbe: {  	s31 =	sshll.u32 s1, $0xD;
	s1 =	sshrl.u32 s1, $0x2  }
0xbf: {  	s3 =	sand.u32 $0x4000, s31;
	s1 =	sadd.s32 s1, s30  }
0xc0: {  	s0 =	sor.u32 s3, s0;
	s1 =	sshll.u32 s1, $0x11  }
0xc1: {  	s0 =	sor.u32 s1, s0  }
0xc2: {  	s0 =	sadd.s32 $0x8F2B, s0  }
0xc3: {  	[sflag:s0] =	ssyncadd.remote.s32 $0x1  }
0xc4: {  	_ =	sfence.sel $0xFFFF  }
0xc5: {  	[dreg:$0x0] =	wrdreg $0xFFFFFFFF;
	(pc) =	sbr.abs _section_cstart, $3  }
0xc6: {  	[dreg:$0x1] =	wrdreg $0xFFFFFFFF  }
0xc7: {  	_ =	task.clear_ibuf [dreg:s7], $0x2FFFF;
	_ =	strace $0x9FFFFFFF  }
0xc8: {  	(tm) =	ssettm $0x7FFFFFFF  }
0xc9: {  	_ =	shalt  }
tec
execute0_lowered:
.L_overlay_start_1:
0x0: {  	(tag) =	ssettag $0x1  }
0x1: {  	s0 =	rddreg [dreg:$0x0];
	s2 =	simm.s32 $0x0;
	s1 =	srdreg.scid  }
0x2: {  	s25 =	stileid.u32;
	s12 =	simm.s32 $0x2;
	s14 =	simm.s32 $0x100  }
0x3: {  	s31 =	simm.s32 $0x1;
	s6 =	simm.s32 $0x9900;
	s7 =	simm.s32 $0xA100  }
0x4: {  	s11 =	simm.s32 $0xA900;
	s15 =	simm.s32 $0xB900;
	s16 =	simm.s32 $0xC100  }
0x5: {  	s17 =	simm.s32 $0xC900;
	s18 =	simm.s32 $0xD100;
	s19 =	simm.s32 $0xD900  }
0x6: {  	s20 =	simm.s32 $0xE100;
	s21 =	simm.s32 $0xF100;
	s22 =	simm.s32 $0xF900  }
0x7: {  	s13 =	simm.s32 $0x0;
	[smem:$0x7FF] =	sst s2;
	s1 =	sand.u32 $0x1, s1  }
0x8: {  	s2 =	sshll.u32 s25, $0x8;
	s5 =	sadd.s32 $0x154600, s0;
	s3 =	sshll.u32 s1, $0x7  }
0x9: {  	s8 =	sadd.s32 $0x154700, s0;
	s9 =	sadd.s32 $0x154800, s0;
	s4 =	sor.u32 s3, s2  }
0xa: {  	s10 =	sadd.s32 $0x154900, s0;
	s1 =	ssub.s32 $0x2, s1;
	s3 =	sadd.s32 s4, s0  }
0xb: {  	_ =	strace $0x8000004D;
	s26 =	sshrl.u32 s1, $0x1;
	s28 =	sadd.s32 $0x2000, s3  }
0xc: {  	v2 =	vlaneseq.u32;
	s1 =	ssub.s32 s1, s26;
	s29 =	sadd.s32 $0x3000, s3;
	[dreg:$0x3] =	wrdreg s28  }
0xd: {  	vm0 =	vmmov $0xffff;
	v1 =	vshrl.u32 v2, $0x3;
	s2 =	simm.s32 $0x0;
	s30 =	smax.u32 s1, $0x1;
	[dreg:$0x4] =	wrdreg s29  }
0xe: {  	v0 =	vand.u32 $0x7, v2;
	v2 =	vor.u32 $0x8, v2;
	v1 =	vmul.u32 $0x8, v1;
	s1 =	simm.s32 $0xB100;
	s3 =	simm.s32 $0xE900;
	[dreg:$0x5] =	wrdreg s30  }
.LBB2_1:
0xf: {  	[dreg:$0x6] =	wrdreg s2  }
0x10: {  	s0 =	simm.s32 $0x0;
	s29 =	rddreg [dreg:$0x3]  }
0x11: {  	[tilespmem:s0], [sflag:$0x2] =	stream.linear.gather [hbm4b:s29+s0], $0x80, $0x38;
	[tilespmem:$0x10100] =	vst v63  }
0x12: {  	_ =	swait.ge [sflag:s12], $0x80  }
0x13: {  	[sflag:s12] =	ssyncset.done $0x0  }
0x14: {  	s23 =	simm.s32 $0x80;
	s30 =	rddreg [dreg:$0x4];
	[sflag:s12] =	ssyncadd.s32 $0xFFFFFF80  }
0x15: {  	[tilespmem:s23], [sflag:$0x2] =	stream.linear.gather [hbm4b:s30+s0], $0x80, $0x38;
	[tilespmem:$0x10100] =	vst v63  }
0x16: {  	_ =	swait.ge [sflag:s12], $0x80  }
0x17: {  	[sflag:s12] =	ssyncset.done $0x0  }
0x18: {  	s23 =	simm.s32 $0x0;
	[sflag:s12] =	ssyncadd.s32 $0xFFFFFF80  }
.LBB2_2:
0x19: {  	s24 =	sshll.u32 s23, $0x5  }
0x1a: {  	v3 =	vld [tilespmem:s24+$0x0];
	_ =	sdelay $0x4  }
0x1b: {  	v4 =	vshll.u32 v3, $0x3  }
0x1c: {  	v3 =	vand.u32 $0x7, v3;
	v4 =	vand.u32 $0xFFFFFFC0, v4  }
0x1d: {  	v3 =	vor.u32 v3, v4  }
0x1e: {  	v4 =	vperm.xlane v3, v0;
	_ =	sdelay $0x1  }
0x1f: {  	v4 =	vadd.s32 v1, v4;
	_ =	sdelay $0x3  }
0x20: {  	s25 =	simm.s32 $0x0  }
0x21: {  	[tilespmem:s14], [sflag:$0x1] =	stream.indirect_vreg.gather [hbm4b:s5+s25], $0x80, v4, vm0, $0xb8;
	[tilespmem:$0x10100] =	vst v63  }
0x22: {  	s0 =	simm.s32 $0x900;
	v3 =	vperm.xlane v3, v2  }
0x23: {  	[tilespmem:s0], [sflag:$0x1] =	stream.indirect_vreg.gather [hbm4b:s8+s25], $0x80, v4, vm0, $0xb8;
	[tilespmem:$0x10100] =	vst v63  }
0x24: {  	s26 =	simm.s32 $0x1100;
	v3 =	vadd.s32 v1, v3  }
0x25: {  	[tilespmem:s26], [sflag:$0x1] =	stream.indirect_vreg.gather [hbm4b:s9+s25], $0x80, v4, vm0, $0xb8;
	[tilespmem:$0x10100] =	vst v63  }
0x26: {  	s30 =	simm.s32 $0x1900  }
0x27: {  	[tilespmem:s30], [sflag:$0x1] =	stream.indirect_vreg.gather [hbm4b:s10+s25], $0x80, v4, vm0, $0xb8;
	[tilespmem:$0x10100] =	vst v63  }
0x28: {  	s2 =	simm.s32 $0x2100  }
0x29: {  	[tilespmem:s2], [sflag:$0x1] =	stream.indirect_vreg.gather [hbm4b:s5+s25], $0x80, v3, vm0, $0xb8;
	[tilespmem:$0x10100] =	vst v63  }
0x2a: {  	s26 =	simm.s32 $0x2900  }
0x2b: {  	[tilespmem:s26], [sflag:$0x1] =	stream.indirect_vreg.gather [hbm4b:s8+s25], $0x80, v3, vm0, $0xb8;
	[tilespmem:$0x10100] =	vst v63  }
0x2c: {  	s30 =	simm.s32 $0x3100  }
0x2d: {  	[tilespmem:s30], [sflag:$0x1] =	stream.indirect_vreg.gather [hbm4b:s9+s25], $0x80, v3, vm0, $0xb8;
	[tilespmem:$0x10100] =	vst v63  }
0x2e: {  	s2 =	simm.s32 $0x3900  }
0x2f: {  	[tilespmem:s2], [sflag:$0x1] =	stream.indirect_vreg.gather [hbm4b:s10+s25], $0x80, v3, vm0, $0xb8;
	[tilespmem:$0x10100] =	vst v63  }
0x30: {  	v3 =	vld [tilespmem:s24+$0x10];
	_ =	sdelay $0x4  }
0x31: {  	v61 =	vshll.u32 v3, $0x3  }
0x32: {  	v3 =	vand.u32 $0x7, v3;
	v4 =	vand.u32 $0xFFFFFFC0, v61  }
0x33: {  	v3 =	vor.u32 v3, v4  }
0x34: {  	v4 =	vperm.xlane v3, v0;
	_ =	sdelay $0x1  }
0x35: {  	v4 =	vadd.s32 v1, v4;
	_ =	sdelay $0x3  }
0x36: {  	s26 =	simm.s32 $0x4100  }
0x37: {  	[tilespmem:s26], [sflag:$0x1] =	stream.indirect_vreg.gather [hbm4b:s5+s25], $0x80, v4, vm0, $0xb8;
	[tilespmem:$0x10100] =	vst v63  }
0x38: {  	s30 =	simm.s32 $0x4900;
	v3 =	vperm.xlane v3, v2  }
0x39: {  	[tilespmem:s30], [sflag:$0x1] =	stream.indirect_vreg.gather [hbm4b:s8+s25], $0x80, v4, vm0, $0xb8;
	[tilespmem:$0x10100] =	vst v63  }
0x3a: {  	s2 =	simm.s32 $0x5100;
	v3 =	vadd.s32 v1, v3  }
0x3b: {  	[tilespmem:s2], [sflag:$0x1] =	stream.indirect_vreg.gather [hbm4b:s9+s25], $0x80, v4, vm0, $0xb8;
	[tilespmem:$0x10100] =	vst v63  }
0x3c: {  	s26 =	simm.s32 $0x5900  }
0x3d: {  	[tilespmem:s26], [sflag:$0x1] =	stream.indirect_vreg.gather [hbm4b:s10+s25], $0x80, v4, vm0, $0xb8;
	[tilespmem:$0x10100] =	vst v63  }
0x3e: {  	s30 =	simm.s32 $0x6100  }
0x3f: {  	[tilespmem:s30], [sflag:$0x1] =	stream.indirect_vreg.gather [hbm4b:s5+s25], $0x80, v3, vm0, $0xb8;
	[tilespmem:$0x10100] =	vst v63  }
0x40: {  	s2 =	simm.s32 $0x6900  }
0x41: {  	[tilespmem:s2], [sflag:$0x1] =	stream.indirect_vreg.gather [hbm4b:s8+s25], $0x80, v3, vm0, $0xb8;
	[tilespmem:$0x10100] =	vst v63  }
0x42: {  	s26 =	simm.s32 $0x7100  }
0x43: {  	[tilespmem:s26], [sflag:$0x1] =	stream.indirect_vreg.gather [hbm4b:s9+s25], $0x80, v3, vm0, $0xb8;
	[tilespmem:$0x10100] =	vst v63  }
0x44: {  	s30 =	simm.s32 $0x7900  }
0x45: {  	[tilespmem:s30], [sflag:$0x1] =	stream.indirect_vreg.gather [hbm4b:s10+s25], $0x80, v3, vm0, $0xb8;
	[tilespmem:$0x10100] =	vst v63  }
0x46: {  	_ =	swait.ge [sflag:s31], $0x8000  }
0x47: {  	[sflag:s31] =	ssyncset.done $0x0  }
0x48: {  	[sflag:s31] =	ssyncadd.s32 $0xFFFF8000  }
0x49: {  	v3 =	vld [tilespmem:s24+$0x80];
	_ =	sdelay $0x4  }
0x4a: {  	v62 =	vshll.u32 v3, $0x3  }
0x4b: {  	v3 =	vand.u32 $0x7, v3;
	v4 =	vand.u32 $0xFFFFFFC0, v62  }
0x4c: {  	v3 =	vor.u32 v3, v4  }
0x4d: {  	v4 =	vperm.xlane v3, v0;
	_ =	sdelay $0x1  }
0x4e: {  	v4 =	vadd.s32 v1, v4;
	_ =	sdelay $0x3  }
0x4f: {  	s2 =	simm.s32 $0x8100  }
0x50: {  	[tilespmem:s2], [sflag:$0x1] =	stream.indirect_vreg.gather [hbm4b:s5+s25], $0x80, v4, vm0, $0xb8;
	[tilespmem:$0x10100] =	vst v63  }
0x51: {  	s26 =	simm.s32 $0x8900;
	v3 =	vperm.xlane v3, v2  }
0x52: {  	[tilespmem:s26], [sflag:$0x1] =	stream.indirect_vreg.gather [hbm4b:s8+s25], $0x80, v4, vm0, $0xb8;
	[tilespmem:$0x10100] =	vst v63  }
0x53: {  	s30 =	simm.s32 $0x9100;
	v3 =	vadd.s32 v1, v3  }
0x54: {  	[tilespmem:s30], [sflag:$0x1] =	stream.indirect_vreg.gather [hbm4b:s9+s25], $0x80, v4, vm0, $0xb8;
	[tilespmem:$0x10100] =	vst v63  }
0x55: {  	_ = 	snop  }
0x56: {  	[tilespmem:s6], [sflag:$0x1] =	stream.indirect_vreg.gather [hbm4b:s10+s25], $0x80, v4, vm0, $0xb8;
	[tilespmem:$0x10100] =	vst v63  }
0x57: {  	_ = 	snop  }
0x58: {  	[tilespmem:s7], [sflag:$0x1] =	stream.indirect_vreg.gather [hbm4b:s5+s25], $0x80, v3, vm0, $0xb8;
	[tilespmem:$0x10100] =	vst v63  }
0x59: {  	_ = 	snop  }
0x5a: {  	[tilespmem:s11], [sflag:$0x1] =	stream.indirect_vreg.gather [hbm4b:s8+s25], $0x80, v3, vm0, $0xb8;
	[tilespmem:$0x10100] =	vst v63  }
0x5b: {  	_ = 	snop  }
0x5c: {  	[tilespmem:s1], [sflag:$0x1] =	stream.indirect_vreg.gather [hbm4b:s9+s25], $0x80, v3, vm0, $0xb8;
	[tilespmem:$0x10100] =	vst v63  }
0x5d: {  	_ = 	snop  }
0x5e: {  	[tilespmem:s15], [sflag:$0x1] =	stream.indirect_vreg.gather [hbm4b:s10+s25], $0x80, v3, vm0, $0xb8;
	[tilespmem:$0x10100] =	vst v63  }
0x5f: {  	v3 =	vld [tilespmem:s24+$0x90];
	_ =	sdelay $0x4  }
0x60: {  	v63 =	vshll.u32 v3, $0x3  }
0x61: {  	v3 =	vand.u32 $0x7, v3;
	v4 =	vand.u32 $0xFFFFFFC0, v63  }
0x62: {  	v3 =	vor.u32 v3, v4  }
0x63: {  	v4 =	vperm.xlane v3, v0;
	_ =	sdelay $0x1  }
0x64: {  	v4 =	vadd.s32 v1, v4;
	_ =	sdelay $0x4  }
0x65: {  	[tilespmem:s16], [sflag:$0x1] =	stream.indirect_vreg.gather [hbm4b:s5+s25], $0x80, v4, vm0, $0xb8;
	[tilespmem:$0x10100] =	vst v63  }
0x66: {  	v3 =	vperm.xlane v3, v2  }
0x67: {  	[tilespmem:s17], [sflag:$0x1] =	stream.indirect_vreg.gather [hbm4b:s8+s25], $0x80, v4, vm0, $0xb8;
	[tilespmem:$0x10100] =	vst v63  }
0x68: {  	v3 =	vadd.s32 v1, v3  }
0x69: {  	[tilespmem:s18], [sflag:$0x1] =	stream.indirect_vreg.gather [hbm4b:s9+s25], $0x80, v4, vm0, $0xb8;
	[tilespmem:$0x10100] =	vst v63  }
0x6a: {  	_ = 	snop  }
0x6b: {  	[tilespmem:s19], [sflag:$0x1] =	stream.indirect_vreg.gather [hbm4b:s10+s25], $0x80, v4, vm0, $0xb8;
	[tilespmem:$0x10100] =	vst v63  }
0x6c: {  	_ = 	snop  }
0x6d: {  	[tilespmem:s20], [sflag:$0x1] =	stream.indirect_vreg.gather [hbm4b:s5+s25], $0x80, v3, vm0, $0xb8;
	[tilespmem:$0x10100] =	vst v63  }
0x6e: {  	_ = 	snop  }
0x6f: {  	[tilespmem:s3], [sflag:$0x1] =	stream.indirect_vreg.gather [hbm4b:s8+s25], $0x80, v3, vm0, $0xb8;
	[tilespmem:$0x10100] =	vst v63  }
0x70: {  	_ = 	snop  }
0x71: {  	[tilespmem:s21], [sflag:$0x1] =	stream.indirect_vreg.gather [hbm4b:s9+s25], $0x80, v3, vm0, $0xb8;
	[tilespmem:$0x10100] =	vst v63  }
0x72: {  	_ = 	snop  }
0x73: {  	[tilespmem:s22], [sflag:$0x1] =	stream.indirect_vreg.gather [hbm4b:s10+s25], $0x80, v3, vm0, $0xb8;
	[tilespmem:$0x10100] =	vst v63  }
0x74: {  	_ =	swait.ge [sflag:s31], $0x8000  }
0x75: {  	s28 =	simm.s32 $0x0;
	[sflag:s31] =	ssyncset.done $0x0  }
0x76: {  	s29 =	simm.s32 $0x0;
	s26 =	simm.s32 $0xFFFF8000;
	[sflag:s31] =	ssyncadd.s32 $0xFFFF8000  }
.LBB2_3:
0x77: {  	s30 =	sadd.s32 $0x8000, s26  }
0x78: {  	s0 =	sand.u32 $0x380, s29;
	s30 =	sand.u32 $0x6000, s30  }
0x79: {  	s30 =	sor.u32 s0, s30  }
0x7a: {  	v3 =	vld [tilespmem:s30+$0x100]  }
0x7b: {  	v4 =	vld [tilespmem:s30+$0x8100]  }
0x7c: {  	v5 =	vld [tilespmem:s30+$0x110]  }
0x7d: {  	v6 =	vld [tilespmem:s30+$0x8110]  }
0x7e: {  	v7 =	vld [tilespmem:s30+$0x120]  }
0x7f: {  	v8 =	vld [tilespmem:s30+$0x8120]  }
0x80: {  	v9 =	vld [tilespmem:s30+$0x130]  }
0x81: {  	v10 =	vld [tilespmem:s30+$0x8130]  }
0x82: {  	v11 =	vld [tilespmem:s30+$0x140]  }
0x83: {  	v12 =	vld [tilespmem:s30+$0x8140]  }
0x84: {  	v13 =	vld [tilespmem:s30+$0x150]  }
0x85: {  	v14 =	vld [tilespmem:s30+$0x8150]  }
0x86: {  	v15 =	vld [tilespmem:s30+$0x160]  }
0x87: {  	v16 =	vld [tilespmem:s30+$0x8160]  }
0x88: {  	v17 =	vld [tilespmem:s30+$0x170]  }
0x89: {  	v18 =	vld [tilespmem:s30+$0x8170]  }
0x8a: {  	v19 =	vld [tilespmem:s30+$0x500]  }
0x8b: {  	v20 =	vld [tilespmem:s30+$0x8500]  }
0x8c: {  	v21 =	vld [tilespmem:s30+$0x510]  }
0x8d: {  	v22 =	vld [tilespmem:s30+$0x8510]  }
0x8e: {  	v23 =	vld [tilespmem:s30+$0x520]  }
0x8f: {  	v24 =	vld [tilespmem:s30+$0x8520]  }
0x90: {  	v25 =	vld [tilespmem:s30+$0x530]  }
0x91: {  	v26 =	vld [tilespmem:s30+$0x8530]  }
0x92: {  	v27 =	vld [tilespmem:s30+$0x540]  }
0x93: {  	v28 =	vld [tilespmem:s30+$0x8540]  }
0x94: {  	v29 =	vld [tilespmem:s30+$0x550]  }
0x95: {  	v30 =	vld [tilespmem:s30+$0x8550]  }
0x96: {  	v31 =	vld [tilespmem:s30+$0x560]  }
0x97: {  	v32 =	vld [tilespmem:s30+$0x8560]  }
0x98: {  	v33 =	vld [tilespmem:s30+$0x570]  }
0x99: {  	v34 =	vld [tilespmem:s30+$0x8570]  }
0x9a: {  	v35 =	vld [tilespmem:s30+$0x900]  }
0x9b: {  	v36 =	vld [tilespmem:s30+$0x8900]  }
0x9c: {  	v37 =	vld [tilespmem:s30+$0x910]  }
0x9d: {  	v38 =	vld [tilespmem:s30+$0x8910]  }
0x9e: {  	v39 =	vld [tilespmem:s30+$0x920]  }
0x9f: {  	v40 =	vld [tilespmem:s30+$0x8920]  }
0xa0: {  	v41 =	vld [tilespmem:s30+$0x930]  }
0xa1: {  	v42 =	vld [tilespmem:s30+$0x8930]  }
0xa2: {  	v43 =	vld [tilespmem:s30+$0x940]  }
0xa3: {  	v44 =	vld [tilespmem:s30+$0x8940]  }
0xa4: {  	v45 =	vld [tilespmem:s30+$0x950]  }
0xa5: {  	v46 =	vld [tilespmem:s30+$0x8950]  }
0xa6: {  	v47 =	vld [tilespmem:s30+$0x960]  }
0xa7: {  	v48 =	vld [tilespmem:s30+$0x8960]  }
0xa8: {  	v49 =	vld [tilespmem:s30+$0x970]  }
0xa9: {  	v50 =	vld [tilespmem:s30+$0x8970]  }
0xaa: {  	v51 =	vld [tilespmem:s30+$0xD00]  }
0xab: {  	v52 =	vld [tilespmem:s30+$0x8D00]  }
0xac: {  	v53 =	vld [tilespmem:s30+$0xD10]  }
0xad: {  	v54 =	vld [tilespmem:s30+$0x8D10]  }
0xae: {  	v55 =	vld [tilespmem:s30+$0xD20]  }
0xaf: {  	v56 =	vld [tilespmem:s30+$0x8D20]  }
0xb0: {  	v57 =	vld [tilespmem:s30+$0xD30]  }
0xb1: {  	v58 =	vld [tilespmem:s30+$0x8D30]  }
0xb2: {  	v59 =	vld [tilespmem:s30+$0xD40]  }
0xb3: {  	v60 =	vld [tilespmem:s30+$0x8D40]  }
0xb4: {  	v61 =	vld [tilespmem:s30+$0xD50]  }
0xb5: {  	v62 =	vld [tilespmem:s30+$0x8D50]  }
0xb6: {  	v63 =	vld [tilespmem:s30+$0xD60]  }
0xb7: {  	v3 =	vadd.f32 v4, v3;
	v4 =	vld [tilespmem:s30+$0x8D60]  }
0xb8: {  	v5 =	vadd.f32 v6, v5;
	v6 =	vld [tilespmem:s30+$0xD70]  }
0xb9: {  	v14 =	vadd.f32 v14, v13;
	v13 =	vld [tilespmem:s30+$0x9120];
	[tilespmem:s30+$0x100] =	vst v3;
	v3 =	vadd.f32 v8, v7  }
0xba: {  	v18 =	vadd.f32 v18, v17;
	v17 =	vld [tilespmem:s30+$0x9140];
	[tilespmem:s30+$0x110] =	vst v5  }
0xbb: {  	v22 =	vadd.f32 v22, v21;
	v21 =	vld [tilespmem:s30+$0x9160];
	[tilespmem:s30+$0x120] =	vst v3;
	v3 =	vadd.f32 v12, v11  }
0xbc: {  	v7 =	vld [tilespmem:s30+$0x8D70];
	[tilespmem:s30+$0x150] =	vst v14  }
0xbd: {  	v8 =	vld [tilespmem:s30+$0x1100];
	[tilespmem:s30+$0x140] =	vst v3;
	v3 =	vadd.f32 v16, v15  }
0xbe: {  	v5 =	vadd.f32 v10, v9;
	v9 =	vld [tilespmem:s30+$0x9100];
	[tilespmem:s30+$0x170] =	vst v18  }
0xbf: {  	v10 =	vld [tilespmem:s30+$0x1110];
	[tilespmem:s30+$0x160] =	vst v3;
	v3 =	vadd.f32 v20, v19  }
0xc0: {  	v26 =	vadd.f32 v26, v25;
	v14 =	vld [tilespmem:s30+$0x1130];
	[tilespmem:s30+$0x510] =	vst v22  }
0xc1: {  	v18 =	vld [tilespmem:s30+$0x1150];
	[tilespmem:s30+$0x500] =	vst v3;
	v3 =	vadd.f32 v24, v23  }
0xc2: {  	v30 =	vadd.f32 v30, v29;
	[tilespmem:s30+$0x530] =	vst v26;
	v22 =	vld [tilespmem:s30+$0x1170]  }
0xc3: {  	v19 =	vld [tilespmem:s30+$0x9150];
	[tilespmem:s30+$0x520] =	vst v3;
	v3 =	vadd.f32 v28, v27  }
0xc4: {  	v34 =	vadd.f32 v34, v33;
	[tilespmem:s30+$0x550] =	vst v30;
	v11 =	vld [tilespmem:s30+$0x9110]  }
0xc5: {  	v12 =	vld [tilespmem:s30+$0x1120];
	[tilespmem:s30+$0x540] =	vst v3;
	v3 =	vadd.f32 v32, v31  }
0xc6: {  	[tilespmem:s30+$0x570] =	vst v34;
	v15 =	vld [tilespmem:s30+$0x9130]  }
0xc7: {  	v16 =	vld [tilespmem:s30+$0x1140];
	[tilespmem:s30+$0x560] =	vst v3;
	v3 =	vadd.f32 v36, v35  }
0xc8: {  	[tilespmem:s30+$0x130] =	vst v5;
	v20 =	vld [tilespmem:s30+$0x1160];
	v19 =	vadd.f32 v19, v18  }
0xc9: {  	v24 =	vld [tilespmem:s30+$0x1500];
	[tilespmem:s30+$0x900] =	vst v3;
	v3 =	vadd.f32 v40, v39  }
0xca: {  	[tilespmem:s30+$0x1150] =	vst v19;
	v36 =	vadd.f32 v38, v37;
	v37 =	vld [tilespmem:s30+$0x9170]  }
0xcb: {  	v38 =	vadd.f32 v42, v41;
	v41 =	vld [tilespmem:s30+$0x1510];
	[tilespmem:s30+$0x920] =	vst v3;
	v3 =	vadd.f32 v44, v43  }
0xcc: {  	v42 =	vld [tilespmem:s30+$0x9510];
	[tilespmem:s30+$0x910] =	vst v36  }
0xcd: {  	v35 =	vld [tilespmem:s30+$0x1910];
	[tilespmem:s30+$0x940] =	vst v3;
	v3 =	vadd.f32 v48, v47  }
0xce: {  	v39 =	vld [tilespmem:s30+$0x9500];
	[tilespmem:s30+$0x930] =	vst v38;
	v40 =	vadd.f32 v46, v45  }
0xcf: {  	v45 =	vld [tilespmem:s30+$0x9520];
	[tilespmem:s30+$0x960] =	vst v3;
	v3 =	vadd.f32 v52, v51  }
0xd0: {  	v46 =	vadd.f32 v54, v53;
	v53 =	vld [tilespmem:s30+$0x1550];
	[tilespmem:s30+$0x950] =	vst v40  }
0xd1: {  	v54 =	vld [tilespmem:s30+$0x9550];
	[tilespmem:s30+$0xD00] =	vst v3;
	v3 =	vadd.f32 v56, v55  }
0xd2: {  	v36 =	vld [tilespmem:s30+$0x9910];
	v43 =	vadd.f32 v50, v49;
	[tilespmem:s30+$0xD10] =	vst v46  }
0xd3: {  	v38 =	vld [tilespmem:s30+$0x1920];
	[tilespmem:s30+$0xD20] =	vst v3;
	v3 =	vadd.f32 v60, v59  }
0xd4: {  	v44 =	vld [tilespmem:s30+$0x1520];
	v49 =	vadd.f32 v58, v57;
	[tilespmem:s30+$0x970] =	vst v43  }
0xd5: {  	v50 =	vld [tilespmem:s30+$0x1540];
	[tilespmem:s30+$0xD40] =	vst v3;
	v3 =	vadd.f32 v4, v63  }
0xd6: {  	v57 =	vld [tilespmem:s30+$0x9560];
	v58 =	vadd.f32 v11, v10;
	[tilespmem:s30+$0xD30] =	vst v49  }
0xd7: {  	v46 =	vld [tilespmem:s30+$0x9950];
	[tilespmem:s30+$0xD60] =	vst v3;
	v3 =	vadd.f32 v9, v8  }
0xd8: {  	v37 =	vadd.f32 v37, v22;
	v40 =	vadd.f32 v42, v41;
	v41 =	vld [tilespmem:s30+$0x1930];
	[tilespmem:s30+$0x1110] =	vst v58  }
0xd9: {  	v42 =	vld [tilespmem:s30+$0x9930];
	[tilespmem:s30+$0x1100] =	vst v3;
	v3 =	vadd.f32 v13, v12  }
0xda: {  	v47 =	vld [tilespmem:s30+$0x1530];
	[tilespmem:s30+$0x1170] =	vst v37  }
0xdb: {  	v48 =	vld [tilespmem:s30+$0x9530];
	[tilespmem:s30+$0x1120] =	vst v3;
	v3 =	vadd.f32 v17, v16  }
0xdc: {  	v49 =	vld [tilespmem:s30+$0x9960];
	[tilespmem:s30+$0x1510] =	vst v40;
	v52 =	vadd.f32 v62, v61  }
0xdd: {  	v51 =	vld [tilespmem:s30+$0x9540];
	[tilespmem:s30+$0x1140] =	vst v3;
	v3 =	vadd.f32 v21, v20  }
0xde: {  	v61 =	vadd.f32 v15, v14;
	v62 =	vld [tilespmem:s30+$0x1900];
	[tilespmem:s30+$0xD50] =	vst v52  }
0xdf: {  	v56 =	vld [tilespmem:s30+$0x1560];
	[tilespmem:s30+$0x1160] =	vst v3;
	v3 =	vadd.f32 v39, v24  }
0xe0: {  	v55 =	vadd.f32 v7, v6;
	[tilespmem:s30+$0x1130] =	vst v61;
	v52 =	vld [tilespmem:s30+$0x9970]  }
0xe1: {  	v43 =	vadd.f32 v48, v47;
	v47 =	vld [tilespmem:s30+$0x1960];
	[tilespmem:s30+$0x1500] =	vst v3;
	v3 =	vadd.f32 v45, v44  }
0xe2: {  	[tilespmem:s30+$0xD70] =	vst v55;
	v63 =	vld [tilespmem:s30+$0x9900]  }
0xe3: {  	v59 =	vld [tilespmem:s30+$0x1570];
	[tilespmem:s30+$0x1520] =	vst v3;
	v3 =	vadd.f32 v51, v50  }
0xe4: {  	[tilespmem:s30+$0x1530] =	vst v43;
	v4 =	vadd.f32 v54, v53;
	v39 =	vld [tilespmem:s30+$0x9920]  }
0xe5: {  	v60 =	vld [tilespmem:s30+$0x9570];
	[tilespmem:s30+$0x1540] =	vst v3;
	v3 =	vadd.f32 v57, v56  }
0xe6: {  	v54 =	vadd.f32 v42, v41;
	[tilespmem:s30+$0x1550] =	vst v4;
	v45 =	vld [tilespmem:s30+$0x1950]  }
0xe7: {  	v53 =	vld [tilespmem:s30+$0x9940];
	[tilespmem:s30+$0x1560] =	vst v3;
	v3 =	vadd.f32 v63, v62  }
0xe8: {  	[tilespmem:s30+$0x1930] =	vst v54;
	v55 =	vadd.f32 v49, v47;
	v50 =	vld [tilespmem:s30+$0x1970]  }
0xe9: {  	v44 =	vld [tilespmem:s30+$0x1940];
	[tilespmem:s30+$0x1900] =	vst v3;
	v3 =	vadd.f32 v39, v38  }
0xea: {  	v48 =	vadd.f32 v60, v59;
	[tilespmem:s30+$0x1960] =	vst v55  }
0xeb: {  	[tilespmem:s30+$0x1920] =	vst v3;
	v3 =	vadd.f32 v46, v45  }
0xec: {  	s2 =	sand.u32 $0x7, s25;
	[tilespmem:s30+$0x1570] =	vst v48;
	v51 =	vadd.f32 v36, v35  }
0xed: {  	s0 =	sshll.u32 s2, $0x7;
	[tilespmem:s30+$0x1950] =	vst v3;
	v3 =	vadd.f32 v52, v50  }
0xee: {  	s0 =	sadd.s32 s0, s28;
	[tilespmem:s30+$0x1910] =	vst v51;
	v56 =	vadd.f32 v53, v44  }
0xef: {  	s2 =	sor.u32 $0x1C00, s0;
	[tilespmem:s30+$0x1970] =	vst v3  }
0xf0: {  	[tilespmem:s30+$0x1940] =	vst v56;
	v3 =	vld [tilespmem:s2+$0x100]  }
0xf1: {  	v4 =	vld [tilespmem:s2+$0x8100];
	_ =	sdelay $0x4  }
0xf2: {  	v3 =	vadd.f32 v4, v3;
	_ =	sdelay $0x1  }
0xf3: {  	s30 =	sor.u32 $0x1C10, s0;
	[tilespmem:s2+$0x100] =	vst v3  }
0xf4: {  	v3 =	vld [tilespmem:s30+$0x100]  }
0xf5: {  	v57 =	vld [tilespmem:s30+$0x8100];
	_ =	sdelay $0x4  }
0xf6: {  	v3 =	vadd.f32 v57, v3;
	_ =	sdelay $0x1  }
0xf7: {  	[tilespmem:s30+$0x100] =	vst v3;
	s30 =	sor.u32 $0x1C20, s0  }
0xf8: {  	v3 =	vld [tilespmem:s30+$0x100]  }
0xf9: {  	v58 =	vld [tilespmem:s30+$0x8100];
	_ =	sdelay $0x4  }
0xfa: {  	v3 =	vadd.f32 v58, v3;
	_ =	sdelay $0x1  }
0xfb: {  	[tilespmem:s30+$0x100] =	vst v3;
	s30 =	sor.u32 $0x1C30, s0  }
0xfc: {  	v3 =	vld [tilespmem:s30+$0x100]  }
0xfd: {  	v59 =	vld [tilespmem:s30+$0x8100];
	_ =	sdelay $0x4  }
0xfe: {  	v3 =	vadd.f32 v59, v3;
	_ =	sdelay $0x1  }
0xff: {  	[tilespmem:s30+$0x100] =	vst v3;
	s30 =	sor.u32 $0x1C40, s0  }
0x100: {  	v3 =	vld [tilespmem:s30+$0x100]  }
0x101: {  	v60 =	vld [tilespmem:s30+$0x8100];
	_ =	sdelay $0x4  }
0x102: {  	v3 =	vadd.f32 v60, v3;
	_ =	sdelay $0x1  }
0x103: {  	[tilespmem:s30+$0x100] =	vst v3;
	s30 =	sor.u32 $0x1C50, s0  }
0x104: {  	v3 =	vld [tilespmem:s30+$0x100]  }
0x105: {  	v61 =	vld [tilespmem:s30+$0x8100];
	_ =	sdelay $0x4  }
0x106: {  	v3 =	vadd.f32 v61, v3;
	_ =	sdelay $0x1  }
0x107: {  	[tilespmem:s30+$0x100] =	vst v3;
	s30 =	sor.u32 $0x1C60, s0  }
0x108: {  	v3 =	vld [tilespmem:s30+$0x100]  }
0x109: {  	v62 =	vld [tilespmem:s30+$0x8100];
	_ =	sdelay $0x4  }
0x10a: {  	v3 =	vadd.f32 v62, v3;
	_ =	sdelay $0x1  }
0x10b: {  	s0 =	sor.u32 $0x1C70, s0;
	[tilespmem:s30+$0x100] =	vst v3  }
0x10c: {  	v3 =	vld [tilespmem:s0+$0x100]  }
0x10d: {  	v63 =	vld [tilespmem:s0+$0x8100];
	_ =	sdelay $0x1  }
0x10e: {  	p0 =	sne.s32 s29, $0xF80  }
.Ltmp0:
0x10f: {  	_ = 	snop;
	(pc) =	sbr.rel @p0 .LBB2_3-.Ltmp0, $4  }
0x110: {  	_ = 	snop  }
0x111: {  	v3 =	vadd.f32 v63, v3  }
0x112: {  	s25 =	sadd.s32 $0x1, s25  }
0x113: {  	s26 =	sadd.s32 $0x400, s26;
	s29 =	sadd.s32 $0x80, s29;
	s28 =	sadd.s32 $0x400, s28;
	[tilespmem:s0+$0x100] =	vst v3  }
0x114: {  	s0 =	sadd.s32 s4, s24;
	s23 =	sadd.s32 $0x1, s23  }
0x115: {  	s2 =	rddreg [dreg:$0x1];
	s0 =	sshll.u32 s0, $0x7;
	p0 =	sne.s32 s23, $0x4  }
.Ltmp1:
0x116: {  	s0 =	sadd.s32 s2, s0;
	(pc) =	sbr.rel @p0 .LBB2_2-.Ltmp1, $4  }
0x117: {  	[hbm4b:s0+s13] =	stream.linear.scatter [tilespmem:s14], [sflag:$0x2], $0x8000, $0x38;
	[tilespmem:$0x10100] =	vst v63  }
0x118: {  	_ =	swait.ge [sflag:s12], $0x8000  }
0x119: {  	[sflag:s12] =	ssyncset.done $0x0  }
0x11a: {  	[sflag:s12] =	ssyncadd.s32 $0xFFFF8000  }
0x11b: {  	s2 =	rddreg [dreg:$0x6]  }
0x11c: {  	s0 =	rddreg [dreg:$0x5];
	s2 =	sadd.s32 $0x1, s2  }
0x11d: {  	p0 =	sne.s32 s2, s0  }
.Ltmp2:
0x11e: {  	_ = 	snop;
	(pc) =	sbr.rel @p0 .LBB2_1-.Ltmp2, $1  }
0x11f: {  	_ =	sdelay $0x3  }
0x120: {  	_ =	sfence.sel $0x180000  }
0x121: {  	[bflag:$0x0] =	sbarrier.arrive $0xFFFF  }
0x122: {  	_ =	strace $0x9000004D  }
0x123: {  	s0 =	stileid.u32;
	[bflag:$0x2] =	sbarrier.arrive $0xFFFF  }
0x124: {  	p0 =	sne.s32 s0, $0x0;
	s0 =	rddreg [dreg:$0x2]  }
0x125: {  	s0 =	sadd.s32 @!p0 $0x100000, s0  }
0x126: {  	[sflag:s0] =	ssyncadd.tile.s32 @!p0 $0x1;
	_ =	shalt  }
.Lfunc_end2:
_tile_overlayer_lowered:
.L_overlay_start_2:
0x127: {  	(tag) =	ssettag $0x2  }
0x128: {  	s0 =	rddreg [dreg:$0x0];
	s2 =	stileid.u32  }
0x129: {  	s1 =	rddreg [dreg:$0x1];
	p0 =	sne.s32 s2, $0x0  }
0x12a: {  	s3 =	rddreg [dreg:$0x2];
	[bflag:$0x3] =	sbarrier.arrive $0xFFFF;
	s2 =	simm.s32 @!p0 $0x1C02  }
0x12b: {  	[timem:s3], [sflag:s2] =	dma.local @!p0 [hbm:s0], s1  }
0x12c: {  	s0 =	simm.s32 @!p0 $0x2  }
0x12d: {  	_ =	swait.ge @!p0 [sflag:s0], s1  }
0x12e: {  	s1 =	ssub.s32 @!p0 $0x0, s1;
	[sflag:s0] =	ssyncset.done @!p0 $0x0  }
0x12f: {  	[sflag:s0] =	ssyncadd.s32 @!p0 s1  }
0x130: {  	[bflag:$0x3] =	sbarrier.arrive $0xFFFF  }
0x131: {  	_ =	shalt  }

// kernel: kernel.7.cloned.1.call-start
scs
__scs_entry_jumppad:
0x0: {  	(pc) =	sbr.rel $0x88, $3  }
0x1: {  	(tag) =	ssettag $0x0;
	lr =	simm.s32 $0x1  }
0x2: {  	[smem:$0x3F9C] =	sst lr;
	_ =	strace $0xD0000000  }
0x3: {  	_ = 	snop  }
0x4: {  	_ = 	snop  }
0x5: {  	_ = 	snop  }
0x6: {  	_ = 	snop  }
0x7: {  	_ = 	snop  }
__scs_overlays_trampoline_lowered:
0x8: {  	[smem:$0x3FAB] =	sst s0  }
0x9: {  	[smem:$0x3FAC] =	sst s1  }
0xa: {  	[smem:$0x3FAD] =	sst s2  }
0xb: {  	[smem:$0x3FAE] =	sst s3  }
0xc: {  	[smem:$0x3FAF] =	sst s4  }
0xd: {  	[smem:$0x3FB0] =	sst s5  }
0xe: {  	[smem:$0x3FB1] =	sst s6  }
0xf: {  	[smem:$0x3FB2] =	sst s7  }
0x10: {  	[smem:$0x3FB3] =	sst s8  }
0x11: {  	[smem:$0x3FB4] =	sst s9;
	s0 =	simm.s32 @!p0 $0x0  }
0x12: {  	s1 =	sld [smem:$0x3F9A];
	s0 =	simm.s32 @p0 $0x1  }
0x13: {  	[smem:$0x3FB5] =	sst s0;
	s0 =	simm.s32 @!p1 $0x0  }
0x14: {  	s2 =	sld [smem:$0x3F99];
	s0 =	simm.s32 @p1 $0x1  }
0x15: {  	[smem:$0x3FB6] =	sst s0;
	s0 =	simm.s32 @!p2 $0x0  }
0x16: {  	s3 =	sld [smem:$0x3FDB];
	s0 =	simm.s32 @p2 $0x1  }
0x17: {  	s4 =	simm.s32 $0x1BF5;
	[smem:$0x3FB8] =	sst s0  }
0x18: {  	s0 =	sld [smem:$0x3F9B];
	_ =	swait.ge [sflag:s4], $0x0  }
0x19: {  	s7 =	sld [smem:$0x3F9C]  }
0x1a: {  	s8 =	sadd.s32 $0xFFFFE003, lr  }
0x1b: {  	s9 =	sadd.s32 $0xFFFFFEF7, lr;
	s5 =	simm.s32 $0xFFFFFFFF;
	p2 =	slt.u32 s8, $0xFFFFF086  }
0x1c: {  	p1 =	slt.u32 s9, $0xF7A;
	s5 =	simm.s32 @!p2 $0x0  }
0x1d: {  	s5 =	simm.s32 @p1 $0x1;
	p0 =	seq.s32 s7, s2  }
0x1e: {  	s7 =	smul.u32 @!p0 $0xF7A, s2;
	p2 =	seq.s32 @!p0 s5, $0x0  }
0x1f: {  	s9 =	smul.u32 $0xF7A, s1;
	s8 =	simm.s32 @!p0 $0x1BF5;
	p2 =	por !p2, p0  }
0x20: {  	[sflag:s8] =	ssyncset.s32 @!p0 $0xFFFFF086;
	s6 =	sadd.s32 @!p0 s3, s7;
	s7 =	simm.s32 @!p0 $0x108  }
0x21: {  	s3 =	sadd.s32 s3, s9;
	s6 =	sadd.s32 @!p0 $0x88, s6;
	s7 =	simm.s32 @p2 $0x1082  }
0x22: {  	[simem:s7], [sflag:s8] =	dma.local @!p0 [hbm:s6], $0xF7A  }
0x23: {  	s9 =	sor.u32 $0xD0000000, s2;
	s6 =	simm.s32 $0x108;
	_ =	swait.ge @!p0 [sflag:s8], $0x0  }
0x24: {  	s3 =	sadd.s32 $0x88, s3;
	s6 =	simm.s32 @!p1 $0x1082;
	[sflag:s4] =	ssyncset.s32 $0xFFFFF086  }
0x25: {  	[simem:s6], [sflag:s4] =	dma.local [hbm:s3], $0xF7A  }
0x26: {  	[smem:$0x3F9C] =	sst s1;
	(tag) =	ssettag s2;
	_ =	strace s9  }
0x27: {  	s1 =	sld [smem:$0x3FAC]  }
0x28: {  	s2 =	sld [smem:$0x3FAD]  }
0x29: {  	s4 =	sld [smem:$0x3FAF]  }
0x2a: {  	p0 =	seq.s32 s5, $0x0;
	s5 =	sld [smem:$0x3FB0]  }
0x2b: {  	s6 =	sld [smem:$0x3FB1]  }
0x2c: {  	s7 =	sld [smem:$0x3FB2]  }
0x2d: {  	s3 =	simm.s32 $0x108;
	s8 =	sld [smem:$0x3FB3]  }
0x2e: {  	s3 =	simm.s32 @!p0 $0x1082;
	s9 =	sld [smem:$0x3FB4]  }
0x2f: {  	lr =	sadd.s32 s0, s3;
	s0 =	sld [smem:$0x3FAB]  }
0x30: {  	s3 =	sld [smem:$0x3FAE]  }
0x31: {  	[smem:$0x3FB7] =	sst s10  }
0x32: {  	s10 =	sld [smem:$0x3FB5];
	_ =	sdelay $0x3  }
0x33: {  	p0 =	seq.s32 s10, $0x1;
	s10 =	sld [smem:$0x3FB7];
	_ =	sdelay $0x3  }
0x34: {  	[smem:$0x3FB7] =	sst s10  }
0x35: {  	s10 =	sld [smem:$0x3FB6];
	_ =	sdelay $0x3  }
0x36: {  	p1 =	seq.s32 s10, $0x1;
	s10 =	sld [smem:$0x3FB7];
	_ =	sdelay $0x3  }
0x37: {  	[smem:$0x3FB7] =	sst s10  }
0x38: {  	s10 =	sld [smem:$0x3FB8]  }
0x39: {  	_ = 	snop;
	(pc) =	sbr.ind lr, $3  }
0x3a: {  	_ = 	snop  }
0x3b: {  	_ = 	snop  }
0x3c: {  	p2 =	seq.s32 s10, $0x1;
	s10 =	sld [smem:$0x3FB7]  }
0x3d: {  	_ =	shalt  }
0x3e: {  	_ =	shalt  }
0x3f: {  	_ =	shalt  }
0x40: {  	_ =	shalt  }
0x41: {  	_ =	shalt  }
0x42: {  	_ =	shalt  }
0x43: {  	_ =	shalt  }
0x44: {  	_ =	shalt  }
0x45: {  	_ =	shalt  }
0x46: {  	_ =	shalt  }
0x47: {  	_ =	shalt  }
0x48: {  	_ =	shalt  }
0x49: {  	_ =	shalt  }
0x4a: {  	_ =	shalt  }
0x4b: {  	_ =	shalt  }
0x4c: {  	_ =	shalt  }
0x4d: {  	_ =	shalt  }
0x4e: {  	_ =	shalt  }
0x4f: {  	_ =	shalt  }
0x50: {  	_ =	shalt  }
0x51: {  	_ =	shalt  }
0x52: {  	_ =	shalt  }
0x53: {  	_ =	shalt  }
0x54: {  	_ =	shalt  }
0x55: {  	_ =	shalt  }
0x56: {  	_ =	shalt  }
0x57: {  	_ =	shalt  }
0x58: {  	_ =	shalt  }
0x59: {  	_ =	shalt  }
0x5a: {  	_ =	shalt  }
0x5b: {  	_ =	shalt  }
0x5c: {  	_ =	shalt  }
0x5d: {  	_ =	shalt  }
0x5e: {  	_ =	shalt  }
0x5f: {  	_ =	shalt  }
0x60: {  	_ =	shalt  }
0x61: {  	_ =	shalt  }
0x62: {  	_ =	shalt  }
0x63: {  	_ =	shalt  }
0x64: {  	_ =	shalt  }
0x65: {  	_ =	shalt  }
0x66: {  	_ =	shalt  }
0x67: {  	_ =	shalt  }
0x68: {  	_ =	shalt  }
0x69: {  	_ =	shalt  }
0x6a: {  	_ =	shalt  }
0x6b: {  	_ =	shalt  }
0x6c: {  	_ =	shalt  }
0x6d: {  	_ =	shalt  }
0x6e: {  	_ =	shalt  }
0x6f: {  	_ =	shalt  }
0x70: {  	_ =	shalt  }
0x71: {  	_ =	shalt  }
0x72: {  	_ =	shalt  }
0x73: {  	_ =	shalt  }
0x74: {  	_ =	shalt  }
0x75: {  	_ =	shalt  }
0x76: {  	_ =	shalt  }
0x77: {  	_ =	shalt  }
0x78: {  	_ =	shalt  }
0x79: {  	_ =	shalt  }
0x7a: {  	_ =	shalt  }
0x7b: {  	_ =	shalt  }
0x7c: {  	_ =	shalt  }
0x7d: {  	_ =	shalt  }
0x7e: {  	_ =	shalt  }
0x7f: {  	_ =	shalt  }
0x80: {  	_ =	shalt  }
0x81: {  	_ =	shalt  }
0x82: {  	_ =	shalt  }
0x83: {  	_ =	shalt  }
0x84: {  	_ =	shalt  }
0x85: {  	_ =	shalt  }
0x86: {  	_ =	shalt  }
0x87: {  	_ =	shalt  }
.Lfunc_end0:
.L_simem_size_0:
called_computation_lowered:
.L_overlay_start_0:
0x88: {  	s2 =	sld [smem:$0x3FD9]  }
0x89: {  	s3 =	sld [smem:$0x3FFE];
	_ =	sdelay $0x1  }
0x8a: {  	s1 =	srdreg.scid  }
0x8b: {  	s0 =	sand.u32 $0x1, s1  }
0x8c: {  	s14 =	sshll.u32 s0, $0xA;
	s2 =	sadd.s32 s3, s2  }
0x8d: {  	s2 =	sadd.s32 s2, s14  }
0x8e: {  	[smem:$0x3FC3] =	sst s2  }
0x8f: {  	_ = 	snop  }
0x90: {  	s2 =	sld [smem:$0x3FD0];
	_ =	sdelay $0x2  }
0x91: {  	s15 =	simm.s32 $0xA;
	s4 =	simm.s32 $0x10  }
0x92: {  	[smem:s4], [sflag:s15] =	dma.local [hbm:s2], $0x1  }
0x93: {  	_ =	swait.eq [sflag:s15], $0x1  }
0x94: {  	[sflag:s15] =	ssyncset.done $0x0  }
0x95: {  	s16 =	sld [smem:$0x10];
	[sflag:s15] =	ssyncadd.s32 $0xFFFFFFFF  }
0x96: {  	s17 =	sld [smem:$0x11];
	(tm) =	ssettm $0x1  }
0x97: {  	s18 =	sld [smem:$0x3FFB];
	_ =	sdelay $0x3  }
0x98: {  	_ =	strace s18  }
0x99: {  	s4 =	sld [smem:$0x3FFC];
	_ =	sdelay $0x3  }
0x9a: {  	_ =	strace s4  }
0x9b: {  	s4 =	sld [smem:$0x3FFD];
	_ =	sdelay $0x3  }
0x9c: {  	_ =	strace s4  }
0x9d: {  	_ =	strace $0x8FFFFFFF  }
0x9e: {  	s19 =	sld [smem:$0x3FDB];
	_ =	sdelay $0x1  }
0x9f: {  	s5 =	simm.s32 $_scs_section_size  }
0xa0: {  	s6 =	simm.s32 $_size__tile_overlayer_lowered;
	s7 =	simm.s32 $_tile_overlayer_lowered  }
0xa1: {  	s22 =	simm.s32 $0x1BFF;
	s21 =	sshll.u32 s7, $0x1;
	s4 =	sadd.s32 s5, s19  }
0xa2: {  	s8 =	simm.s32 $0x0;
	s20 =	sshll.u32 s6, $0x1;
	s6 =	sadd.s32 s21, s4  }
0xa3: {  	[timem:s8], [sflag:s22] =	dma.local [hbm:s6], s20  }
0xa4: {  	_ =	swait.ge [sflag:s22], s20  }
0xa5: {  	s5 =	ssub.s32 $0x0, s20;
	[sflag:s22] =	ssyncset.done $0x0  }
0xa6: {  	[sflag:s22] =	ssyncadd.s32 s5;
	_ =	sdelay $0x1  }
0xa7: {  	s23 =	simm.s32 $0x1B8B  }
0xa8: {  	_ =	swait.ge [sflag:s23], $0x1  }
0xa9: {  	[sflag:s23] =	ssyncset.done $0x0  }
0xaa: {  	s25 =	simm.s32 $0x1B8E;
	s24 =	sld [smem:$0x3FFE];
	[sflag:s23] =	ssyncadd.s32 $0xFFFFFFFF  }
0xab: {  	s26 =	simm.s32 $execute0_lowered;
	[smem:$0x3FD2] =	sst s25  }
0xac: {  	s6 =	sshll.u32 s26, $0x1;
	_ =	strace $0x80000046;
	[dreg:$0x1] =	wrdreg $0xFFFFFFFF  }
0xad: {  	s28 =	simm.s32 $_size_execute0_lowered;
	s4 =	sadd.s32 s4, s6;
	[dreg:$0x0] =	wrdreg $0x0  }
0xae: {  	s6 =	sshll.u32 s28, $0x1;
	[dreg:$0x2] =	wrdreg s4  }
0xaf: {  	[dreg:$0x3] =	wrdreg s6  }
0xb0: {  	[dreg:$0x4] =	wrdreg $0xC0  }
0xb1: {  	_ =	task [dreg:s8], $0x5FFFF  }
0xb2: {  	[dreg:$0x1] =	wrdreg $0xFFFFFFFF  }
0xb3: {  	[dreg:$0x0] =	wrdreg $0x60  }
0xb4: {  	[dreg:$0x2] =	wrdreg s24  }
0xb5: {  	[dreg:$0x3] =	wrdreg s16  }
0xb6: {  	[dreg:$0x4] =	wrdreg s17  }
0xb7: {  	[dreg:$0x5] =	wrdreg $0x9  }
0xb8: {  	_ =	task.clear_ibuf [dreg:s8], $0x6FFFF;
	_ =	strace $0x90000046  }
0xb9: {  	s29 =	simm.s32 $0x9;
	_ =	strace $0x80000048  }
0xba: {  	_ =	swait.ge [sflag:s29], $0x1  }
0xbb: {  	[sflag:s29] =	ssyncadd.s32 $0xFFFFFFFF  }
0xbc: {  	_ =	strace $0x90000048  }
0xbd: {  	_ =	sfence  }
0xbe: {  	s30 =	sld [smem:$0x0];
	_ =	sdelay $0x2  }
0xbf: {  	s31 =	sshll.u32 s1, $0xD;
	s1 =	sshrl.u32 s1, $0x2  }
0xc0: {  	s3 =	sand.u32 $0x4000, s31;
	s1 =	sadd.s32 s1, s30  }
0xc1: {  	s0 =	sor.u32 s3, s0;
	s1 =	sshll.u32 s1, $0x11  }
0xc2: {  	s0 =	sor.u32 s1, s0  }
0xc3: {  	s0 =	sadd.s32 $0x8F2B, s0  }
0xc4: {  	[sflag:s0] =	ssyncadd.remote.s32 $0x1  }
0xc5: {  	_ =	sfence.sel $0xFFFF  }
0xc6: {  	[dreg:$0x0] =	wrdreg $0xFFFFFFFF;
	(pc) =	sbr.abs _section_cstart, $3  }
0xc7: {  	[dreg:$0x1] =	wrdreg $0xFFFFFFFF  }
0xc8: {  	_ =	task.clear_ibuf [dreg:s8], $0x2FFFF;
	_ =	strace $0x9FFFFFFF  }
0xc9: {  	(tm) =	ssettm $0x7FFFFFFF  }
tec
execute0_lowered:
.L_overlay_start_1:
0x0: {  	(tag) =	ssettag $0x1  }
0x1: {  	s4 =	rddreg [dreg:$0x0]  }
0x2: {  	s16 =	rddreg [dreg:$0x1]  }
0x3: {  	s1 =	rddreg [dreg:$0x2]  }
0x4: {  	s0 =	rddreg [dreg:$0x3];
	s2 =	simm.s32 $0x0;
	s3 =	srdreg.scid  }
0x5: {  	s20 =	simm.s32 $0x80;
	s21 =	simm.s32 $0x500;
	s22 =	simm.s32 $0x1  }
0x6: {  	s23 =	simm.s32 $0x700;
	s24 =	simm.s32 $0x580;
	s25 =	simm.s32 $0x600  }
0x7: {  	s26 =	simm.s32 $0x680;
	s28 =	simm.s32 $0x0;
	[smem:$0x7FF] =	sst s2  }
0x8: {  	s17 =	sand.u32 $0x1, s3;
	s3 =	stileid.u32;
	s15 =	sadd.s32 $0x2000, s4  }
0x9: {  	s4 =	sadd.s32 $0x14000, s4;
	_ =	strace $0x80000047;
	s5 =	ssub.s32 $0x2, s17  }
0xa: {  	s7 =	smul.u32 $0x50, s3;
	s14 =	sshll.u32 s3, $0x9;
	p0 =	sne.s32 s17, $0x0  }
0xb: {  	s17 =	simm.s32 $0x2;
	s6 =	sshrl.u32 s5, $0x1;
	s9 =	sadd.s32 s15, s14  }
0xc: {  	s12 =	sor.u32 $0x80, s14;
	s10 =	sadd.s32 s16, s14;
	s18 =	sor.u32 $0x100, s14  }
.Ltmp0:
0xd: {  	s19 =	sor.u32 $0x180, s14;
	s8 =	ssub.s32 s5, s6;
	(pc) =	sbr.rel .LBB2_1-.Ltmp0, $4  }
0xe: {  	s5 =	sadd.s32 s1, s7;
	s6 =	sadd.s32 s4, s7;
	s7 =	sand.u32 $0xE00, s14  }
0xf: {  	s11 =	sadd.s32 s15, s12;
	s12 =	sadd.s32 s16, s12;
	s13 =	sadd.s32 s15, s18  }
0x10: {  	s14 =	sadd.s32 s16, s18;
	s15 =	sadd.s32 s15, s19;
	s16 =	sadd.s32 s16, s19  }
0x11: {  	v0 =	vimm.s32 $0x0;
	v1 =	vimm.f32 $0.0e+00;
	v2 =	vlaneseq.u32;
	s18 =	simm.s32 $0x280;
	s19 =	simm.s32 $0x780;
	s8 =	smax.u32 s8, $0x1  }
.LBB2_7:
0x12: {  	[bflag:$0x0] =	sbarrier.arrive $0xFFFF  }
.LBB2_8:
0x13: {  	s28 =	sadd.s32 $0x1, s28  }
0x14: {  	p1 =	sne.s32 s28, s8  }
.Ltmp1:
0x15: {  	_ = 	snop;
	(pc) =	sbr.rel @!p1 .LBB2_9-.Ltmp1, $1  }
0x16: {  	_ =	sdelay $0x3  }
.LBB2_1:
.Ltmp2:
0x17: {  	(pc) =	sbr.rel @p0 .LBB2_7-.Ltmp2, $1  }
0x18: {  	_ =	sdelay $0x3  }
0x19: {  	s29 =	simm.s32 $0x40;
	s30 =	simm.s32 $0x0  }
.LBB2_3:
0x1a: {  	p1 =	sne.s32 s29, $0x9C0;
	[tilespmem:s30+$0x0] =	vst v0;
	s31 =	smov.u32 s29;
	s29 =	sadd.s32 $0x40, s29  }
.Ltmp3:
0x1b: {  	[tilespmem:s30+$0x280] =	vst v1;
	(pc) =	sbr.rel @p1 .LBB2_3-.Ltmp3, $2  }
0x1c: {  	_ =	sdelay $0x2  }
0x1d: {  	s30 =	sshra.s32 s31, $0x2  }
0x1e: {  	[tilespmem:s30+$0x0] =	vst v0  }
0x1f: {  	[tilespmem:s30+$0x280] =	vst v1;
	s29 =	simm.s32 $0x0  }
0x20: {  	[hbm4b:s5+s29] =	stream.linear.scatter [tilespmem:s29], [sflag:$0x2], $0x280, $0x38;
	[tilespmem:$0x800] =	vst v63  }
0x21: {  	_ =	swait.ge [sflag:s17], $0x280  }
0x22: {  	[sflag:s17] =	ssyncset.done $0x0  }
0x23: {  	[sflag:s17] =	ssyncadd.s32 $0xFFFFFD80  }
0x24: {  	[hbm4b:s6+s29] =	stream.linear.scatter [tilespmem:s18], [sflag:$0x2], $0x280, $0x38;
	[tilespmem:$0x800] =	vst v63  }
0x25: {  	_ =	swait.ge [sflag:s17], $0x280  }
0x26: {  	[sflag:s17] =	ssyncset.done $0x0  }
0x27: {  	s31 =	simm.s32 $0x0;
	[sflag:s17] =	ssyncadd.s32 $0xFFFFFD80  }
0x28: {  	v3 =	vor.u32 s7, v2;
	s30 =	smov.u32 s7;
	s29 =	simm.s32 $0x40;
	[bflag:$0x0] =	sbarrier.arrive $0xFFFF  }
.LBB2_5:
0x29: {  	p1 =	sne.s32 s29, $0x7C0  }
0x2a: {  	[tilespmem:s31+$0x500] =	vst v3;
	s30 =	sadd.s32 $0x10, s30;
	s31 =	smov.u32 s29;
	s29 =	sadd.s32 $0x40, s29  }
.Ltmp4:
0x2b: {  	(pc) =	sbr.rel @p1 .LBB2_5-.Ltmp4, $2  }
0x2c: {  	_ =	sdelay $0x2  }
0x2d: {  	v3 =	vor.u32 s30, v2;
	s31 =	sshra.s32 s31, $0x2  }
0x2e: {  	[tilespmem:s31+$0x500] =	vst v3  }
0x2f: {  	[tilespmem:s19], [sflag:$0x2] =	stream.linear.gather [hbm4b:s9+s2], $0x80, $0x38;
	[tilespmem:$0x800] =	vst v63  }
0x30: {  	_ =	swait.ge [sflag:s17], $0x80  }
0x31: {  	[sflag:s17] =	ssyncset.done $0x0  }
0x32: {  	[sflag:s17] =	ssyncadd.s32 $0xFFFFFF80  }
0x33: {  	[hbm4b:s1+s20] =	stream.indirect.scatter [tilespmem:s21], [sflag:$0x1], $0x1, s19, s20, $0xb8;
	[tilespmem:$0x800] =	vst v63  }
0x34: {  	_ =	swait.ge [sflag:s22], $0x80  }
0x35: {  	[sflag:s22] =	ssyncset.done $0x0  }
0x36: {  	[sflag:s22] =	ssyncadd.s32 $0xFFFFFF80  }
0x37: {  	[tilespmem:s23], [sflag:$0x2] =	stream.linear.gather [hbm4b:s10+s2], $0x80, $0x38;
	[tilespmem:$0x800] =	vst v63  }
0x38: {  	_ =	swait.ge [sflag:s17], $0x80  }
0x39: {  	[sflag:s17] =	ssyncset.done $0x0  }
0x3a: {  	[sflag:s17] =	ssyncadd.s32 $0xFFFFFF80  }
0x3b: {  	[hbm4b:s4+s20] =	stream.indirect.scatter [tilespmem:s23], [sflag:$0x1], $0x1, s19, s20, $0xb8;
	[tilespmem:$0x800] =	vst v63  }
0x3c: {  	_ =	swait.ge [sflag:s22], $0x80  }
0x3d: {  	[sflag:s22] =	ssyncset.done $0x0  }
0x3e: {  	[sflag:s22] =	ssyncadd.s32 $0xFFFFFF80  }
0x3f: {  	[tilespmem:s19], [sflag:$0x2] =	stream.linear.gather [hbm4b:s11+s2], $0x80, $0x38;
	[tilespmem:$0x800] =	vst v63  }
0x40: {  	_ =	swait.ge [sflag:s17], $0x80  }
0x41: {  	[sflag:s17] =	ssyncset.done $0x0  }
0x42: {  	[sflag:s17] =	ssyncadd.s32 $0xFFFFFF80  }
0x43: {  	[hbm4b:s1+s20] =	stream.indirect.scatter [tilespmem:s24], [sflag:$0x1], $0x1, s19, s20, $0xb8;
	[tilespmem:$0x800] =	vst v63  }
0x44: {  	_ =	swait.ge [sflag:s22], $0x80  }
0x45: {  	[sflag:s22] =	ssyncset.done $0x0  }
0x46: {  	[sflag:s22] =	ssyncadd.s32 $0xFFFFFF80  }
0x47: {  	[tilespmem:s23], [sflag:$0x2] =	stream.linear.gather [hbm4b:s12+s2], $0x80, $0x38;
	[tilespmem:$0x800] =	vst v63  }
0x48: {  	_ =	swait.ge [sflag:s17], $0x80  }
0x49: {  	[sflag:s17] =	ssyncset.done $0x0  }
0x4a: {  	[sflag:s17] =	ssyncadd.s32 $0xFFFFFF80  }
0x4b: {  	[hbm4b:s4+s20] =	stream.indirect.scatter [tilespmem:s23], [sflag:$0x1], $0x1, s19, s20, $0xb8;
	[tilespmem:$0x800] =	vst v63  }
0x4c: {  	_ =	swait.ge [sflag:s22], $0x80  }
0x4d: {  	[sflag:s22] =	ssyncset.done $0x0  }
0x4e: {  	[sflag:s22] =	ssyncadd.s32 $0xFFFFFF80  }
0x4f: {  	[tilespmem:s19], [sflag:$0x2] =	stream.linear.gather [hbm4b:s13+s2], $0x80, $0x38;
	[tilespmem:$0x800] =	vst v63  }
0x50: {  	_ =	swait.ge [sflag:s17], $0x80  }
0x51: {  	[sflag:s17] =	ssyncset.done $0x0  }
0x52: {  	[sflag:s17] =	ssyncadd.s32 $0xFFFFFF80  }
0x53: {  	[hbm4b:s1+s20] =	stream.indirect.scatter [tilespmem:s25], [sflag:$0x1], $0x1, s19, s20, $0xb8;
	[tilespmem:$0x800] =	vst v63  }
0x54: {  	_ =	swait.ge [sflag:s22], $0x80  }
0x55: {  	[sflag:s22] =	ssyncset.done $0x0  }
0x56: {  	[sflag:s22] =	ssyncadd.s32 $0xFFFFFF80  }
0x57: {  	[tilespmem:s23], [sflag:$0x2] =	stream.linear.gather [hbm4b:s14+s2], $0x80, $0x38;
	[tilespmem:$0x800] =	vst v63  }
0x58: {  	_ =	swait.ge [sflag:s17], $0x80  }
0x59: {  	[sflag:s17] =	ssyncset.done $0x0  }
0x5a: {  	[sflag:s17] =	ssyncadd.s32 $0xFFFFFF80  }
0x5b: {  	[hbm4b:s4+s20] =	stream.indirect.scatter [tilespmem:s23], [sflag:$0x1], $0x1, s19, s20, $0xb8;
	[tilespmem:$0x800] =	vst v63  }
0x5c: {  	_ =	swait.ge [sflag:s22], $0x80  }
0x5d: {  	[sflag:s22] =	ssyncset.done $0x0  }
0x5e: {  	[sflag:s22] =	ssyncadd.s32 $0xFFFFFF80  }
0x5f: {  	[tilespmem:s19], [sflag:$0x2] =	stream.linear.gather [hbm4b:s15+s2], $0x80, $0x38;
	[tilespmem:$0x800] =	vst v63  }
0x60: {  	_ =	swait.ge [sflag:s17], $0x80  }
0x61: {  	[sflag:s17] =	ssyncset.done $0x0  }
0x62: {  	[sflag:s17] =	ssyncadd.s32 $0xFFFFFF80  }
0x63: {  	[hbm4b:s1+s20] =	stream.indirect.scatter [tilespmem:s26], [sflag:$0x1], $0x1, s19, s20, $0xb8;
	[tilespmem:$0x800] =	vst v63  }
0x64: {  	_ =	swait.ge [sflag:s22], $0x80  }
0x65: {  	[sflag:s22] =	ssyncset.done $0x0  }
0x66: {  	[sflag:s22] =	ssyncadd.s32 $0xFFFFFF80  }
0x67: {  	[tilespmem:s23], [sflag:$0x2] =	stream.linear.gather [hbm4b:s16+s2], $0x80, $0x38;
	[tilespmem:$0x800] =	vst v63  }
0x68: {  	_ =	swait.ge [sflag:s17], $0x80  }
0x69: {  	[sflag:s17] =	ssyncset.done $0x0  }
.Ltmp5:
0x6a: {  	[sflag:s17] =	ssyncadd.s32 $0xFFFFFF80;
	(pc) =	sbr.rel .LBB2_8-.Ltmp5, $4  }
0x6b: {  	[hbm4b:s4+s20] =	stream.indirect.scatter [tilespmem:s23], [sflag:$0x1], $0x1, s19, s20, $0xb8;
	[tilespmem:$0x800] =	vst v63  }
0x6c: {  	_ =	swait.ge [sflag:s22], $0x80  }
0x6d: {  	[sflag:s22] =	ssyncset.done $0x0  }
0x6e: {  	[sflag:s22] =	ssyncadd.s32 $0xFFFFFF80  }
.LBB2_9:
0x6f: {  	_ =	sfence.sel $0x180000  }
0x70: {  	[bflag:$0x0] =	sbarrier.arrive $0xFFFF  }
0x71: {  	p0 =	sne.s32 s3, $0x0;
	_ =	strace $0x90000047  }
0x72: {  	s0 =	sadd.s32 @!p0 $0x100000, s0;
	[bflag:$0x2] =	sbarrier.arrive $0xFFFF  }
0x73: {  	[sflag:s0] =	ssyncadd.tile.s32 @!p0 $0x1;
	_ =	shalt  }
.Lfunc_end2:
_tile_overlayer_lowered:
.L_overlay_start_2:
0x74: {  	(tag) =	ssettag $0x2  }
0x75: {  	s0 =	rddreg [dreg:$0x0];
	s2 =	stileid.u32  }
0x76: {  	s1 =	rddreg [dreg:$0x1];
	p0 =	sne.s32 s2, $0x0  }
0x77: {  	s3 =	rddreg [dreg:$0x2];
	[bflag:$0x3] =	sbarrier.arrive $0xFFFF;
	s2 =	simm.s32 @!p0 $0x1C02  }
0x78: {  	[timem:s3], [sflag:s2] =	dma.local @!p0 [hbm:s0], s1  }
0x79: {  	s0 =	simm.s32 @!p0 $0x2  }
0x7a: {  	_ =	swait.ge @!p0 [sflag:s0], s1  }
0x7b: {  	s1 =	ssub.s32 @!p0 $0x0, s1;
	[sflag:s0] =	ssyncset.done @!p0 $0x0  }
0x7c: {  	[sflag:s0] =	ssyncadd.s32 @!p0 s1  }
0x7d: {  	[bflag:$0x3] =	sbarrier.arrive $0xFFFF  }
0x7e: {  	_ =	shalt  }

</sc_bundles>
